<compile_context>
chip_gen: v7x
topology: tpu7x:2x2x1
jax: 0.10.2.dev20260603
libtpu: 0.0.44.dev20260713+nightly
codegen_flags: <defaults>
</compile_context>

<pallas_src>
import functools

import jax
import jax.numpy as jnp
from jax import lax
from jax.experimental import pallas as pl
from jax.experimental.pallas import tpu as pltpu
from jax.experimental.pallas import tpu_sc as plsc

N = 10000
E = 320000
NFEAT = 128
NHID = 128
NCLASS = 40
NLAYERS = 4
DT = 1.0
ALPHA = 1.0

NC = 2
NS = 16
NW = NC * NS
ECHUNK = 128
NPAD = 10240
EPAD = 327680
CH = EPAD // (NW * ECHUNK)
RPT = NPAD // NS
BLK = 256
GRID = NPAD // BLK

_MESH = plsc.VectorSubcoreMesh(
    core_axis_name="c", subcore_axis_name="s", num_cores=NC, num_subcores=NS)



@functools.partial(
    pl.kernel,
    out_type=jax.ShapeDtypeStruct((NC * NPAD,), jnp.float32),
    mesh=_MESH,
    scratch_types=[
        pltpu.VMEM((CH, ECHUNK), jnp.int32),
        pltpu.VMEM((ECHUNK,), jnp.float32),
        pltpu.VMEM_SHARED((NPAD,), jnp.float32),
    ],
)
def _degree_sc(dsts_hbm, zeros1_hbm, out_hbm, dst_v, ones_v, acc):
    c = lax.axis_index("c")
    s = lax.axis_index("s")
    wid = s * NC + c
    pltpu.sync_copy(zeros1_hbm.at[pl.ds(s * RPT, RPT)], acc.at[pl.ds(s * RPT, RPT)])
    pltpu.sync_copy(dsts_hbm.at[wid], dst_v)
    for i in range(ECHUNK // 16):
        ones_v[pl.ds(i * 16, 16)] = jnp.ones((16,), jnp.float32)
    plsc.subcore_barrier()

    def body(j, carry):
        pltpu.sync_copy(ones_v, acc.at[dst_v.at[j]], add=True)
        return carry

    lax.fori_loop(0, CH, body, 0)
    plsc.subcore_barrier()
    pltpu.sync_copy(acc.at[pl.ds(s * RPT, RPT)],
                    out_hbm.at[pl.ds(c * NPAD + s * RPT, RPT)])


@functools.partial(
    pl.kernel,
    out_type=jax.ShapeDtypeStruct((NC * NPAD, NHID), jnp.float32),
    mesh=_MESH,
    scratch_types=[
        pltpu.VMEM((CH, ECHUNK), jnp.int32),
        pltpu.VMEM((1, ECHUNK), jnp.int32),
        pltpu.VMEM((1, ECHUNK), jnp.int32),
        pltpu.VMEM((ECHUNK, NHID), jnp.float32),
        pltpu.VMEM((ECHUNK, NHID), jnp.float32),
        pltpu.VMEM_SHARED((NPAD, NHID), jnp.float32),
        pltpu.SemaphoreType.DMA,
        pltpu.SemaphoreType.DMA,
    ],
)
def _segsum_sc(y_hbm, srcs_hbm, dsts_hbm, zeros_hbm, out_hbm,
               dst_v, sidx_a, sidx_b, buf_a, buf_b, acc, sem_a, sem_b):
    c = lax.axis_index("c")
    s = lax.axis_index("s")
    wid = s * NC + c
    pltpu.sync_copy(zeros_hbm.at[pl.ds(s * RPT, RPT)], acc.at[pl.ds(s * RPT, RPT)])
    pltpu.sync_copy(dsts_hbm.at[wid], dst_v)
    pltpu.sync_copy(srcs_hbm.at[wid].at[pl.ds(0, 1)], sidx_a)
    plsc.subcore_barrier()

    pltpu.async_copy(y_hbm.at[sidx_a.at[0]], buf_a, sem_a)
    pltpu.sync_copy(srcs_hbm.at[wid].at[pl.ds(1, 1)], sidx_b)
    pltpu.async_copy(y_hbm.at[sidx_b.at[0]], buf_b, sem_b)

    def body(t, carry):
        j = 2 * t
        pltpu.make_async_copy(y_hbm.at[sidx_a.at[0]], buf_a, sem_a).wait()
        pltpu.sync_copy(buf_a, acc.at[dst_v.at[j]], add=True)

        @pl.when(j + 2 < CH)
        def _():
            pltpu.sync_copy(srcs_hbm.at[wid].at[pl.ds(j + 2, 1)], sidx_a)
            pltpu.async_copy(y_hbm.at[sidx_a.at[0]], buf_a, sem_a)

        pltpu.make_async_copy(y_hbm.at[sidx_b.at[0]], buf_b, sem_b).wait()
        pltpu.sync_copy(buf_b, acc.at[dst_v.at[j + 1]], add=True)

        @pl.when(j + 3 < CH)
        def _():
            pltpu.sync_copy(srcs_hbm.at[wid].at[pl.ds(j + 3, 1)], sidx_b)
            pltpu.async_copy(y_hbm.at[sidx_b.at[0]], buf_b, sem_b)

        return carry

    lax.fori_loop(0, CH // 2, body, 0)
    plsc.subcore_barrier()
    pltpu.sync_copy(acc.at[pl.ds(s * RPT, RPT)],
                    out_hbm.at[pl.ds(c * NPAD + s * RPT, RPT)])



def _row_spec(w):
    return pl.BlockSpec((BLK, w), lambda i: (i, 0))


def _full_spec(h, w):
    return pl.BlockSpec((h, w), lambda i: (0, 0))


def _enc_body(x_ref, wenc_ref, benc_ref, d0_ref, d1_ref, wc_ref, wres_ref,
              bcr_ref, x0_ref, y_ref, cc_ref, dinv_ref):
    deg = d0_ref[...] + d1_ref[...] + 1.0
    dinv = lax.rsqrt(deg)
    x = jnp.maximum(
        jnp.dot(x_ref[...], wenc_ref[...], preferred_element_type=jnp.float32)
        + benc_ref[...], 0.0)
    xw = jnp.dot(x, wc_ref[...], preferred_element_type=jnp.float32)
    x0_ref[...] = x
    y_ref[...] = dinv * xw
    cc_ref[...] = bcr_ref[...] - jnp.dot(xw, wres_ref[...],
                                         preferred_element_type=jnp.float32)
    dinv_ref[...] = dinv


_enc_tc = pl.pallas_call(
    _enc_body,
    grid=(GRID,),
    in_specs=[
        _row_spec(NFEAT),
        _full_spec(NFEAT, NHID),
        _full_spec(1, NHID),
        pl.BlockSpec((BLK, 1), lambda i: (i, 0)),
        pl.BlockSpec((BLK, 1), lambda i: (i, 0)),
        _full_spec(NHID, NHID),
        _full_spec(NHID, NHID),
        _full_spec(1, NHID),
    ],
    out_specs=[
        _row_spec(NHID), _row_spec(NHID), _row_spec(NHID),
        pl.BlockSpec((BLK, 1), lambda i: (i, 0)),
    ],
    out_shape=[
        jax.ShapeDtypeStruct((NPAD, NHID), jnp.float32),
        jax.ShapeDtypeStruct((NPAD, NHID), jnp.float32),
        jax.ShapeDtypeStruct((NPAD, NHID), jnp.float32),
        jax.ShapeDtypeStruct((NPAD, 1), jnp.float32),
    ],
)


def _layer_body(s0_ref, s1_ref, y_ref, c_ref, dinv_ref, x_ref, x0_ref,
                eps_ref, wc_ref, wres_ref, bcr_ref,
                x0o_ref, yo_ref, co_ref):
    coeff = 1.0 + jnp.tanh(eps_ref[...])
    dinv = dinv_ref[...]
    pre = dinv * (s0_ref[...] + s1_ref[...] + y_ref[...]) + c_ref[...]
    x0n = (x0_ref[...] * coeff
           + DT * (jnp.maximum(pre, 0.0) - ALPHA * x_ref[...]))
    xw = jnp.dot(x0n, wc_ref[...], preferred_element_type=jnp.float32)
    x0o_ref[...] = x0n
    yo_ref[...] = dinv * xw
    co_ref[...] = bcr_ref[...] - jnp.dot(xw, wres_ref[...],
                                         preferred_element_type=jnp.float32)


_layer_tc = pl.pallas_call(
    _layer_body,
    grid=(GRID,),
    in_specs=[
        _row_spec(NHID), _row_spec(NHID), _row_spec(NHID), _row_spec(NHID),
        pl.BlockSpec((BLK, 1), lambda i: (i, 0)),
        _row_spec(NHID), _row_spec(NHID),
        _full_spec(1, NHID),
        _full_spec(NHID, NHID),
        _full_spec(NHID, NHID),
        _full_spec(1, NHID),
    ],
    out_specs=[_row_spec(NHID), _row_spec(NHID), _row_spec(NHID)],
    out_shape=[
        jax.ShapeDtypeStruct((NPAD, NHID), jnp.float32),
        jax.ShapeDtypeStruct((NPAD, NHID), jnp.float32),
        jax.ShapeDtypeStruct((NPAD, NHID), jnp.float32),
    ],
)


def _final_body(s0_ref, s1_ref, y_ref, c_ref, dinv_ref, x_ref, x0_ref,
                eps_ref, wdec_ref, bdec_ref, out_ref):
    coeff = 1.0 + jnp.tanh(eps_ref[...])
    pre = dinv_ref[...] * (s0_ref[...] + s1_ref[...] + y_ref[...]) + c_ref[...]
    x0n = (x0_ref[...] * coeff
           + DT * (jnp.maximum(pre, 0.0) - ALPHA * x_ref[...]))
    out_ref[...] = jnp.dot(x0n, wdec_ref[...],
                           preferred_element_type=jnp.float32) + bdec_ref[...]


_final_tc = pl.pallas_call(
    _final_body,
    grid=(GRID,),
    in_specs=[
        _row_spec(NHID), _row_spec(NHID), _row_spec(NHID), _row_spec(NHID),
        pl.BlockSpec((BLK, 1), lambda i: (i, 0)),
        _row_spec(NHID), _row_spec(NHID),
        _full_spec(1, NHID),
        _full_spec(NHID, NCLASS),
        _full_spec(1, NCLASS),
    ],
    out_specs=[_row_spec(NCLASS)],
    out_shape=[jax.ShapeDtypeStruct((NPAD, NCLASS), jnp.float32)],
)



def kernel(x, edge_index, W_enc, b_enc, W_conv, b_conv, W_res, b_res,
           W_dec, b_dec, eps):
    f32 = jnp.float32
    src = edge_index[0]
    dst = edge_index[1]
    npad_extra = NPAD - N
    pad = EPAD - E
    ar = jnp.arange(pad, dtype=jnp.int32)
    src_p = jnp.concatenate([src, (ar * 37) % N]).reshape(NW, CH, ECHUNK)
    dst_p = jnp.concatenate([dst, N + (ar % npad_extra)]).reshape(NW, CH, ECHUNK)

    zeros1 = jnp.zeros((NPAD,), f32)
    zeros2 = jnp.zeros((NPAD, NHID), f32)
    x_pad = jnp.concatenate([x, jnp.zeros((npad_extra, NFEAT), f32)], axis=0)

    deg_parts = _degree_sc(dst_p, zeros1).reshape(NC, NPAD, 1)

    wencT = W_enc.T
    wcT = W_conv.T
    wresT = W_res.T
    wdecT = W_dec.T
    bcr = (b_conv - b_res).reshape(1, NHID)

    x0, y, cc, dinv = _enc_tc(
        x_pad, wencT, b_enc.reshape(1, NHID), deg_parts[0], deg_parts[1],
        wcT, wresT, bcr)
    xcur = x0

    for i in range(NLAYERS):
        s_parts = _segsum_sc(y, src_p, dst_p, zeros2).reshape(NC, NPAD, NHID)
        eps_i = eps[i].reshape(1, NHID)
        if i < NLAYERS - 1:
            x0, y, cc = _layer_tc(
                s_parts[0], s_parts[1], y, cc, dinv, xcur, x0,
                eps_i, wcT, wresT, bcr)
            xcur = x0
        else:
            (out,) = _final_tc(
                s_parts[0], s_parts[1], y, cc, dinv, xcur, x0,
                eps_i, wdecT, b_dec.reshape(1, NCLASS))
    return out[:N]

# --- scband reference (transcript-rebuilt; emitter-appended) ---
"""Pipeline reference for scband-lap-gcn-18107582120780 (READ-ONLY COPY).

The authoritative reference and input builder live on the scoring server;
editing this copy changes nothing except your own understanding.
"""

import jax, jax.numpy as jnp
import numpy as np
import math

N = 10000
E = 320000
NFEAT = 128
NHID = 128
NCLASS = 40
NLAYERS = 4
DT = 1.0
ALPHA = 1.0


def setup_inputs(seed: int = 0) -> dict:
    key = jax.random.key(seed)
    ks = jax.random.split(key, 12)
    stdv = 1.0 / math.sqrt(NHID)
    x = jax.random.normal(ks[0], (N, NFEAT), dtype=jnp.float32)
    edge_index = jax.random.randint(ks[1], (2, E), 0, N, dtype=jnp.int32)
    W_enc = jax.random.uniform(ks[2], (NHID, NFEAT), minval=-stdv, maxval=stdv, dtype=jnp.float32)
    b_enc = jax.random.uniform(ks[3], (NHID,), minval=-stdv, maxval=stdv, dtype=jnp.float32)
    W_conv = jax.random.uniform(ks[4], (NHID, NHID), minval=-stdv, maxval=stdv, dtype=jnp.float32)
    b_conv = jax.random.uniform(ks[5], (NHID,), minval=-stdv, maxval=stdv, dtype=jnp.float32)
    W_res = jax.random.uniform(ks[6], (NHID, NHID), minval=-stdv, maxval=stdv, dtype=jnp.float32)
    b_res = jax.random.uniform(ks[7], (NHID,), minval=-stdv, maxval=stdv, dtype=jnp.float32)
    W_dec = jax.random.uniform(ks[8], (NCLASS, NHID), minval=-stdv, maxval=stdv, dtype=jnp.float32)
    b_dec = jax.random.uniform(ks[9], (NCLASS,), minval=-stdv, maxval=stdv, dtype=jnp.float32)
    eps = jnp.zeros((NLAYERS, NHID), dtype=jnp.float32)
    return {"x": x, "edge_index": edge_index, "W_enc": W_enc, "b_enc": b_enc,
            "W_conv": W_conv, "b_conv": b_conv, "W_res": W_res, "b_res": b_res,
            "W_dec": W_dec, "b_dec": b_dec, "eps": eps}


def reference(x, edge_index, W_enc, b_enc, W_conv, b_conv, W_res, b_res, W_dec, b_dec, eps):
    # GCNConv (PyG): add self-loops, symmetric normalization, XW, scatter-add, + bias
    src = edge_index[0]
    dst = edge_index[1]
    loop = jnp.arange(N, dtype=src.dtype)
    src_sl = jnp.concatenate([src, loop])
    dst_sl = jnp.concatenate([dst, loop])
    deg = jnp.zeros((N,), dtype=jnp.float32).at[dst_sl].add(1.0)
    dinv = jnp.where(deg > 0, deg ** -0.5, 0.0)
    norm = dinv[src_sl] * dinv[dst_sl]

    def gcn_conv(X):
        XW = X @ W_conv.T
        msg = XW[src_sl] * norm[:, None]
        out = jnp.zeros((N, NHID), dtype=jnp.float32).at[dst_sl].add(msg)
        return out + b_conv

    # dropout p=0.0 -> identity
    X = jax.nn.relu(x @ W_enc.T + b_enc)
    X0 = X
    for i in range(NLAYERS):
        coeff = 1.0 + jnp.tanh(eps[i])  # [NHID], tiled over nodes
        # res_connection_v1: -res(conv.lin(X)); conv.lin has no bias
        res = -((X @ W_conv.T) @ W_res.T + b_res)
        X0 = X0 * coeff[None, :] + DT * (jax.nn.relu(gcn_conv(X) + res) - ALPHA * X)
        X = X0
    out = X @ W_dec.T + b_dec
    return out


if False:  # reference __main__ guard neutralized (emitter)
    inp = setup_inputs()
    y = reference(**inp)
    print(y.shape)

if __name__ == "__main__":
    import jax
    _d = setup_inputs()
    print(jax.jit(kernel)(*tuple(_d.values())))

</pallas_src>

<mosaic_0001>
#map = affine_map<(d0, d1) -> (0, 0, 0)>
#map1 = affine_map<(d0, d1) -> (0)>
module attributes {stable_mosaic.version = 14 : i64} {
  func.func @_degree_sc(%arg0: i32, %arg1: i32, %arg2: memref<32x80x128xi32, #tpu.memory_space<hbm>>, %arg3: memref<10240xf32, #tpu.memory_space<hbm>>, %arg4: memref<20480xf32, #tpu.memory_space<hbm>>, %arg5: memref<80x128xi32, #tpu.memory_space<vmem>>, %arg6: memref<128xf32, #tpu.memory_space<vmem>>, %arg7: memref<10240xf32, #tpu.memory_space<vmem_shared>>) attributes {dimension_semantics = [#tpu.dimension_semantics<core_parallel>, #tpu.dimension_semantics<subcore_parallel>], iteration_bounds = array<i64: 2, 16>, scalar_prefetch = 0 : i64, scratch_operands = 3 : i64, tpu.core_type = #tpu.core_type<sc_vector_subcore>, window_params = [{transform_indices = #map}, {transform_indices = #map1}, {transform_indices = #map1}]} {
    %mul3A = arith.constant 2 : i32
    %mul3A_0 = arith.muli %arg1, %mul3A : i32
    %add3A = arith.addi %mul3A_0, %arg0 : i32
    %mul3A_1 = arith.constant 640 : i32
    %mul3A_2 = arith.muli %arg1, %mul3A_1 : i32
    %mul3A_3 = arith.constant 640 : i32
    %mul3A_4 = arith.muli %arg1, %mul3A_3 : i32
    "tpu.region"() ({
      %run_scoped3A = tpu.sem_alloc : memref<!tpu.dma_semaphore, #tpu.memory_space<semaphore_mem>>
      %dma_start3A = tpu.memref_slice %arg7[%mul3A_4] : memref<10240xf32, #tpu.memory_space<vmem_shared>> -> memref<640xf32, #tpu.memory_space<vmem_shared>>
      %dma_start3A_64 = tpu.memref_slice %arg3[%mul3A_2] : memref<10240xf32, #tpu.memory_space<hbm>> -> memref<640xf32, #tpu.memory_space<hbm>>
      tpu.enqueue_dma source(%dma_start3A_64 : memref<640xf32, #tpu.memory_space<hbm>>) target(%dma_start3A : memref<640xf32, #tpu.memory_space<vmem_shared>>) target_semaphore(%run_scoped3A : memref<!tpu.dma_semaphore, #tpu.memory_space<semaphore_mem>>)
      %dma_wait3A = tpu.memref_slice %arg7[%mul3A_4] : memref<10240xf32, #tpu.memory_space<vmem_shared>> -> memref<640xf32, #tpu.memory_space<vmem_shared>>
      %dma_wait3A_65 = tpu.memref_slice %arg3[%mul3A_2] : memref<10240xf32, #tpu.memory_space<hbm>> -> memref<640xf32, #tpu.memory_space<hbm>>
      tpu.wait_dma2 semaphore(%run_scoped3A : memref<!tpu.dma_semaphore, #tpu.memory_space<semaphore_mem>>) src(%dma_wait3A_65 : memref<640xf32, #tpu.memory_space<hbm>>) dst(%dma_wait3A : memref<640xf32, #tpu.memory_space<vmem_shared>>)
      tpu.yield
    }) : () -> ()
    "tpu.region"() ({
      %run_scoped3A = tpu.sem_alloc : memref<!tpu.dma_semaphore, #tpu.memory_space<semaphore_mem>>
      %dma_start3A = arith.constant 0 : i32
      %dma_start3A_64 = arith.constant 0 : i32
      %dma_start3A_65 = tpu.memref_slice %arg2[%add3A, %dma_start3A, %dma_start3A_64] : memref<32x80x128xi32, #tpu.memory_space<hbm>> -> memref<1x80x128xi32, #tpu.memory_space<hbm>>
      %dma_start3A_66 = tpu.memref_squeeze %dma_start3A_65 : memref<1x80x128xi32, #tpu.memory_space<hbm>> -> memref<80x128xi32, #tpu.memory_space<hbm>>
      %dma_start3A_67 = arith.constant 0 : i32
      %dma_start3A_68 = arith.constant 0 : i32
      %dma_start3A_69 = tpu.memref_slice %arg2[%add3A, %dma_start3A_67, %dma_start3A_68] : memref<32x80x128xi32, #tpu.memory_space<hbm>> -> memref<1x80x128xi32, #tpu.memory_space<hbm>>
      %dma_start3A_70 = tpu.memref_squeeze %dma_start3A_69 : memref<1x80x128xi32, #tpu.memory_space<hbm>> -> memref<80x128xi32, #tpu.memory_space<hbm>>
      tpu.enqueue_dma source(%dma_start3A_70 : memref<80x128xi32, #tpu.memory_space<hbm>>) target(%arg5 : memref<80x128xi32, #tpu.memory_space<vmem>>) target_semaphore(%run_scoped3A : memref<!tpu.dma_semaphore, #tpu.memory_space<semaphore_mem>>)
      %dma_wait3A = arith.constant 0 : i32
      %dma_wait3A_71 = arith.constant 0 : i32
      %dma_wait3A_72 = tpu.memref_slice %arg2[%add3A, %dma_wait3A, %dma_wait3A_71] : memref<32x80x128xi32, #tpu.memory_space<hbm>> -> memref<1x80x128xi32, #tpu.memory_space<hbm>>
      %dma_wait3A_73 = tpu.memref_squeeze %dma_wait3A_72 : memref<1x80x128xi32, #tpu.memory_space<hbm>> -> memref<80x128xi32, #tpu.memory_space<hbm>>
      %dma_wait3A_74 = arith.constant 0 : i32
      %dma_wait3A_75 = arith.constant 0 : i32
      %dma_wait3A_76 = tpu.memref_slice %arg2[%add3A, %dma_wait3A_74, %dma_wait3A_75] : memref<32x80x128xi32, #tpu.memory_space<hbm>> -> memref<1x80x128xi32, #tpu.memory_space<hbm>>
      %dma_wait3A_77 = tpu.memref_squeeze %dma_wait3A_76 : memref<1x80x128xi32, #tpu.memory_space<hbm>> -> memref<80x128xi32, #tpu.memory_space<hbm>>
      tpu.wait_dma2 semaphore(%run_scoped3A : memref<!tpu.dma_semaphore, #tpu.memory_space<semaphore_mem>>) src(%dma_wait3A_77 : memref<80x128xi32, #tpu.memory_space<hbm>>) dst(%arg5 : memref<80x128xi32, #tpu.memory_space<vmem>>)
      tpu.yield
    }) : () -> ()
    %broadcast_in_dim3A = arith.constant 1.000000e+00 : f32
    %broadcast_in_dim3A_5 = vector.broadcast %broadcast_in_dim3A : f32 to vector<16xf32>
    %swap3A = arith.constant 0 : index
    %swap3A_6 = tpu.vector_load %arg6[%swap3A] {strides = array<i32>} : memref<128xf32, #tpu.memory_space<vmem>>, vector<16xf32>,
    %swap3A_7 = vector.shape_cast %swap3A_6 : vector<16xf32> to vector<16xf32>
    %swap3A_8 = vector.shape_cast %broadcast_in_dim3A_5 : vector<16xf32> to vector<16xf32>
    tpu.vector_store %arg6[%swap3A], %swap3A_8 {strides = array<i32>} : memref<128xf32, #tpu.memory_space<vmem>>, vector<16xf32>,
    %broadcast_in_dim3A_9 = arith.constant 1.000000e+00 : f32
    %broadcast_in_dim3A_10 = vector.broadcast %broadcast_in_dim3A_9 : f32 to vector<16xf32>
    %swap3A_11 = arith.constant 16 : index
    %swap3A_12 = tpu.vector_load %arg6[%swap3A_11] {strides = array<i32>} : memref<128xf32, #tpu.memory_space<vmem>>, vector<16xf32>,
    %swap3A_13 = vector.shape_cast %swap3A_12 : vector<16xf32> to vector<16xf32>
    %swap3A_14 = vector.shape_cast %broadcast_in_dim3A_10 : vector<16xf32> to vector<16xf32>
    tpu.vector_store %arg6[%swap3A_11], %swap3A_14 {strides = array<i32>} : memref<128xf32, #tpu.memory_space<vmem>>, vector<16xf32>,
    %broadcast_in_dim3A_15 = arith.constant 1.000000e+00 : f32
    %broadcast_in_dim3A_16 = vector.broadcast %broadcast_in_dim3A_15 : f32 to vector<16xf32>
    %swap3A_17 = arith.constant 32 : index
    %swap3A_18 = tpu.vector_load %arg6[%swap3A_17] {strides = array<i32>} : memref<128xf32, #tpu.memory_space<vmem>>, vector<16xf32>,
    %swap3A_19 = vector.shape_cast %swap3A_18 : vector<16xf32> to vector<16xf32>
    %swap3A_20 = vector.shape_cast %broadcast_in_dim3A_16 : vector<16xf32> to vector<16xf32>
    tpu.vector_store %arg6[%swap3A_17], %swap3A_20 {strides = array<i32>} : memref<128xf32, #tpu.memory_space<vmem>>, vector<16xf32>,
    %broadcast_in_dim3A_21 = arith.constant 1.000000e+00 : f32
    %broadcast_in_dim3A_22 = vector.broadcast %broadcast_in_dim3A_21 : f32 to vector<16xf32>
    %swap3A_23 = arith.constant 48 : index
    %swap3A_24 = tpu.vector_load %arg6[%swap3A_23] {strides = array<i32>} : memref<128xf32, #tpu.memory_space<vmem>>, vector<16xf32>,
    %swap3A_25 = vector.shape_cast %swap3A_24 : vector<16xf32> to vector<16xf32>
    %swap3A_26 = vector.shape_cast %broadcast_in_dim3A_22 : vector<16xf32> to vector<16xf32>
    tpu.vector_store %arg6[%swap3A_23], %swap3A_26 {strides = array<i32>} : memref<128xf32, #tpu.memory_space<vmem>>, vector<16xf32>,
    %broadcast_in_dim3A_27 = arith.constant 1.000000e+00 : f32
    %broadcast_in_dim3A_28 = vector.broadcast %broadcast_in_dim3A_27 : f32 to vector<16xf32>
    %swap3A_29 = arith.constant 64 : index
    %swap3A_30 = tpu.vector_load %arg6[%swap3A_29] {strides = array<i32>} : memref<128xf32, #tpu.memory_space<vmem>>, vector<16xf32>,
    %swap3A_31 = vector.shape_cast %swap3A_30 : vector<16xf32> to vector<16xf32>
    %swap3A_32 = vector.shape_cast %broadcast_in_dim3A_28 : vector<16xf32> to vector<16xf32>
    tpu.vector_store %arg6[%swap3A_29], %swap3A_32 {strides = array<i32>} : memref<128xf32, #tpu.memory_space<vmem>>, vector<16xf32>,
    %broadcast_in_dim3A_33 = arith.constant 1.000000e+00 : f32
    %broadcast_in_dim3A_34 = vector.broadcast %broadcast_in_dim3A_33 : f32 to vector<16xf32>
    %swap3A_35 = arith.constant 80 : index
    %swap3A_36 = tpu.vector_load %arg6[%swap3A_35] {strides = array<i32>} : memref<128xf32, #tpu.memory_space<vmem>>, vector<16xf32>,
    %swap3A_37 = vector.shape_cast %swap3A_36 : vector<16xf32> to vector<16xf32>
    %swap3A_38 = vector.shape_cast %broadcast_in_dim3A_34 : vector<16xf32> to vector<16xf32>
    tpu.vector_store %arg6[%swap3A_35], %swap3A_38 {strides = array<i32>} : memref<128xf32, #tpu.memory_space<vmem>>, vector<16xf32>,
    %broadcast_in_dim3A_39 = arith.constant 1.000000e+00 : f32
    %broadcast_in_dim3A_40 = vector.broadcast %broadcast_in_dim3A_39 : f32 to vector<16xf32>
    %swap3A_41 = arith.constant 96 : index
    %swap3A_42 = tpu.vector_load %arg6[%swap3A_41] {strides = array<i32>} : memref<128xf32, #tpu.memory_space<vmem>>, vector<16xf32>,
    %swap3A_43 = vector.shape_cast %swap3A_42 : vector<16xf32> to vector<16xf32>
    %swap3A_44 = vector.shape_cast %broadcast_in_dim3A_40 : vector<16xf32> to vector<16xf32>
    tpu.vector_store %arg6[%swap3A_41], %swap3A_44 {strides = array<i32>} : memref<128xf32, #tpu.memory_space<vmem>>, vector<16xf32>,
    %broadcast_in_dim3A_45 = arith.constant 1.000000e+00 : f32
    %broadcast_in_dim3A_46 = vector.broadcast %broadcast_in_dim3A_45 : f32 to vector<16xf32>
    %swap3A_47 = arith.constant 112 : index
    %swap3A_48 = tpu.vector_load %arg6[%swap3A_47] {strides = array<i32>} : memref<128xf32, #tpu.memory_space<vmem>>, vector<16xf32>,
    %swap3A_49 = vector.shape_cast %swap3A_48 : vector<16xf32> to vector<16xf32>
    %swap3A_50 = vector.shape_cast %broadcast_in_dim3A_46 : vector<16xf32> to vector<16xf32>
    tpu.vector_store %arg6[%swap3A_47], %swap3A_50 {strides = array<i32>} : memref<128xf32, #tpu.memory_space<vmem>>, vector<16xf32>,
    %barrier3A = arith.constant 0 : index
    tpu.barrier barrier_id(%barrier3A)
    %scan3A = arith.constant 0 : i32
    %scan3A_51 = arith.constant 0 : i32
    %scan3A_52 = arith.constant 80 : i32
    %scan3A_53 = arith.addi %scan3A_51, %scan3A_52 : i32
    %scan3A_54 = arith.constant 1 : i32
    scf.for %scan3A_64 = %scan3A_51 to %scan3A_53 step %scan3A_54  : i32 {
      "tpu.region"() ({
        %run_scoped3A = tpu.sem_alloc : memref<!tpu.dma_semaphore, #tpu.memory_space<semaphore_mem>>
        %dma_start3A = arith.constant 0 : i32
        %dma_start3A_65 = tpu.memref_slice %arg5[%scan3A_64, %dma_start3A] : memref<80x128xi32, #tpu.memory_space<vmem>> -> memref<1x128xi32, #tpu.memory_space<vmem>>
        %dma_start3A_66 = tpu.memref_squeeze %dma_start3A_65 : memref<1x128xi32, #tpu.memory_space<vmem>> -> memref<128xi32, #tpu.memory_space<vmem>>
        %dma_start3A_67 = arith.constant 0 : i32
        %dma_start3A_68 = tpu.memref_slice %arg7[%dma_start3A_67] : memref<10240xf32, #tpu.memory_space<vmem_shared>> -> memref<10240xf32, #tpu.memory_space<vmem_shared>>
        tpu.enqueue_indirect_dma source(%arg6 : memref<128xf32, #tpu.memory_space<vmem>>) target(%dma_start3A_68 : memref<10240xf32, #tpu.memory_space<vmem_shared>>) offsets(%dma_start3A_66 : memref<128xi32, #tpu.memory_space<vmem>>) semaphore(%run_scoped3A : memref<!tpu.dma_semaphore, #tpu.memory_space<semaphore_mem>>) {add = true}
        %dma_wait3A = arith.constant 0 : i32
        %dma_wait3A_69 = tpu.memref_slice %arg5[%scan3A_64, %dma_wait3A] : memref<80x128xi32, #tpu.memory_space<vmem>> -> memref<1x128xi32, #tpu.memory_space<vmem>>
        %dma_wait3A_70 = tpu.memref_squeeze %dma_wait3A_69 : memref<1x128xi32, #tpu.memory_space<vmem>> -> memref<128xi32, #tpu.memory_space<vmem>>
        %dma_wait3A_71 = arith.constant 0 : i32
        %dma_wait3A_72 = tpu.memref_slice %arg7[%dma_wait3A_71] : memref<10240xf32, #tpu.memory_space<vmem_shared>> -> memref<10240xf32, #tpu.memory_space<vmem_shared>>
        tpu.wait_indirect_dma semaphore(%run_scoped3A : memref<!tpu.dma_semaphore, #tpu.memory_space<semaphore_mem>>) src(%arg6 : memref<128xf32, #tpu.memory_space<vmem>>) dst(%dma_wait3A_72 : memref<10240xf32, #tpu.memory_space<vmem_shared>>)
        tpu.yield
      }) : () -> ()
    }
    %scan3A_55 = arith.constant 80 : i32
    %barrier3A_56 = arith.constant 0 : index
    tpu.barrier barrier_id(%barrier3A_56)
    %mul3A_57 = arith.constant 640 : i32
    %mul3A_58 = arith.muli %arg1, %mul3A_57 : i32
    %mul3A_59 = arith.constant 10240 : i32
    %mul3A_60 = arith.muli %arg0, %mul3A_59 : i32
    %mul3A_61 = arith.constant 640 : i32
    %mul3A_62 = arith.muli %arg1, %mul3A_61 : i32
    %add3A_63 = arith.addi %mul3A_60, %mul3A_62 : i32
    "tpu.region"() ({
      %run_scoped3A = tpu.sem_alloc : memref<!tpu.dma_semaphore, #tpu.memory_space<semaphore_mem>>
      %dma_start3A = tpu.memref_slice %arg4[%add3A_63] : memref<20480xf32, #tpu.memory_space<hbm>> -> memref<640xf32, #tpu.memory_space<hbm>>
      %dma_start3A_64 = tpu.memref_slice %arg7[%mul3A_58] : memref<10240xf32, #tpu.memory_space<vmem_shared>> -> memref<640xf32, #tpu.memory_space<vmem_shared>>
      tpu.enqueue_dma source(%dma_start3A_64 : memref<640xf32, #tpu.memory_space<vmem_shared>>) target(%dma_start3A : memref<640xf32, #tpu.memory_space<hbm>>) target_semaphore(%run_scoped3A : memref<!tpu.dma_semaphore, #tpu.memory_space<semaphore_mem>>)
      %dma_wait3A = tpu.memref_slice %arg4[%add3A_63] : memref<20480xf32, #tpu.memory_space<hbm>> -> memref<640xf32, #tpu.memory_space<hbm>>
      %dma_wait3A_65 = tpu.memref_slice %arg7[%mul3A_58] : memref<10240xf32, #tpu.memory_space<vmem_shared>> -> memref<640xf32, #tpu.memory_space<vmem_shared>>
      tpu.wait_dma2 semaphore(%run_scoped3A : memref<!tpu.dma_semaphore, #tpu.memory_space<semaphore_mem>>) src(%dma_wait3A_65 : memref<640xf32, #tpu.memory_space<vmem_shared>>) dst(%dma_wait3A : memref<640xf32, #tpu.memory_space<hbm>>)
      tpu.yield
    }) : () -> ()
    return
  }
}

#map = affine_map<(d0, d1) -> (0, 0)>
#map1 = affine_map<(d0, d1) -> (0, 0, 0)>
module attributes {stable_mosaic.version = 14 : i64} {
  func.func @_segsum_sc(%arg0: i32, %arg1: i32, %arg2: memref<10240x128xf32, #tpu.memory_space<hbm>>, %arg3: memref<32x80x128xi32, #tpu.memory_space<hbm>>, %arg4: memref<32x80x128xi32, #tpu.memory_space<hbm>>, %arg5: memref<10240x128xf32, #tpu.memory_space<hbm>>, %arg6: memref<20480x128xf32, #tpu.memory_space<hbm>>, %arg7: memref<80x128xi32, #tpu.memory_space<vmem>>, %arg8: memref<1x128xi32, #tpu.memory_space<vmem>>, %arg9: memref<1x128xi32, #tpu.memory_space<vmem>>, %arg10: memref<128x128xf32, #tpu.memory_space<vmem>>, %arg11: memref<128x128xf32, #tpu.memory_space<vmem>>, %arg12: memref<10240x128xf32, #tpu.memory_space<vmem_shared>>, %arg13: memref<!tpu.dma_semaphore, #tpu.memory_space<semaphore_mem>>, %arg14: memref<!tpu.dma_semaphore, #tpu.memory_space<semaphore_mem>>) attributes {dimension_semantics = [#tpu.dimension_semantics<core_parallel>, #tpu.dimension_semantics<subcore_parallel>], iteration_bounds = array<i64: 2, 16>, scalar_prefetch = 0 : i64, scratch_operands = 8 : i64, tpu.core_type = #tpu.core_type<sc_vector_subcore>, window_params = [{transform_indices = #map}, {transform_indices = #map1}, {transform_indices = #map1}, {transform_indices = #map}, {transform_indices = #map}]} {
    %mul3A = arith.constant 2 : i32
    %mul3A_0 = arith.muli %arg1, %mul3A : i32
    %add3A = arith.addi %mul3A_0, %arg0 : i32
    %mul3A_1 = arith.constant 640 : i32
    %mul3A_2 = arith.muli %arg1, %mul3A_1 : i32
    %mul3A_3 = arith.constant 640 : i32
    %mul3A_4 = arith.muli %arg1, %mul3A_3 : i32
    "tpu.region"() ({
      %run_scoped3A = tpu.sem_alloc : memref<!tpu.dma_semaphore, #tpu.memory_space<semaphore_mem>>
      %dma_start3A_31 = arith.constant 0 : i32
      %dma_start3A_32 = tpu.memref_slice %arg12[%mul3A_4, %dma_start3A_31] : memref<10240x128xf32, #tpu.memory_space<vmem_shared>> -> memref<640x128xf32, #tpu.memory_space<vmem_shared>>
      %dma_start3A_33 = arith.constant 0 : i32
      %dma_start3A_34 = tpu.memref_slice %arg5[%mul3A_2, %dma_start3A_33] : memref<10240x128xf32, #tpu.memory_space<hbm>> -> memref<640x128xf32, #tpu.memory_space<hbm>>
      tpu.enqueue_dma source(%dma_start3A_34 : memref<640x128xf32, #tpu.memory_space<hbm>>) target(%dma_start3A_32 : memref<640x128xf32, #tpu.memory_space<vmem_shared>>) target_semaphore(%run_scoped3A : memref<!tpu.dma_semaphore, #tpu.memory_space<semaphore_mem>>)
      %dma_wait3A = arith.constant 0 : i32
      %dma_wait3A_35 = tpu.memref_slice %arg12[%mul3A_4, %dma_wait3A] : memref<10240x128xf32, #tpu.memory_space<vmem_shared>> -> memref<640x128xf32, #tpu.memory_space<vmem_shared>>
      %dma_wait3A_36 = arith.constant 0 : i32
      %dma_wait3A_37 = tpu.memref_slice %arg5[%mul3A_2, %dma_wait3A_36] : memref<10240x128xf32, #tpu.memory_space<hbm>> -> memref<640x128xf32, #tpu.memory_space<hbm>>
      tpu.wait_dma2 semaphore(%run_scoped3A : memref<!tpu.dma_semaphore, #tpu.memory_space<semaphore_mem>>) src(%dma_wait3A_37 : memref<640x128xf32, #tpu.memory_space<hbm>>) dst(%dma_wait3A_35 : memref<640x128xf32, #tpu.memory_space<vmem_shared>>)
      tpu.yield
    }) : () -> ()
    "tpu.region"() ({
      %run_scoped3A = tpu.sem_alloc : memref<!tpu.dma_semaphore, #tpu.memory_space<semaphore_mem>>
      %dma_start3A_31 = arith.constant 0 : i32
      %dma_start3A_32 = arith.constant 0 : i32
      %dma_start3A_33 = tpu.memref_slice %arg4[%add3A, %dma_start3A_31, %dma_start3A_32] : memref<32x80x128xi32, #tpu.memory_space<hbm>> -> memref<1x80x128xi32, #tpu.memory_space<hbm>>
      %dma_start3A_34 = tpu.memref_squeeze %dma_start3A_33 : memref<1x80x128xi32, #tpu.memory_space<hbm>> -> memref<80x128xi32, #tpu.memory_space<hbm>>
      %dma_start3A_35 = arith.constant 0 : i32
      %dma_start3A_36 = arith.constant 0 : i32
      %dma_start3A_37 = tpu.memref_slice %arg4[%add3A, %dma_start3A_35, %dma_start3A_36] : memref<32x80x128xi32, #tpu.memory_space<hbm>> -> memref<1x80x128xi32, #tpu.memory_space<hbm>>
      %dma_start3A_38 = tpu.memref_squeeze %dma_start3A_37 : memref<1x80x128xi32, #tpu.memory_space<hbm>> -> memref<80x128xi32, #tpu.memory_space<hbm>>
      tpu.enqueue_dma source(%dma_start3A_38 : memref<80x128xi32, #tpu.memory_space<hbm>>) target(%arg7 : memref<80x128xi32, #tpu.memory_space<vmem>>) target_semaphore(%run_scoped3A : memref<!tpu.dma_semaphore, #tpu.memory_space<semaphore_mem>>)
      %dma_wait3A = arith.constant 0 : i32
      %dma_wait3A_39 = arith.constant 0 : i32
      %dma_wait3A_40 = tpu.memref_slice %arg4[%add3A, %dma_wait3A, %dma_wait3A_39] : memref<32x80x128xi32, #tpu.memory_space<hbm>> -> memref<1x80x128xi32, #tpu.memory_space<hbm>>
      %dma_wait3A_41 = tpu.memref_squeeze %dma_wait3A_40 : memref<1x80x128xi32, #tpu.memory_space<hbm>> -> memref<80x128xi32, #tpu.memory_space<hbm>>
      %dma_wait3A_42 = arith.constant 0 : i32
      %dma_wait3A_43 = arith.constant 0 : i32
      %dma_wait3A_44 = tpu.memref_slice %arg4[%add3A, %dma_wait3A_42, %dma_wait3A_43] : memref<32x80x128xi32, #tpu.memory_space<hbm>> -> memref<1x80x128xi32, #tpu.memory_space<hbm>>
      %dma_wait3A_45 = tpu.memref_squeeze %dma_wait3A_44 : memref<1x80x128xi32, #tpu.memory_space<hbm>> -> memref<80x128xi32, #tpu.memory_space<hbm>>
      tpu.wait_dma2 semaphore(%run_scoped3A : memref<!tpu.dma_semaphore, #tpu.memory_space<semaphore_mem>>) src(%dma_wait3A_45 : memref<80x128xi32, #tpu.memory_space<hbm>>) dst(%arg7 : memref<80x128xi32, #tpu.memory_space<vmem>>)
      tpu.yield
    }) : () -> ()
    "tpu.region"() ({
      %run_scoped3A = tpu.sem_alloc : memref<!tpu.dma_semaphore, #tpu.memory_space<semaphore_mem>>
      %dma_start3A_31 = arith.constant 0 : i32
      %dma_start3A_32 = arith.constant 0 : i32
      %dma_start3A_33 = tpu.memref_slice %arg3[%add3A, %dma_start3A_31, %dma_start3A_32] : memref<32x80x128xi32, #tpu.memory_space<hbm>> -> memref<1x80x128xi32, #tpu.memory_space<hbm>>
      %dma_start3A_34 = tpu.memref_squeeze %dma_start3A_33 : memref<1x80x128xi32, #tpu.memory_space<hbm>> -> memref<80x128xi32, #tpu.memory_space<hbm>>
      %dma_start3A_35 = arith.constant 0 : i32
      %dma_start3A_36 = arith.constant 0 : i32
      %dma_start3A_37 = tpu.memref_slice %dma_start3A_34[%dma_start3A_35, %dma_start3A_36] : memref<80x128xi32, #tpu.memory_space<hbm>> -> memref<1x128xi32, #tpu.memory_space<hbm>>
      %dma_start3A_38 = arith.constant 0 : i32
      %dma_start3A_39 = arith.constant 0 : i32
      %dma_start3A_40 = tpu.memref_slice %arg3[%add3A, %dma_start3A_38, %dma_start3A_39] : memref<32x80x128xi32, #tpu.memory_space<hbm>> -> memref<1x80x128xi32, #tpu.memory_space<hbm>>
      %dma_start3A_41 = tpu.memref_squeeze %dma_start3A_40 : memref<1x80x128xi32, #tpu.memory_space<hbm>> -> memref<80x128xi32, #tpu.memory_space<hbm>>
      %dma_start3A_42 = arith.constant 0 : i32
      %dma_start3A_43 = arith.constant 0 : i32
      %dma_start3A_44 = tpu.memref_slice %dma_start3A_41[%dma_start3A_42, %dma_start3A_43] : memref<80x128xi32, #tpu.memory_space<hbm>> -> memref<1x128xi32, #tpu.memory_space<hbm>>
      tpu.enqueue_dma source(%dma_start3A_44 : memref<1x128xi32, #tpu.memory_space<hbm>>) target(%arg8 : memref<1x128xi32, #tpu.memory_space<vmem>>) target_semaphore(%run_scoped3A : memref<!tpu.dma_semaphore, #tpu.memory_space<semaphore_mem>>)
      %dma_wait3A = arith.constant 0 : i32
      %dma_wait3A_45 = arith.constant 0 : i32
      %dma_wait3A_46 = tpu.memref_slice %arg3[%add3A, %dma_wait3A, %dma_wait3A_45] : memref<32x80x128xi32, #tpu.memory_space<hbm>> -> memref<1x80x128xi32, #tpu.memory_space<hbm>>
      %dma_wait3A_47 = tpu.memref_squeeze %dma_wait3A_46 : memref<1x80x128xi32, #tpu.memory_space<hbm>> -> memref<80x128xi32, #tpu.memory_space<hbm>>
      %dma_wait3A_48 = arith.constant 0 : i32
      %dma_wait3A_49 = arith.constant 0 : i32
      %dma_wait3A_50 = tpu.memref_slice %dma_wait3A_47[%dma_wait3A_48, %dma_wait3A_49] : memref<80x128xi32, #tpu.memory_space<hbm>> -> memref<1x128xi32, #tpu.memory_space<hbm>>
      %dma_wait3A_51 = arith.constant 0 : i32
      %dma_wait3A_52 = arith.constant 0 : i32
      %dma_wait3A_53 = tpu.memref_slice %arg3[%add3A, %dma_wait3A_51, %dma_wait3A_52] : memref<32x80x128xi32, #tpu.memory_space<hbm>> -> memref<1x80x128xi32, #tpu.memory_space<hbm>>
      %dma_wait3A_54 = tpu.memref_squeeze %dma_wait3A_53 : memref<1x80x128xi32, #tpu.memory_space<hbm>> -> memref<80x128xi32, #tpu.memory_space<hbm>>
      %dma_wait3A_55 = arith.constant 0 : i32
      %dma_wait3A_56 = arith.constant 0 : i32
      %dma_wait3A_57 = tpu.memref_slice %dma_wait3A_54[%dma_wait3A_55, %dma_wait3A_56] : memref<80x128xi32, #tpu.memory_space<hbm>> -> memref<1x128xi32, #tpu.memory_space<hbm>>
      tpu.wait_dma2 semaphore(%run_scoped3A : memref<!tpu.dma_semaphore, #tpu.memory_space<semaphore_mem>>) src(%dma_wait3A_57 : memref<1x128xi32, #tpu.memory_space<hbm>>) dst(%arg8 : memref<1x128xi32, #tpu.memory_space<vmem>>)
      tpu.yield
    }) : () -> ()
    %barrier3A = arith.constant 0 : index
    tpu.barrier barrier_id(%barrier3A)
    %dma_start3A = arith.constant 0 : i32
    %dma_start3A_5 = arith.constant 0 : i32
    %dma_start3A_6 = tpu.memref_slice %arg8[%dma_start3A, %dma_start3A_5] : memref<1x128xi32, #tpu.memory_space<vmem>> -> memref<1x128xi32, #tpu.memory_space<vmem>>
    %dma_start3A_7 = tpu.memref_squeeze %dma_start3A_6 : memref<1x128xi32, #tpu.memory_space<vmem>> -> memref<128xi32, #tpu.memory_space<vmem>>
    %dma_start3A_8 = arith.constant 0 : i32
    %dma_start3A_9 = arith.constant 0 : i32
    %dma_start3A_10 = tpu.memref_slice %arg2[%dma_start3A_8, %dma_start3A_9] : memref<10240x128xf32, #tpu.memory_space<hbm>> -> memref<10240x128xf32, #tpu.memory_space<hbm>>
    tpu.enqueue_indirect_dma source(%dma_start3A_10 : memref<10240x128xf32, #tpu.memory_space<hbm>>) target(%arg10 : memref<128x128xf32, #tpu.memory_space<vmem>>) offsets(%dma_start3A_7 : memref<128xi32, #tpu.memory_space<vmem>>) semaphore(%arg13 : memref<!tpu.dma_semaphore, #tpu.memory_space<semaphore_mem>>)
    "tpu.region"() ({
      %run_scoped3A = tpu.sem_alloc : memref<!tpu.dma_semaphore, #tpu.memory_space<semaphore_mem>>
      %dma_start3A_31 = arith.constant 0 : i32
      %dma_start3A_32 = arith.constant 0 : i32
      %dma_start3A_33 = tpu.memref_slice %arg3[%add3A, %dma_start3A_31, %dma_start3A_32] : memref<32x80x128xi32, #tpu.memory_space<hbm>> -> memref<1x80x128xi32, #tpu.memory_space<hbm>>
      %dma_start3A_34 = tpu.memref_squeeze %dma_start3A_33 : memref<1x80x128xi32, #tpu.memory_space<hbm>> -> memref<80x128xi32, #tpu.memory_space<hbm>>
      %dma_start3A_35 = arith.constant 1 : i32
      %dma_start3A_36 = arith.constant 0 : i32
      %dma_start3A_37 = tpu.memref_slice %dma_start3A_34[%dma_start3A_35, %dma_start3A_36] : memref<80x128xi32, #tpu.memory_space<hbm>> -> memref<1x128xi32, #tpu.memory_space<hbm>>
      %dma_start3A_38 = arith.constant 0 : i32
      %dma_start3A_39 = arith.constant 0 : i32
      %dma_start3A_40 = tpu.memref_slice %arg3[%add3A, %dma_start3A_38, %dma_start3A_39] : memref<32x80x128xi32, #tpu.memory_space<hbm>> -> memref<1x80x128xi32, #tpu.memory_space<hbm>>
      %dma_start3A_41 = tpu.memref_squeeze %dma_start3A_40 : memref<1x80x128xi32, #tpu.memory_space<hbm>> -> memref<80x128xi32, #tpu.memory_space<hbm>>
      %dma_start3A_42 = arith.constant 1 : i32
      %dma_start3A_43 = arith.constant 0 : i32
      %dma_start3A_44 = tpu.memref_slice %dma_start3A_41[%dma_start3A_42, %dma_start3A_43] : memref<80x128xi32, #tpu.memory_space<hbm>> -> memref<1x128xi32, #tpu.memory_space<hbm>>
      tpu.enqueue_dma source(%dma_start3A_44 : memref<1x128xi32, #tpu.memory_space<hbm>>) target(%arg9 : memref<1x128xi32, #tpu.memory_space<vmem>>) target_semaphore(%run_scoped3A : memref<!tpu.dma_semaphore, #tpu.memory_space<semaphore_mem>>)
      %dma_wait3A = arith.constant 0 : i32
      %dma_wait3A_45 = arith.constant 0 : i32
      %dma_wait3A_46 = tpu.memref_slice %arg3[%add3A, %dma_wait3A, %dma_wait3A_45] : memref<32x80x128xi32, #tpu.memory_space<hbm>> -> memref<1x80x128xi32, #tpu.memory_space<hbm>>
      %dma_wait3A_47 = tpu.memref_squeeze %dma_wait3A_46 : memref<1x80x128xi32, #tpu.memory_space<hbm>> -> memref<80x128xi32, #tpu.memory_space<hbm>>
      %dma_wait3A_48 = arith.constant 1 : i32
      %dma_wait3A_49 = arith.constant 0 : i32
      %dma_wait3A_50 = tpu.memref_slice %dma_wait3A_47[%dma_wait3A_48, %dma_wait3A_49] : memref<80x128xi32, #tpu.memory_space<hbm>> -> memref<1x128xi32, #tpu.memory_space<hbm>>
      %dma_wait3A_51 = arith.constant 0 : i32
      %dma_wait3A_52 = arith.constant 0 : i32
      %dma_wait3A_53 = tpu.memref_slice %arg3[%add3A, %dma_wait3A_51, %dma_wait3A_52] : memref<32x80x128xi32, #tpu.memory_space<hbm>> -> memref<1x80x128xi32, #tpu.memory_space<hbm>>
      %dma_wait3A_54 = tpu.memref_squeeze %dma_wait3A_53 : memref<1x80x128xi32, #tpu.memory_space<hbm>> -> memref<80x128xi32, #tpu.memory_space<hbm>>
      %dma_wait3A_55 = arith.constant 1 : i32
      %dma_wait3A_56 = arith.constant 0 : i32
      %dma_wait3A_57 = tpu.memref_slice %dma_wait3A_54[%dma_wait3A_55, %dma_wait3A_56] : memref<80x128xi32, #tpu.memory_space<hbm>> -> memref<1x128xi32, #tpu.memory_space<hbm>>
      tpu.wait_dma2 semaphore(%run_scoped3A : memref<!tpu.dma_semaphore, #tpu.memory_space<semaphore_mem>>) src(%dma_wait3A_57 : memref<1x128xi32, #tpu.memory_space<hbm>>) dst(%arg9 : memref<1x128xi32, #tpu.memory_space<vmem>>)
      tpu.yield
    }) : () -> ()
    %dma_start3A_11 = arith.constant 0 : i32
    %dma_start3A_12 = arith.constant 0 : i32
    %dma_start3A_13 = tpu.memref_slice %arg9[%dma_start3A_11, %dma_start3A_12] : memref<1x128xi32, #tpu.memory_space<vmem>> -> memref<1x128xi32, #tpu.memory_space<vmem>>
    %dma_start3A_14 = tpu.memref_squeeze %dma_start3A_13 : memref<1x128xi32, #tpu.memory_space<vmem>> -> memref<128xi32, #tpu.memory_space<vmem>>
    %dma_start3A_15 = arith.constant 0 : i32
    %dma_start3A_16 = arith.constant 0 : i32
    %dma_start3A_17 = tpu.memref_slice %arg2[%dma_start3A_15, %dma_start3A_16] : memref<10240x128xf32, #tpu.memory_space<hbm>> -> memref<10240x128xf32, #tpu.memory_space<hbm>>
    tpu.enqueue_indirect_dma source(%dma_start3A_17 : memref<10240x128xf32, #tpu.memory_space<hbm>>) target(%arg11 : memref<128x128xf32, #tpu.memory_space<vmem>>) offsets(%dma_start3A_14 : memref<128xi32, #tpu.memory_space<vmem>>) semaphore(%arg14 : memref<!tpu.dma_semaphore, #tpu.memory_space<semaphore_mem>>)
    %scan3A = arith.constant 0 : i32
    %scan3A_18 = arith.constant 0 : i32
    %scan3A_19 = arith.constant 40 : i32
    %scan3A_20 = arith.addi %scan3A_18, %scan3A_19 : i32
    %scan3A_21 = arith.constant 1 : i32
    scf.for %scan3A_31 = %scan3A_18 to %scan3A_20 step %scan3A_21  : i32 {
      %mul3A_32 = arith.constant 2 : i32
      %mul3A_33 = arith.muli %mul3A_32, %scan3A_31 : i32
      %dma_wait3A = arith.constant 0 : i32
      %dma_wait3A_34 = arith.constant 0 : i32
      %dma_wait3A_35 = tpu.memref_slice %arg8[%dma_wait3A, %dma_wait3A_34] : memref<1x128xi32, #tpu.memory_space<vmem>> -> memref<1x128xi32, #tpu.memory_space<vmem>>
      %dma_wait3A_36 = tpu.memref_squeeze %dma_wait3A_35 : memref<1x128xi32, #tpu.memory_space<vmem>> -> memref<128xi32, #tpu.memory_space<vmem>>
      %dma_wait3A_37 = arith.constant 0 : i32
      %dma_wait3A_38 = arith.constant 0 : i32
      %dma_wait3A_39 = tpu.memref_slice %arg2[%dma_wait3A_37, %dma_wait3A_38] : memref<10240x128xf32, #tpu.memory_space<hbm>> -> memref<10240x128xf32, #tpu.memory_space<hbm>>
      tpu.wait_indirect_dma semaphore(%arg13 : memref<!tpu.dma_semaphore, #tpu.memory_space<semaphore_mem>>) src(%dma_wait3A_39 : memref<10240x128xf32, #tpu.memory_space<hbm>>) dst(%arg10 : memref<128x128xf32, #tpu.memory_space<vmem>>)
      "tpu.region"() ({
        %run_scoped3A = tpu.sem_alloc : memref<!tpu.dma_semaphore, #tpu.memory_space<semaphore_mem>>
        %dma_start3A_60 = arith.constant 0 : i32
        %dma_start3A_61 = tpu.memref_slice %arg7[%mul3A_33, %dma_start3A_60] : memref<80x128xi32, #tpu.memory_space<vmem>> -> memref<1x128xi32, #tpu.memory_space<vmem>>
        %dma_start3A_62 = tpu.memref_squeeze %dma_start3A_61 : memref<1x128xi32, #tpu.memory_space<vmem>> -> memref<128xi32, #tpu.memory_space<vmem>>
        %dma_start3A_63 = arith.constant 0 : i32
        %dma_start3A_64 = arith.constant 0 : i32
        %dma_start3A_65 = tpu.memref_slice %arg12[%dma_start3A_63, %dma_start3A_64] : memref<10240x128xf32, #tpu.memory_space<vmem_shared>> -> memref<10240x128xf32, #tpu.memory_space<vmem_shared>>
        tpu.enqueue_indirect_dma source(%arg10 : memref<128x128xf32, #tpu.memory_space<vmem>>) target(%dma_start3A_65 : memref<10240x128xf32, #tpu.memory_space<vmem_shared>>) offsets(%dma_start3A_62 : memref<128xi32, #tpu.memory_space<vmem>>) semaphore(%run_scoped3A : memref<!tpu.dma_semaphore, #tpu.memory_space<semaphore_mem>>) {add = true}
        %dma_wait3A_66 = arith.constant 0 : i32
        %dma_wait3A_67 = tpu.memref_slice %arg7[%mul3A_33, %dma_wait3A_66] : memref<80x128xi32, #tpu.memory_space<vmem>> -> memref<1x128xi32, #tpu.memory_space<vmem>>
        %dma_wait3A_68 = tpu.memref_squeeze %dma_wait3A_67 : memref<1x128xi32, #tpu.memory_space<vmem>> -> memref<128xi32, #tpu.memory_space<vmem>>
        %dma_wait3A_69 = arith.constant 0 : i32
        %dma_wait3A_70 = arith.constant 0 : i32
        %dma_wait3A_71 = tpu.memref_slice %arg12[%dma_wait3A_69, %dma_wait3A_70] : memref<10240x128xf32, #tpu.memory_space<vmem_shared>> -> memref<10240x128xf32, #tpu.memory_space<vmem_shared>>
        tpu.wait_indirect_dma semaphore(%run_scoped3A : memref<!tpu.dma_semaphore, #tpu.memory_space<semaphore_mem>>) src(%arg10 : memref<128x128xf32, #tpu.memory_space<vmem>>) dst(%dma_wait3A_71 : memref<10240x128xf32, #tpu.memory_space<vmem_shared>>)
        tpu.yield
      }) : () -> ()
      %add3A_40 = arith.constant 2 : i32
      %add3A_41 = arith.addi %mul3A_33, %add3A_40 : i32
      %lt3A = arith.constant 80 : i32
      %lt3A_42 = arith.cmpi slt, %add3A_41, %lt3A : i32
      %convert_element_type3A = arith.extui %lt3A_42 : i1 to i32
      %cond3A = arith.constant 0 : i32
      %cond3A_43 = arith.cmpi ne, %convert_element_type3A, %cond3A : i32
      scf.if %cond3A_43 {
        %add3A_60 = arith.constant 2 : i32
        %add3A_61 = arith.addi %mul3A_33, %add3A_60 : i32
        "tpu.region"() ({
          %run_scoped3A = tpu.sem_alloc : memref<!tpu.dma_semaphore, #tpu.memory_space<semaphore_mem>>
          %dma_start3A_69 = arith.constant 0 : i32
          %dma_start3A_70 = arith.constant 0 : i32
          %dma_start3A_71 = tpu.memref_slice %arg3[%add3A, %dma_start3A_69, %dma_start3A_70] : memref<32x80x128xi32, #tpu.memory_space<hbm>> -> memref<1x80x128xi32, #tpu.memory_space<hbm>>
          %dma_start3A_72 = tpu.memref_squeeze %dma_start3A_71 : memref<1x80x128xi32, #tpu.memory_space<hbm>> -> memref<80x128xi32, #tpu.memory_space<hbm>>
          %dma_start3A_73 = arith.constant 0 : i32
          %dma_start3A_74 = tpu.memref_slice %dma_start3A_72[%add3A_61, %dma_start3A_73] : memref<80x128xi32, #tpu.memory_space<hbm>> -> memref<1x128xi32, #tpu.memory_space<hbm>>
          %dma_start3A_75 = arith.constant 0 : i32
          %dma_start3A_76 = arith.constant 0 : i32
          %dma_start3A_77 = tpu.memref_slice %arg3[%add3A, %dma_start3A_75, %dma_start3A_76] : memref<32x80x128xi32, #tpu.memory_space<hbm>> -> memref<1x80x128xi32, #tpu.memory_space<hbm>>
          %dma_start3A_78 = tpu.memref_squeeze %dma_start3A_77 : memref<1x80x128xi32, #tpu.memory_space<hbm>> -> memref<80x128xi32, #tpu.memory_space<hbm>>
          %dma_start3A_79 = arith.constant 0 : i32
          %dma_start3A_80 = tpu.memref_slice %dma_start3A_78[%add3A_61, %dma_start3A_79] : memref<80x128xi32, #tpu.memory_space<hbm>> -> memref<1x128xi32, #tpu.memory_space<hbm>>
          tpu.enqueue_dma source(%dma_start3A_80 : memref<1x128xi32, #tpu.memory_space<hbm>>) target(%arg8 : memref<1x128xi32, #tpu.memory_space<vmem>>) target_semaphore(%run_scoped3A : memref<!tpu.dma_semaphore, #tpu.memory_space<semaphore_mem>>)
          %dma_wait3A_81 = arith.constant 0 : i32
          %dma_wait3A_82 = arith.constant 0 : i32
          %dma_wait3A_83 = tpu.memref_slice %arg3[%add3A, %dma_wait3A_81, %dma_wait3A_82] : memref<32x80x128xi32, #tpu.memory_space<hbm>> -> memref<1x80x128xi32, #tpu.memory_space<hbm>>
          %dma_wait3A_84 = tpu.memref_squeeze %dma_wait3A_83 : memref<1x80x128xi32, #tpu.memory_space<hbm>> -> memref<80x128xi32, #tpu.memory_space<hbm>>
          %dma_wait3A_85 = arith.constant 0 : i32
          %dma_wait3A_86 = tpu.memref_slice %dma_wait3A_84[%add3A_61, %dma_wait3A_85] : memref<80x128xi32, #tpu.memory_space<hbm>> -> memref<1x128xi32, #tpu.memory_space<hbm>>
          %dma_wait3A_87 = arith.constant 0 : i32
          %dma_wait3A_88 = arith.constant 0 : i32
          %dma_wait3A_89 = tpu.memref_slice %arg3[%add3A, %dma_wait3A_87, %dma_wait3A_88] : memref<32x80x128xi32, #tpu.memory_space<hbm>> -> memref<1x80x128xi32, #tpu.memory_space<hbm>>
          %dma_wait3A_90 = tpu.memref_squeeze %dma_wait3A_89 : memref<1x80x128xi32, #tpu.memory_space<hbm>> -> memref<80x128xi32, #tpu.memory_space<hbm>>
          %dma_wait3A_91 = arith.constant 0 : i32
          %dma_wait3A_92 = tpu.memref_slice %dma_wait3A_90[%add3A_61, %dma_wait3A_91] : memref<80x128xi32, #tpu.memory_space<hbm>> -> memref<1x128xi32, #tpu.memory_space<hbm>>
          tpu.wait_dma2 semaphore(%run_scoped3A : memref<!tpu.dma_semaphore, #tpu.memory_space<semaphore_mem>>) src(%dma_wait3A_92 : memref<1x128xi32, #tpu.memory_space<hbm>>) dst(%arg8 : memref<1x128xi32, #tpu.memory_space<vmem>>)
          tpu.yield
        }) : () -> ()
        %dma_start3A_62 = arith.constant 0 : i32
        %dma_start3A_63 = arith.constant 0 : i32
        %dma_start3A_64 = tpu.memref_slice %arg8[%dma_start3A_62, %dma_start3A_63] : memref<1x128xi32, #tpu.memory_space<vmem>> -> memref<1x128xi32, #tpu.memory_space<vmem>>
        %dma_start3A_65 = tpu.memref_squeeze %dma_start3A_64 : memref<1x128xi32, #tpu.memory_space<vmem>> -> memref<128xi32, #tpu.memory_space<vmem>>
        %dma_start3A_66 = arith.constant 0 : i32
        %dma_start3A_67 = arith.constant 0 : i32
        %dma_start3A_68 = tpu.memref_slice %arg2[%dma_start3A_66, %dma_start3A_67] : memref<10240x128xf32, #tpu.memory_space<hbm>> -> memref<10240x128xf32, #tpu.memory_space<hbm>>
        tpu.enqueue_indirect_dma source(%dma_start3A_68 : memref<10240x128xf32, #tpu.memory_space<hbm>>) target(%arg10 : memref<128x128xf32, #tpu.memory_space<vmem>>) offsets(%dma_start3A_65 : memref<128xi32, #tpu.memory_space<vmem>>) semaphore(%arg13 : memref<!tpu.dma_semaphore, #tpu.memory_space<semaphore_mem>>)
      } else {
      }
      %dma_wait3A_44 = arith.constant 0 : i32
      %dma_wait3A_45 = arith.constant 0 : i32
      %dma_wait3A_46 = tpu.memref_slice %arg9[%dma_wait3A_44, %dma_wait3A_45] : memref<1x128xi32, #tpu.memory_space<vmem>> -> memref<1x128xi32, #tpu.memory_space<vmem>>
      %dma_wait3A_47 = tpu.memref_squeeze %dma_wait3A_46 : memref<1x128xi32, #tpu.memory_space<vmem>> -> memref<128xi32, #tpu.memory_space<vmem>>
      %dma_wait3A_48 = arith.constant 0 : i32
      %dma_wait3A_49 = arith.constant 0 : i32
      %dma_wait3A_50 = tpu.memref_slice %arg2[%dma_wait3A_48, %dma_wait3A_49] : memref<10240x128xf32, #tpu.memory_space<hbm>> -> memref<10240x128xf32, #tpu.memory_space<hbm>>
      tpu.wait_indirect_dma semaphore(%arg14 : memref<!tpu.dma_semaphore, #tpu.memory_space<semaphore_mem>>) src(%dma_wait3A_50 : memref<10240x128xf32, #tpu.memory_space<hbm>>) dst(%arg11 : memref<128x128xf32, #tpu.memory_space<vmem>>)
      %add3A_51 = arith.constant 1 : i32
      %add3A_52 = arith.addi %mul3A_33, %add3A_51 : i32
      "tpu.region"() ({
        %run_scoped3A = tpu.sem_alloc : memref<!tpu.dma_semaphore, #tpu.memory_space<semaphore_mem>>
        %dma_start3A_60 = arith.constant 0 : i32
        %dma_start3A_61 = tpu.memref_slice %arg7[%add3A_52, %dma_start3A_60] : memref<80x128xi32, #tpu.memory_space<vmem>> -> memref<1x128xi32, #tpu.memory_space<vmem>>
        %dma_start3A_62 = tpu.memref_squeeze %dma_start3A_61 : memref<1x128xi32, #tpu.memory_space<vmem>> -> memref<128xi32, #tpu.memory_space<vmem>>
        %dma_start3A_63 = arith.constant 0 : i32
        %dma_start3A_64 = arith.constant 0 : i32
        %dma_start3A_65 = tpu.memref_slice %arg12[%dma_start3A_63, %dma_start3A_64] : memref<10240x128xf32, #tpu.memory_space<vmem_shared>> -> memref<10240x128xf32, #tpu.memory_space<vmem_shared>>
        tpu.enqueue_indirect_dma source(%arg11 : memref<128x128xf32, #tpu.memory_space<vmem>>) target(%dma_start3A_65 : memref<10240x128xf32, #tpu.memory_space<vmem_shared>>) offsets(%dma_start3A_62 : memref<128xi32, #tpu.memory_space<vmem>>) semaphore(%run_scoped3A : memref<!tpu.dma_semaphore, #tpu.memory_space<semaphore_mem>>) {add = true}
        %dma_wait3A_66 = arith.constant 0 : i32
        %dma_wait3A_67 = tpu.memref_slice %arg7[%add3A_52, %dma_wait3A_66] : memref<80x128xi32, #tpu.memory_space<vmem>> -> memref<1x128xi32, #tpu.memory_space<vmem>>
        %dma_wait3A_68 = tpu.memref_squeeze %dma_wait3A_67 : memref<1x128xi32, #tpu.memory_space<vmem>> -> memref<128xi32, #tpu.memory_space<vmem>>
        %dma_wait3A_69 = arith.constant 0 : i32
        %dma_wait3A_70 = arith.constant 0 : i32
        %dma_wait3A_71 = tpu.memref_slice %arg12[%dma_wait3A_69, %dma_wait3A_70] : memref<10240x128xf32, #tpu.memory_space<vmem_shared>> -> memref<10240x128xf32, #tpu.memory_space<vmem_shared>>
        tpu.wait_indirect_dma semaphore(%run_scoped3A : memref<!tpu.dma_semaphore, #tpu.memory_space<semaphore_mem>>) src(%arg11 : memref<128x128xf32, #tpu.memory_space<vmem>>) dst(%dma_wait3A_71 : memref<10240x128xf32, #tpu.memory_space<vmem_shared>>)
        tpu.yield
      }) : () -> ()
      %add3A_53 = arith.constant 3 : i32
      %add3A_54 = arith.addi %mul3A_33, %add3A_53 : i32
      %lt3A_55 = arith.constant 80 : i32
      %lt3A_56 = arith.cmpi slt, %add3A_54, %lt3A_55 : i32
      %convert_element_type3A_57 = arith.extui %lt3A_56 : i1 to i32
      %cond3A_58 = arith.constant 0 : i32
      %cond3A_59 = arith.cmpi ne, %convert_element_type3A_57, %cond3A_58 : i32
      scf.if %cond3A_59 {
        %add3A_60 = arith.constant 3 : i32
        %add3A_61 = arith.addi %mul3A_33, %add3A_60 : i32
        "tpu.region"() ({
          %run_scoped3A = tpu.sem_alloc : memref<!tpu.dma_semaphore, #tpu.memory_space<semaphore_mem>>
          %dma_start3A_69 = arith.constant 0 : i32
          %dma_start3A_70 = arith.constant 0 : i32
          %dma_start3A_71 = tpu.memref_slice %arg3[%add3A, %dma_start3A_69, %dma_start3A_70] : memref<32x80x128xi32, #tpu.memory_space<hbm>> -> memref<1x80x128xi32, #tpu.memory_space<hbm>>
          %dma_start3A_72 = tpu.memref_squeeze %dma_start3A_71 : memref<1x80x128xi32, #tpu.memory_space<hbm>> -> memref<80x128xi32, #tpu.memory_space<hbm>>
          %dma_start3A_73 = arith.constant 0 : i32
          %dma_start3A_74 = tpu.memref_slice %dma_start3A_72[%add3A_61, %dma_start3A_73] : memref<80x128xi32, #tpu.memory_space<hbm>> -> memref<1x128xi32, #tpu.memory_space<hbm>>
          %dma_start3A_75 = arith.constant 0 : i32
          %dma_start3A_76 = arith.constant 0 : i32
          %dma_start3A_77 = tpu.memref_slice %arg3[%add3A, %dma_start3A_75, %dma_start3A_76] : memref<32x80x128xi32, #tpu.memory_space<hbm>> -> memref<1x80x128xi32, #tpu.memory_space<hbm>>
          %dma_start3A_78 = tpu.memref_squeeze %dma_start3A_77 : memref<1x80x128xi32, #tpu.memory_space<hbm>> -> memref<80x128xi32, #tpu.memory_space<hbm>>
          %dma_start3A_79 = arith.constant 0 : i32
          %dma_start3A_80 = tpu.memref_slice %dma_start3A_78[%add3A_61, %dma_start3A_79] : memref<80x128xi32, #tpu.memory_space<hbm>> -> memref<1x128xi32, #tpu.memory_space<hbm>>
          tpu.enqueue_dma source(%dma_start3A_80 : memref<1x128xi32, #tpu.memory_space<hbm>>) target(%arg9 : memref<1x128xi32, #tpu.memory_space<vmem>>) target_semaphore(%run_scoped3A : memref<!tpu.dma_semaphore, #tpu.memory_space<semaphore_mem>>)
          %dma_wait3A_81 = arith.constant 0 : i32
          %dma_wait3A_82 = arith.constant 0 : i32
          %dma_wait3A_83 = tpu.memref_slice %arg3[%add3A, %dma_wait3A_81, %dma_wait3A_82] : memref<32x80x128xi32, #tpu.memory_space<hbm>> -> memref<1x80x128xi32, #tpu.memory_space<hbm>>
          %dma_wait3A_84 = tpu.memref_squeeze %dma_wait3A_83 : memref<1x80x128xi32, #tpu.memory_space<hbm>> -> memref<80x128xi32, #tpu.memory_space<hbm>>
          %dma_wait3A_85 = arith.constant 0 : i32
          %dma_wait3A_86 = tpu.memref_slice %dma_wait3A_84[%add3A_61, %dma_wait3A_85] : memref<80x128xi32, #tpu.memory_space<hbm>> -> memref<1x128xi32, #tpu.memory_space<hbm>>
          %dma_wait3A_87 = arith.constant 0 : i32
          %dma_wait3A_88 = arith.constant 0 : i32
          %dma_wait3A_89 = tpu.memref_slice %arg3[%add3A, %dma_wait3A_87, %dma_wait3A_88] : memref<32x80x128xi32, #tpu.memory_space<hbm>> -> memref<1x80x128xi32, #tpu.memory_space<hbm>>
          %dma_wait3A_90 = tpu.memref_squeeze %dma_wait3A_89 : memref<1x80x128xi32, #tpu.memory_space<hbm>> -> memref<80x128xi32, #tpu.memory_space<hbm>>
          %dma_wait3A_91 = arith.constant 0 : i32
          %dma_wait3A_92 = tpu.memref_slice %dma_wait3A_90[%add3A_61, %dma_wait3A_91] : memref<80x128xi32, #tpu.memory_space<hbm>> -> memref<1x128xi32, #tpu.memory_space<hbm>>
          tpu.wait_dma2 semaphore(%run_scoped3A : memref<!tpu.dma_semaphore, #tpu.memory_space<semaphore_mem>>) src(%dma_wait3A_92 : memref<1x128xi32, #tpu.memory_space<hbm>>) dst(%arg9 : memref<1x128xi32, #tpu.memory_space<vmem>>)
          tpu.yield
        }) : () -> ()
        %dma_start3A_62 = arith.constant 0 : i32
        %dma_start3A_63 = arith.constant 0 : i32
        %dma_start3A_64 = tpu.memref_slice %arg9[%dma_start3A_62, %dma_start3A_63] : memref<1x128xi32, #tpu.memory_space<vmem>> -> memref<1x128xi32, #tpu.memory_space<vmem>>
        %dma_start3A_65 = tpu.memref_squeeze %dma_start3A_64 : memref<1x128xi32, #tpu.memory_space<vmem>> -> memref<128xi32, #tpu.memory_space<vmem>>
        %dma_start3A_66 = arith.constant 0 : i32
        %dma_start3A_67 = arith.constant 0 : i32
        %dma_start3A_68 = tpu.memref_slice %arg2[%dma_start3A_66, %dma_start3A_67] : memref<10240x128xf32, #tpu.memory_space<hbm>> -> memref<10240x128xf32, #tpu.memory_space<hbm>>
        tpu.enqueue_indirect_dma source(%dma_start3A_68 : memref<10240x128xf32, #tpu.memory_space<hbm>>) target(%arg11 : memref<128x128xf32, #tpu.memory_space<vmem>>) offsets(%dma_start3A_65 : memref<128xi32, #tpu.memory_space<vmem>>) semaphore(%arg14 : memref<!tpu.dma_semaphore, #tpu.memory_space<semaphore_mem>>)
      } else {
      }
    }
    %scan3A_22 = arith.constant 40 : i32
    %barrier3A_23 = arith.constant 0 : index
    tpu.barrier barrier_id(%barrier3A_23)
    %mul3A_24 = arith.constant 640 : i32
    %mul3A_25 = arith.muli %arg1, %mul3A_24 : i32
    %mul3A_26 = arith.constant 10240 : i32
    %mul3A_27 = arith.muli %arg0, %mul3A_26 : i32
    %mul3A_28 = arith.constant 640 : i32
    %mul3A_29 = arith.muli %arg1, %mul3A_28 : i32
    %add3A_30 = arith.addi %mul3A_27, %mul3A_29 : i32
    "tpu.region"() ({
      %run_scoped3A = tpu.sem_alloc : memref<!tpu.dma_semaphore, #tpu.memory_space<semaphore_mem>>
      %dma_start3A_31 = arith.constant 0 : i32
      %dma_start3A_32 = tpu.memref_slice %arg6[%add3A_30, %dma_start3A_31] : memref<20480x128xf32, #tpu.memory_space<hbm>> -> memref<640x128xf32, #tpu.memory_space<hbm>>
      %dma_start3A_33 = arith.constant 0 : i32
      %dma_start3A_34 = tpu.memref_slice %arg12[%mul3A_25, %dma_start3A_33] : memref<10240x128xf32, #tpu.memory_space<vmem_shared>> -> memref<640x128xf32, #tpu.memory_space<vmem_shared>>
      tpu.enqueue_dma source(%dma_start3A_34 : memref<640x128xf32, #tpu.memory_space<vmem_shared>>) target(%dma_start3A_32 : memref<640x128xf32, #tpu.memory_space<hbm>>) target_semaphore(%run_scoped3A : memref<!tpu.dma_semaphore, #tpu.memory_space<semaphore_mem>>)
      %dma_wait3A = arith.constant 0 : i32
      %dma_wait3A_35 = tpu.memref_slice %arg6[%add3A_30, %dma_wait3A] : memref<20480x128xf32, #tpu.memory_space<hbm>> -> memref<640x128xf32, #tpu.memory_space<hbm>>
      %dma_wait3A_36 = arith.constant 0 : i32
      %dma_wait3A_37 = tpu.memref_slice %arg12[%mul3A_25, %dma_wait3A_36] : memref<10240x128xf32, #tpu.memory_space<vmem_shared>> -> memref<640x128xf32, #tpu.memory_space<vmem_shared>>
      tpu.wait_dma2 semaphore(%run_scoped3A : memref<!tpu.dma_semaphore, #tpu.memory_space<semaphore_mem>>) src(%dma_wait3A_37 : memref<640x128xf32, #tpu.memory_space<vmem_shared>>) dst(%dma_wait3A_35 : memref<640x128xf32, #tpu.memory_space<hbm>>)
      tpu.yield
    }) : () -> ()
    return
  }
}

#map = affine_map<(d0, d1) -> (0, 0)>
#map1 = affine_map<(d0, d1) -> (0, 0, 0)>
module attributes {stable_mosaic.version = 14 : i64} {
  func.func @_segsum_sc(%arg0: i32, %arg1: i32, %arg2: memref<10240x128xf32, #tpu.memory_space<hbm>>, %arg3: memref<32x80x128xi32, #tpu.memory_space<hbm>>, %arg4: memref<32x80x128xi32, #tpu.memory_space<hbm>>, %arg5: memref<10240x128xf32, #tpu.memory_space<hbm>>, %arg6: memref<20480x128xf32, #tpu.memory_space<hbm>>, %arg7: memref<80x128xi32, #tpu.memory_space<vmem>>, %arg8: memref<1x128xi32, #tpu.memory_space<vmem>>, %arg9: memref<1x128xi32, #tpu.memory_space<vmem>>, %arg10: memref<128x128xf32, #tpu.memory_space<vmem>>, %arg11: memref<128x128xf32, #tpu.memory_space<vmem>>, %arg12: memref<10240x128xf32, #tpu.memory_space<vmem_shared>>, %arg13: memref<!tpu.dma_semaphore, #tpu.memory_space<semaphore_mem>>, %arg14: memref<!tpu.dma_semaphore, #tpu.memory_space<semaphore_mem>>) attributes {dimension_semantics = [#tpu.dimension_semantics<core_parallel>, #tpu.dimension_semantics<subcore_parallel>], iteration_bounds = array<i64: 2, 16>, scalar_prefetch = 0 : i64, scratch_operands = 8 : i64, tpu.core_type = #tpu.core_type<sc_vector_subcore>, window_params = [{transform_indices = #map}, {transform_indices = #map1}, {transform_indices = #map1}, {transform_indices = #map}, {transform_indices = #map}]} {
    %mul3A = arith.constant 2 : i32
    %mul3A_0 = arith.muli %arg1, %mul3A : i32
    %add3A = arith.addi %mul3A_0, %arg0 : i32
    %mul3A_1 = arith.constant 640 : i32
    %mul3A_2 = arith.muli %arg1, %mul3A_1 : i32
    %mul3A_3 = arith.constant 640 : i32
    %mul3A_4 = arith.muli %arg1, %mul3A_3 : i32
    "tpu.region"() ({
      %run_scoped3A = tpu.sem_alloc : memref<!tpu.dma_semaphore, #tpu.memory_space<semaphore_mem>>
      %dma_start3A_31 = arith.constant 0 : i32
      %dma_start3A_32 = tpu.memref_slice %arg12[%mul3A_4, %dma_start3A_31] : memref<10240x128xf32, #tpu.memory_space<vmem_shared>> -> memref<640x128xf32, #tpu.memory_space<vmem_shared>>
      %dma_start3A_33 = arith.constant 0 : i32
      %dma_start3A_34 = tpu.memref_slice %arg5[%mul3A_2, %dma_start3A_33] : memref<10240x128xf32, #tpu.memory_space<hbm>> -> memref<640x128xf32, #tpu.memory_space<hbm>>
      tpu.enqueue_dma source(%dma_start3A_34 : memref<640x128xf32, #tpu.memory_space<hbm>>) target(%dma_start3A_32 : memref<640x128xf32, #tpu.memory_space<vmem_shared>>) target_semaphore(%run_scoped3A : memref<!tpu.dma_semaphore, #tpu.memory_space<semaphore_mem>>)
      %dma_wait3A = arith.constant 0 : i32
      %dma_wait3A_35 = tpu.memref_slice %arg12[%mul3A_4, %dma_wait3A] : memref<10240x128xf32, #tpu.memory_space<vmem_shared>> -> memref<640x128xf32, #tpu.memory_space<vmem_shared>>
      %dma_wait3A_36 = arith.constant 0 : i32
      %dma_wait3A_37 = tpu.memref_slice %arg5[%mul3A_2, %dma_wait3A_36] : memref<10240x128xf32, #tpu.memory_space<hbm>> -> memref<640x128xf32, #tpu.memory_space<hbm>>
      tpu.wait_dma2 semaphore(%run_scoped3A : memref<!tpu.dma_semaphore, #tpu.memory_space<semaphore_mem>>) src(%dma_wait3A_37 : memref<640x128xf32, #tpu.memory_space<hbm>>) dst(%dma_wait3A_35 : memref<640x128xf32, #tpu.memory_space<vmem_shared>>)
      tpu.yield
    }) : () -> ()
    "tpu.region"() ({
      %run_scoped3A = tpu.sem_alloc : memref<!tpu.dma_semaphore, #tpu.memory_space<semaphore_mem>>
      %dma_start3A_31 = arith.constant 0 : i32
      %dma_start3A_32 = arith.constant 0 : i32
      %dma_start3A_33 = tpu.memref_slice %arg4[%add3A, %dma_start3A_31, %dma_start3A_32] : memref<32x80x128xi32, #tpu.memory_space<hbm>> -> memref<1x80x128xi32, #tpu.memory_space<hbm>>
      %dma_start3A_34 = tpu.memref_squeeze %dma_start3A_33 : memref<1x80x128xi32, #tpu.memory_space<hbm>> -> memref<80x128xi32, #tpu.memory_space<hbm>>
      %dma_start3A_35 = arith.constant 0 : i32
      %dma_start3A_36 = arith.constant 0 : i32
      %dma_start3A_37 = tpu.memref_slice %arg4[%add3A, %dma_start3A_35, %dma_start3A_36] : memref<32x80x128xi32, #tpu.memory_space<hbm>> -> memref<1x80x128xi32, #tpu.memory_space<hbm>>
      %dma_start3A_38 = tpu.memref_squeeze %dma_start3A_37 : memref<1x80x128xi32, #tpu.memory_space<hbm>> -> memref<80x128xi32, #tpu.memory_space<hbm>>
      tpu.enqueue_dma source(%dma_start3A_38 : memref<80x128xi32, #tpu.memory_space<hbm>>) target(%arg7 : memref<80x128xi32, #tpu.memory_space<vmem>>) target_semaphore(%run_scoped3A : memref<!tpu.dma_semaphore, #tpu.memory_space<semaphore_mem>>)
      %dma_wait3A = arith.constant 0 : i32
      %dma_wait3A_39 = arith.constant 0 : i32
      %dma_wait3A_40 = tpu.memref_slice %arg4[%add3A, %dma_wait3A, %dma_wait3A_39] : memref<32x80x128xi32, #tpu.memory_space<hbm>> -> memref<1x80x128xi32, #tpu.memory_space<hbm>>
      %dma_wait3A_41 = tpu.memref_squeeze %dma_wait3A_40 : memref<1x80x128xi32, #tpu.memory_space<hbm>> -> memref<80x128xi32, #tpu.memory_space<hbm>>
      %dma_wait3A_42 = arith.constant 0 : i32
      %dma_wait3A_43 = arith.constant 0 : i32
      %dma_wait3A_44 = tpu.memref_slice %arg4[%add3A, %dma_wait3A_42, %dma_wait3A_43] : memref<32x80x128xi32, #tpu.memory_space<hbm>> -> memref<1x80x128xi32, #tpu.memory_space<hbm>>
      %dma_wait3A_45 = tpu.memref_squeeze %dma_wait3A_44 : memref<1x80x128xi32, #tpu.memory_space<hbm>> -> memref<80x128xi32, #tpu.memory_space<hbm>>
      tpu.wait_dma2 semaphore(%run_scoped3A : memref<!tpu.dma_semaphore, #tpu.memory_space<semaphore_mem>>) src(%dma_wait3A_45 : memref<80x128xi32, #tpu.memory_space<hbm>>) dst(%arg7 : memref<80x128xi32, #tpu.memory_space<vmem>>)
      tpu.yield
    }) : () -> ()
    "tpu.region"() ({
      %run_scoped3A = tpu.sem_alloc : memref<!tpu.dma_semaphore, #tpu.memory_space<semaphore_mem>>
      %dma_start3A_31 = arith.constant 0 : i32
      %dma_start3A_32 = arith.constant 0 : i32
      %dma_start3A_33 = tpu.memref_slice %arg3[%add3A, %dma_start3A_31, %dma_start3A_32] : memref<32x80x128xi32, #tpu.memory_space<hbm>> -> memref<1x80x128xi32, #tpu.memory_space<hbm>>
      %dma_start3A_34 = tpu.memref_squeeze %dma_start3A_33 : memref<1x80x128xi32, #tpu.memory_space<hbm>> -> memref<80x128xi32, #tpu.memory_space<hbm>>
      %dma_start3A_35 = arith.constant 0 : i32
      %dma_start3A_36 = arith.constant 0 : i32
      %dma_start3A_37 = tpu.memref_slice %dma_start3A_34[%dma_start3A_35, %dma_start3A_36] : memref<80x128xi32, #tpu.memory_space<hbm>> -> memref<1x128xi32, #tpu.memory_space<hbm>>
      %dma_start3A_38 = arith.constant 0 : i32
      %dma_start3A_39 = arith.constant 0 : i32
      %dma_start3A_40 = tpu.memref_slice %arg3[%add3A, %dma_start3A_38, %dma_start3A_39] : memref<32x80x128xi32, #tpu.memory_space<hbm>> -> memref<1x80x128xi32, #tpu.memory_space<hbm>>
      %dma_start3A_41 = tpu.memref_squeeze %dma_start3A_40 : memref<1x80x128xi32, #tpu.memory_space<hbm>> -> memref<80x128xi32, #tpu.memory_space<hbm>>
      %dma_start3A_42 = arith.constant 0 : i32
      %dma_start3A_43 = arith.constant 0 : i32
      %dma_start3A_44 = tpu.memref_slice %dma_start3A_41[%dma_start3A_42, %dma_start3A_43] : memref<80x128xi32, #tpu.memory_space<hbm>> -> memref<1x128xi32, #tpu.memory_space<hbm>>
      tpu.enqueue_dma source(%dma_start3A_44 : memref<1x128xi32, #tpu.memory_space<hbm>>) target(%arg8 : memref<1x128xi32, #tpu.memory_space<vmem>>) target_semaphore(%run_scoped3A : memref<!tpu.dma_semaphore, #tpu.memory_space<semaphore_mem>>)
      %dma_wait3A = arith.constant 0 : i32
      %dma_wait3A_45 = arith.constant 0 : i32
      %dma_wait3A_46 = tpu.memref_slice %arg3[%add3A, %dma_wait3A, %dma_wait3A_45] : memref<32x80x128xi32, #tpu.memory_space<hbm>> -> memref<1x80x128xi32, #tpu.memory_space<hbm>>
      %dma_wait3A_47 = tpu.memref_squeeze %dma_wait3A_46 : memref<1x80x128xi32, #tpu.memory_space<hbm>> -> memref<80x128xi32, #tpu.memory_space<hbm>>
      %dma_wait3A_48 = arith.constant 0 : i32
      %dma_wait3A_49 = arith.constant 0 : i32
      %dma_wait3A_50 = tpu.memref_slice %dma_wait3A_47[%dma_wait3A_48, %dma_wait3A_49] : memref<80x128xi32, #tpu.memory_space<hbm>> -> memref<1x128xi32, #tpu.memory_space<hbm>>
      %dma_wait3A_51 = arith.constant 0 : i32
      %dma_wait3A_52 = arith.constant 0 : i32
      %dma_wait3A_53 = tpu.memref_slice %arg3[%add3A, %dma_wait3A_51, %dma_wait3A_52] : memref<32x80x128xi32, #tpu.memory_space<hbm>> -> memref<1x80x128xi32, #tpu.memory_space<hbm>>
      %dma_wait3A_54 = tpu.memref_squeeze %dma_wait3A_53 : memref<1x80x128xi32, #tpu.memory_space<hbm>> -> memref<80x128xi32, #tpu.memory_space<hbm>>
      %dma_wait3A_55 = arith.constant 0 : i32
      %dma_wait3A_56 = arith.constant 0 : i32
      %dma_wait3A_57 = tpu.memref_slice %dma_wait3A_54[%dma_wait3A_55, %dma_wait3A_56] : memref<80x128xi32, #tpu.memory_space<hbm>> -> memref<1x128xi32, #tpu.memory_space<hbm>>
      tpu.wait_dma2 semaphore(%run_scoped3A : memref<!tpu.dma_semaphore, #tpu.memory_space<semaphore_mem>>) src(%dma_wait3A_57 : memref<1x128xi32, #tpu.memory_space<hbm>>) dst(%arg8 : memref<1x128xi32, #tpu.memory_space<vmem>>)
      tpu.yield
    }) : () -> ()
    %barrier3A = arith.constant 0 : index
    tpu.barrier barrier_id(%barrier3A)
    %dma_start3A = arith.constant 0 : i32
    %dma_start3A_5 = arith.constant 0 : i32
    %dma_start3A_6 = tpu.memref_slice %arg8[%dma_start3A, %dma_start3A_5] : memref<1x128xi32, #tpu.memory_space<vmem>> -> memref<1x128xi32, #tpu.memory_space<vmem>>
    %dma_start3A_7 = tpu.memref_squeeze %dma_start3A_6 : memref<1x128xi32, #tpu.memory_space<vmem>> -> memref<128xi32, #tpu.memory_space<vmem>>
    %dma_start3A_8 = arith.constant 0 : i32
    %dma_start3A_9 = arith.constant 0 : i32
    %dma_start3A_10 = tpu.memref_slice %arg2[%dma_start3A_8, %dma_start3A_9] : memref<10240x128xf32, #tpu.memory_space<hbm>> -> memref<10240x128xf32, #tpu.memory_space<hbm>>
    tpu.enqueue_indirect_dma source(%dma_start3A_10 : memref<10240x128xf32, #tpu.memory_space<hbm>>) target(%arg10 : memref<128x128xf32, #tpu.memory_space<vmem>>) offsets(%dma_start3A_7 : memref<128xi32, #tpu.memory_space<vmem>>) semaphore(%arg13 : memref<!tpu.dma_semaphore, #tpu.memory_space<semaphore_mem>>)
    "tpu.region"() ({
      %run_scoped3A = tpu.sem_alloc : memref<!tpu.dma_semaphore, #tpu.memory_space<semaphore_mem>>
      %dma_start3A_31 = arith.constant 0 : i32
      %dma_start3A_32 = arith.constant 0 : i32
      %dma_start3A_33 = tpu.memref_slice %arg3[%add3A, %dma_start3A_31, %dma_start3A_32] : memref<32x80x128xi32, #tpu.memory_space<hbm>> -> memref<1x80x128xi32, #tpu.memory_space<hbm>>
      %dma_start3A_34 = tpu.memref_squeeze %dma_start3A_33 : memref<1x80x128xi32, #tpu.memory_space<hbm>> -> memref<80x128xi32, #tpu.memory_space<hbm>>
      %dma_start3A_35 = arith.constant 1 : i32
      %dma_start3A_36 = arith.constant 0 : i32
      %dma_start3A_37 = tpu.memref_slice %dma_start3A_34[%dma_start3A_35, %dma_start3A_36] : memref<80x128xi32, #tpu.memory_space<hbm>> -> memref<1x128xi32, #tpu.memory_space<hbm>>
      %dma_start3A_38 = arith.constant 0 : i32
      %dma_start3A_39 = arith.constant 0 : i32
      %dma_start3A_40 = tpu.memref_slice %arg3[%add3A, %dma_start3A_38, %dma_start3A_39] : memref<32x80x128xi32, #tpu.memory_space<hbm>> -> memref<1x80x128xi32, #tpu.memory_space<hbm>>
      %dma_start3A_41 = tpu.memref_squeeze %dma_start3A_40 : memref<1x80x128xi32, #tpu.memory_space<hbm>> -> memref<80x128xi32, #tpu.memory_space<hbm>>
      %dma_start3A_42 = arith.constant 1 : i32
      %dma_start3A_43 = arith.constant 0 : i32
      %dma_start3A_44 = tpu.memref_slice %dma_start3A_41[%dma_start3A_42, %dma_start3A_43] : memref<80x128xi32, #tpu.memory_space<hbm>> -> memref<1x128xi32, #tpu.memory_space<hbm>>
      tpu.enqueue_dma source(%dma_start3A_44 : memref<1x128xi32, #tpu.memory_space<hbm>>) target(%arg9 : memref<1x128xi32, #tpu.memory_space<vmem>>) target_semaphore(%run_scoped3A : memref<!tpu.dma_semaphore, #tpu.memory_space<semaphore_mem>>)
      %dma_wait3A = arith.constant 0 : i32
      %dma_wait3A_45 = arith.constant 0 : i32
      %dma_wait3A_46 = tpu.memref_slice %arg3[%add3A, %dma_wait3A, %dma_wait3A_45] : memref<32x80x128xi32, #tpu.memory_space<hbm>> -> memref<1x80x128xi32, #tpu.memory_space<hbm>>
      %dma_wait3A_47 = tpu.memref_squeeze %dma_wait3A_46 : memref<1x80x128xi32, #tpu.memory_space<hbm>> -> memref<80x128xi32, #tpu.memory_space<hbm>>
      %dma_wait3A_48 = arith.constant 1 : i32
      %dma_wait3A_49 = arith.constant 0 : i32
      %dma_wait3A_50 = tpu.memref_slice %dma_wait3A_47[%dma_wait3A_48, %dma_wait3A_49] : memref<80x128xi32, #tpu.memory_space<hbm>> -> memref<1x128xi32, #tpu.memory_space<hbm>>
      %dma_wait3A_51 = arith.constant 0 : i32
      %dma_wait3A_52 = arith.constant 0 : i32
      %dma_wait3A_53 = tpu.memref_slice %arg3[%add3A, %dma_wait3A_51, %dma_wait3A_52] : memref<32x80x128xi32, #tpu.memory_space<hbm>> -> memref<1x80x128xi32, #tpu.memory_space<hbm>>
      %dma_wait3A_54 = tpu.memref_squeeze %dma_wait3A_53 : memref<1x80x128xi32, #tpu.memory_space<hbm>> -> memref<80x128xi32, #tpu.memory_space<hbm>>
      %dma_wait3A_55 = arith.constant 1 : i32
      %dma_wait3A_56 = arith.constant 0 : i32
      %dma_wait3A_57 = tpu.memref_slice %dma_wait3A_54[%dma_wait3A_55, %dma_wait3A_56] : memref<80x128xi32, #tpu.memory_space<hbm>> -> memref<1x128xi32, #tpu.memory_space<hbm>>
      tpu.wait_dma2 semaphore(%run_scoped3A : memref<!tpu.dma_semaphore, #tpu.memory_space<semaphore_mem>>) src(%dma_wait3A_57 : memref<1x128xi32, #tpu.memory_space<hbm>>) dst(%arg9 : memref<1x128xi32, #tpu.memory_space<vmem>>)
      tpu.yield
    }) : () -> ()
    %dma_start3A_11 = arith.constant 0 : i32
    %dma_start3A_12 = arith.constant 0 : i32
    %dma_start3A_13 = tpu.memref_slice %arg9[%dma_start3A_11, %dma_start3A_12] : memref<1x128xi32, #tpu.memory_space<vmem>> -> memref<1x128xi32, #tpu.memory_space<vmem>>
    %dma_start3A_14 = tpu.memref_squeeze %dma_start3A_13 : memref<1x128xi32, #tpu.memory_space<vmem>> -> memref<128xi32, #tpu.memory_space<vmem>>
    %dma_start3A_15 = arith.constant 0 : i32
    %dma_start3A_16 = arith.constant 0 : i32
    %dma_start3A_17 = tpu.memref_slice %arg2[%dma_start3A_15, %dma_start3A_16] : memref<10240x128xf32, #tpu.memory_space<hbm>> -> memref<10240x128xf32, #tpu.memory_space<hbm>>
    tpu.enqueue_indirect_dma source(%dma_start3A_17 : memref<10240x128xf32, #tpu.memory_space<hbm>>) target(%arg11 : memref<128x128xf32, #tpu.memory_space<vmem>>) offsets(%dma_start3A_14 : memref<128xi32, #tpu.memory_space<vmem>>) semaphore(%arg14 : memref<!tpu.dma_semaphore, #tpu.memory_space<semaphore_mem>>)
    %scan3A = arith.constant 0 : i32
    %scan3A_18 = arith.constant 0 : i32
    %scan3A_19 = arith.constant 40 : i32
    %scan3A_20 = arith.addi %scan3A_18, %scan3A_19 : i32
    %scan3A_21 = arith.constant 1 : i32
    scf.for %scan3A_31 = %scan3A_18 to %scan3A_20 step %scan3A_21  : i32 {
      %mul3A_32 = arith.constant 2 : i32
      %mul3A_33 = arith.muli %mul3A_32, %scan3A_31 : i32
      %dma_wait3A = arith.constant 0 : i32
      %dma_wait3A_34 = arith.constant 0 : i32
      %dma_wait3A_35 = tpu.memref_slice %arg8[%dma_wait3A, %dma_wait3A_34] : memref<1x128xi32, #tpu.memory_space<vmem>> -> memref<1x128xi32, #tpu.memory_space<vmem>>
      %dma_wait3A_36 = tpu.memref_squeeze %dma_wait3A_35 : memref<1x128xi32, #tpu.memory_space<vmem>> -> memref<128xi32, #tpu.memory_space<vmem>>
      %dma_wait3A_37 = arith.constant 0 : i32
      %dma_wait3A_38 = arith.constant 0 : i32
      %dma_wait3A_39 = tpu.memref_slice %arg2[%dma_wait3A_37, %dma_wait3A_38] : memref<10240x128xf32, #tpu.memory_space<hbm>> -> memref<10240x128xf32, #tpu.memory_space<hbm>>
      tpu.wait_indirect_dma semaphore(%arg13 : memref<!tpu.dma_semaphore, #tpu.memory_space<semaphore_mem>>) src(%dma_wait3A_39 : memref<10240x128xf32, #tpu.memory_space<hbm>>) dst(%arg10 : memref<128x128xf32, #tpu.memory_space<vmem>>)
      "tpu.region"() ({
        %run_scoped3A = tpu.sem_alloc : memref<!tpu.dma_semaphore, #tpu.memory_space<semaphore_mem>>
        %dma_start3A_60 = arith.constant 0 : i32
        %dma_start3A_61 = tpu.memref_slice %arg7[%mul3A_33, %dma_start3A_60] : memref<80x128xi32, #tpu.memory_space<vmem>> -> memref<1x128xi32, #tpu.memory_space<vmem>>
        %dma_start3A_62 = tpu.memref_squeeze %dma_start3A_61 : memref<1x128xi32, #tpu.memory_space<vmem>> -> memref<128xi32, #tpu.memory_space<vmem>>
        %dma_start3A_63 = arith.constant 0 : i32
        %dma_start3A_64 = arith.constant 0 : i32
        %dma_start3A_65 = tpu.memref_slice %arg12[%dma_start3A_63, %dma_start3A_64] : memref<10240x128xf32, #tpu.memory_space<vmem_shared>> -> memref<10240x128xf32, #tpu.memory_space<vmem_shared>>
        tpu.enqueue_indirect_dma source(%arg10 : memref<128x128xf32, #tpu.memory_space<vmem>>) target(%dma_start3A_65 : memref<10240x128xf32, #tpu.memory_space<vmem_shared>>) offsets(%dma_start3A_62 : memref<128xi32, #tpu.memory_space<vmem>>) semaphore(%run_scoped3A : memref<!tpu.dma_semaphore, #tpu.memory_space<semaphore_mem>>) {add = true}
        %dma_wait3A_66 = arith.constant 0 : i32
        %dma_wait3A_67 = tpu.memref_slice %arg7[%mul3A_33, %dma_wait3A_66] : memref<80x128xi32, #tpu.memory_space<vmem>> -> memref<1x128xi32, #tpu.memory_space<vmem>>
        %dma_wait3A_68 = tpu.memref_squeeze %dma_wait3A_67 : memref<1x128xi32, #tpu.memory_space<vmem>> -> memref<128xi32, #tpu.memory_space<vmem>>
        %dma_wait3A_69 = arith.constant 0 : i32
        %dma_wait3A_70 = arith.constant 0 : i32
        %dma_wait3A_71 = tpu.memref_slice %arg12[%dma_wait3A_69, %dma_wait3A_70] : memref<10240x128xf32, #tpu.memory_space<vmem_shared>> -> memref<10240x128xf32, #tpu.memory_space<vmem_shared>>
        tpu.wait_indirect_dma semaphore(%run_scoped3A : memref<!tpu.dma_semaphore, #tpu.memory_space<semaphore_mem>>) src(%arg10 : memref<128x128xf32, #tpu.memory_space<vmem>>) dst(%dma_wait3A_71 : memref<10240x128xf32, #tpu.memory_space<vmem_shared>>)
        tpu.yield
      }) : () -> ()
      %add3A_40 = arith.constant 2 : i32
      %add3A_41 = arith.addi %mul3A_33, %add3A_40 : i32
      %lt3A = arith.constant 80 : i32
      %lt3A_42 = arith.cmpi slt, %add3A_41, %lt3A : i32
      %convert_element_type3A = arith.extui %lt3A_42 : i1 to i32
      %cond3A = arith.constant 0 : i32
      %cond3A_43 = arith.cmpi ne, %convert_element_type3A, %cond3A : i32
      scf.if %cond3A_43 {
        %add3A_60 = arith.constant 2 : i32
        %add3A_61 = arith.addi %mul3A_33, %add3A_60 : i32
        "tpu.region"() ({
          %run_scoped3A = tpu.sem_alloc : memref<!tpu.dma_semaphore, #tpu.memory_space<semaphore_mem>>
          %dma_start3A_69 = arith.constant 0 : i32
          %dma_start3A_70 = arith.constant 0 : i32
          %dma_start3A_71 = tpu.memref_slice %arg3[%add3A, %dma_start3A_69, %dma_start3A_70] : memref<32x80x128xi32, #tpu.memory_space<hbm>> -> memref<1x80x128xi32, #tpu.memory_space<hbm>>
          %dma_start3A_72 = tpu.memref_squeeze %dma_start3A_71 : memref<1x80x128xi32, #tpu.memory_space<hbm>> -> memref<80x128xi32, #tpu.memory_space<hbm>>
          %dma_start3A_73 = arith.constant 0 : i32
          %dma_start3A_74 = tpu.memref_slice %dma_start3A_72[%add3A_61, %dma_start3A_73] : memref<80x128xi32, #tpu.memory_space<hbm>> -> memref<1x128xi32, #tpu.memory_space<hbm>>
          %dma_start3A_75 = arith.constant 0 : i32
          %dma_start3A_76 = arith.constant 0 : i32
          %dma_start3A_77 = tpu.memref_slice %arg3[%add3A, %dma_start3A_75, %dma_start3A_76] : memref<32x80x128xi32, #tpu.memory_space<hbm>> -> memref<1x80x128xi32, #tpu.memory_space<hbm>>
          %dma_start3A_78 = tpu.memref_squeeze %dma_start3A_77 : memref<1x80x128xi32, #tpu.memory_space<hbm>> -> memref<80x128xi32, #tpu.memory_space<hbm>>
          %dma_start3A_79 = arith.constant 0 : i32
          %dma_start3A_80 = tpu.memref_slice %dma_start3A_78[%add3A_61, %dma_start3A_79] : memref<80x128xi32, #tpu.memory_space<hbm>> -> memref<1x128xi32, #tpu.memory_space<hbm>>
          tpu.enqueue_dma source(%dma_start3A_80 : memref<1x128xi32, #tpu.memory_space<hbm>>) target(%arg8 : memref<1x128xi32, #tpu.memory_space<vmem>>) target_semaphore(%run_scoped3A : memref<!tpu.dma_semaphore, #tpu.memory_space<semaphore_mem>>)
          %dma_wait3A_81 = arith.constant 0 : i32
          %dma_wait3A_82 = arith.constant 0 : i32
          %dma_wait3A_83 = tpu.memref_slice %arg3[%add3A, %dma_wait3A_81, %dma_wait3A_82] : memref<32x80x128xi32, #tpu.memory_space<hbm>> -> memref<1x80x128xi32, #tpu.memory_space<hbm>>
          %dma_wait3A_84 = tpu.memref_squeeze %dma_wait3A_83 : memref<1x80x128xi32, #tpu.memory_space<hbm>> -> memref<80x128xi32, #tpu.memory_space<hbm>>
          %dma_wait3A_85 = arith.constant 0 : i32
          %dma_wait3A_86 = tpu.memref_slice %dma_wait3A_84[%add3A_61, %dma_wait3A_85] : memref<80x128xi32, #tpu.memory_space<hbm>> -> memref<1x128xi32, #tpu.memory_space<hbm>>
          %dma_wait3A_87 = arith.constant 0 : i32
          %dma_wait3A_88 = arith.constant 0 : i32
          %dma_wait3A_89 = tpu.memref_slice %arg3[%add3A, %dma_wait3A_87, %dma_wait3A_88] : memref<32x80x128xi32, #tpu.memory_space<hbm>> -> memref<1x80x128xi32, #tpu.memory_space<hbm>>
          %dma_wait3A_90 = tpu.memref_squeeze %dma_wait3A_89 : memref<1x80x128xi32, #tpu.memory_space<hbm>> -> memref<80x128xi32, #tpu.memory_space<hbm>>
          %dma_wait3A_91 = arith.constant 0 : i32
          %dma_wait3A_92 = tpu.memref_slice %dma_wait3A_90[%add3A_61, %dma_wait3A_91] : memref<80x128xi32, #tpu.memory_space<hbm>> -> memref<1x128xi32, #tpu.memory_space<hbm>>
          tpu.wait_dma2 semaphore(%run_scoped3A : memref<!tpu.dma_semaphore, #tpu.memory_space<semaphore_mem>>) src(%dma_wait3A_92 : memref<1x128xi32, #tpu.memory_space<hbm>>) dst(%arg8 : memref<1x128xi32, #tpu.memory_space<vmem>>)
          tpu.yield
        }) : () -> ()
        %dma_start3A_62 = arith.constant 0 : i32
        %dma_start3A_63 = arith.constant 0 : i32
        %dma_start3A_64 = tpu.memref_slice %arg8[%dma_start3A_62, %dma_start3A_63] : memref<1x128xi32, #tpu.memory_space<vmem>> -> memref<1x128xi32, #tpu.memory_space<vmem>>
        %dma_start3A_65 = tpu.memref_squeeze %dma_start3A_64 : memref<1x128xi32, #tpu.memory_space<vmem>> -> memref<128xi32, #tpu.memory_space<vmem>>
        %dma_start3A_66 = arith.constant 0 : i32
        %dma_start3A_67 = arith.constant 0 : i32
        %dma_start3A_68 = tpu.memref_slice %arg2[%dma_start3A_66, %dma_start3A_67] : memref<10240x128xf32, #tpu.memory_space<hbm>> -> memref<10240x128xf32, #tpu.memory_space<hbm>>
        tpu.enqueue_indirect_dma source(%dma_start3A_68 : memref<10240x128xf32, #tpu.memory_space<hbm>>) target(%arg10 : memref<128x128xf32, #tpu.memory_space<vmem>>) offsets(%dma_start3A_65 : memref<128xi32, #tpu.memory_space<vmem>>) semaphore(%arg13 : memref<!tpu.dma_semaphore, #tpu.memory_space<semaphore_mem>>)
      } else {
      }
      %dma_wait3A_44 = arith.constant 0 : i32
      %dma_wait3A_45 = arith.constant 0 : i32
      %dma_wait3A_46 = tpu.memref_slice %arg9[%dma_wait3A_44, %dma_wait3A_45] : memref<1x128xi32, #tpu.memory_space<vmem>> -> memref<1x128xi32, #tpu.memory_space<vmem>>
      %dma_wait3A_47 = tpu.memref_squeeze %dma_wait3A_46 : memref<1x128xi32, #tpu.memory_space<vmem>> -> memref<128xi32, #tpu.memory_space<vmem>>
      %dma_wait3A_48 = arith.constant 0 : i32
      %dma_wait3A_49 = arith.constant 0 : i32
      %dma_wait3A_50 = tpu.memref_slice %arg2[%dma_wait3A_48, %dma_wait3A_49] : memref<10240x128xf32, #tpu.memory_space<hbm>> -> memref<10240x128xf32, #tpu.memory_space<hbm>>
      tpu.wait_indirect_dma semaphore(%arg14 : memref<!tpu.dma_semaphore, #tpu.memory_space<semaphore_mem>>) src(%dma_wait3A_50 : memref<10240x128xf32, #tpu.memory_space<hbm>>) dst(%arg11 : memref<128x128xf32, #tpu.memory_space<vmem>>)
      %add3A_51 = arith.constant 1 : i32
      %add3A_52 = arith.addi %mul3A_33, %add3A_51 : i32
      "tpu.region"() ({
        %run_scoped3A = tpu.sem_alloc : memref<!tpu.dma_semaphore, #tpu.memory_space<semaphore_mem>>
        %dma_start3A_60 = arith.constant 0 : i32
        %dma_start3A_61 = tpu.memref_slice %arg7[%add3A_52, %dma_start3A_60] : memref<80x128xi32, #tpu.memory_space<vmem>> -> memref<1x128xi32, #tpu.memory_space<vmem>>
        %dma_start3A_62 = tpu.memref_squeeze %dma_start3A_61 : memref<1x128xi32, #tpu.memory_space<vmem>> -> memref<128xi32, #tpu.memory_space<vmem>>
        %dma_start3A_63 = arith.constant 0 : i32
        %dma_start3A_64 = arith.constant 0 : i32
        %dma_start3A_65 = tpu.memref_slice %arg12[%dma_start3A_63, %dma_start3A_64] : memref<10240x128xf32, #tpu.memory_space<vmem_shared>> -> memref<10240x128xf32, #tpu.memory_space<vmem_shared>>
        tpu.enqueue_indirect_dma source(%arg11 : memref<128x128xf32, #tpu.memory_space<vmem>>) target(%dma_start3A_65 : memref<10240x128xf32, #tpu.memory_space<vmem_shared>>) offsets(%dma_start3A_62 : memref<128xi32, #tpu.memory_space<vmem>>) semaphore(%run_scoped3A : memref<!tpu.dma_semaphore, #tpu.memory_space<semaphore_mem>>) {add = true}
        %dma_wait3A_66 = arith.constant 0 : i32
        %dma_wait3A_67 = tpu.memref_slice %arg7[%add3A_52, %dma_wait3A_66] : memref<80x128xi32, #tpu.memory_space<vmem>> -> memref<1x128xi32, #tpu.memory_space<vmem>>
        %dma_wait3A_68 = tpu.memref_squeeze %dma_wait3A_67 : memref<1x128xi32, #tpu.memory_space<vmem>> -> memref<128xi32, #tpu.memory_space<vmem>>
        %dma_wait3A_69 = arith.constant 0 : i32
        %dma_wait3A_70 = arith.constant 0 : i32
        %dma_wait3A_71 = tpu.memref_slice %arg12[%dma_wait3A_69, %dma_wait3A_70] : memref<10240x128xf32, #tpu.memory_space<vmem_shared>> -> memref<10240x128xf32, #tpu.memory_space<vmem_shared>>
        tpu.wait_indirect_dma semaphore(%run_scoped3A : memref<!tpu.dma_semaphore, #tpu.memory_space<semaphore_mem>>) src(%arg11 : memref<128x128xf32, #tpu.memory_space<vmem>>) dst(%dma_wait3A_71 : memref<10240x128xf32, #tpu.memory_space<vmem_shared>>)
        tpu.yield
      }) : () -> ()
      %add3A_53 = arith.constant 3 : i32
      %add3A_54 = arith.addi %mul3A_33, %add3A_53 : i32
      %lt3A_55 = arith.constant 80 : i32
      %lt3A_56 = arith.cmpi slt, %add3A_54, %lt3A_55 : i32
      %convert_element_type3A_57 = arith.extui %lt3A_56 : i1 to i32
      %cond3A_58 = arith.constant 0 : i32
      %cond3A_59 = arith.cmpi ne, %convert_element_type3A_57, %cond3A_58 : i32
      scf.if %cond3A_59 {
        %add3A_60 = arith.constant 3 : i32
        %add3A_61 = arith.addi %mul3A_33, %add3A_60 : i32
        "tpu.region"() ({
          %run_scoped3A = tpu.sem_alloc : memref<!tpu.dma_semaphore, #tpu.memory_space<semaphore_mem>>
          %dma_start3A_69 = arith.constant 0 : i32
          %dma_start3A_70 = arith.constant 0 : i32
          %dma_start3A_71 = tpu.memref_slice %arg3[%add3A, %dma_start3A_69, %dma_start3A_70] : memref<32x80x128xi32, #tpu.memory_space<hbm>> -> memref<1x80x128xi32, #tpu.memory_space<hbm>>
          %dma_start3A_72 = tpu.memref_squeeze %dma_start3A_71 : memref<1x80x128xi32, #tpu.memory_space<hbm>> -> memref<80x128xi32, #tpu.memory_space<hbm>>
          %dma_start3A_73 = arith.constant 0 : i32
          %dma_start3A_74 = tpu.memref_slice %dma_start3A_72[%add3A_61, %dma_start3A_73] : memref<80x128xi32, #tpu.memory_space<hbm>> -> memref<1x128xi32, #tpu.memory_space<hbm>>
          %dma_start3A_75 = arith.constant 0 : i32
          %dma_start3A_76 = arith.constant 0 : i32
          %dma_start3A_77 = tpu.memref_slice %arg3[%add3A, %dma_start3A_75, %dma_start3A_76] : memref<32x80x128xi32, #tpu.memory_space<hbm>> -> memref<1x80x128xi32, #tpu.memory_space<hbm>>
          %dma_start3A_78 = tpu.memref_squeeze %dma_start3A_77 : memref<1x80x128xi32, #tpu.memory_space<hbm>> -> memref<80x128xi32, #tpu.memory_space<hbm>>
          %dma_start3A_79 = arith.constant 0 : i32
          %dma_start3A_80 = tpu.memref_slice %dma_start3A_78[%add3A_61, %dma_start3A_79] : memref<80x128xi32, #tpu.memory_space<hbm>> -> memref<1x128xi32, #tpu.memory_space<hbm>>
          tpu.enqueue_dma source(%dma_start3A_80 : memref<1x128xi32, #tpu.memory_space<hbm>>) target(%arg9 : memref<1x128xi32, #tpu.memory_space<vmem>>) target_semaphore(%run_scoped3A : memref<!tpu.dma_semaphore, #tpu.memory_space<semaphore_mem>>)
          %dma_wait3A_81 = arith.constant 0 : i32
          %dma_wait3A_82 = arith.constant 0 : i32
          %dma_wait3A_83 = tpu.memref_slice %arg3[%add3A, %dma_wait3A_81, %dma_wait3A_82] : memref<32x80x128xi32, #tpu.memory_space<hbm>> -> memref<1x80x128xi32, #tpu.memory_space<hbm>>
          %dma_wait3A_84 = tpu.memref_squeeze %dma_wait3A_83 : memref<1x80x128xi32, #tpu.memory_space<hbm>> -> memref<80x128xi32, #tpu.memory_space<hbm>>
          %dma_wait3A_85 = arith.constant 0 : i32
          %dma_wait3A_86 = tpu.memref_slice %dma_wait3A_84[%add3A_61, %dma_wait3A_85] : memref<80x128xi32, #tpu.memory_space<hbm>> -> memref<1x128xi32, #tpu.memory_space<hbm>>
          %dma_wait3A_87 = arith.constant 0 : i32
          %dma_wait3A_88 = arith.constant 0 : i32
          %dma_wait3A_89 = tpu.memref_slice %arg3[%add3A, %dma_wait3A_87, %dma_wait3A_88] : memref<32x80x128xi32, #tpu.memory_space<hbm>> -> memref<1x80x128xi32, #tpu.memory_space<hbm>>
          %dma_wait3A_90 = tpu.memref_squeeze %dma_wait3A_89 : memref<1x80x128xi32, #tpu.memory_space<hbm>> -> memref<80x128xi32, #tpu.memory_space<hbm>>
          %dma_wait3A_91 = arith.constant 0 : i32
          %dma_wait3A_92 = tpu.memref_slice %dma_wait3A_90[%add3A_61, %dma_wait3A_91] : memref<80x128xi32, #tpu.memory_space<hbm>> -> memref<1x128xi32, #tpu.memory_space<hbm>>
          tpu.wait_dma2 semaphore(%run_scoped3A : memref<!tpu.dma_semaphore, #tpu.memory_space<semaphore_mem>>) src(%dma_wait3A_92 : memref<1x128xi32, #tpu.memory_space<hbm>>) dst(%arg9 : memref<1x128xi32, #tpu.memory_space<vmem>>)
          tpu.yield
        }) : () -> ()
        %dma_start3A_62 = arith.constant 0 : i32
        %dma_start3A_63 = arith.constant 0 : i32
        %dma_start3A_64 = tpu.memref_slice %arg9[%dma_start3A_62, %dma_start3A_63] : memref<1x128xi32, #tpu.memory_space<vmem>> -> memref<1x128xi32, #tpu.memory_space<vmem>>
        %dma_start3A_65 = tpu.memref_squeeze %dma_start3A_64 : memref<1x128xi32, #tpu.memory_space<vmem>> -> memref<128xi32, #tpu.memory_space<vmem>>
        %dma_start3A_66 = arith.constant 0 : i32
        %dma_start3A_67 = arith.constant 0 : i32
        %dma_start3A_68 = tpu.memref_slice %arg2[%dma_start3A_66, %dma_start3A_67] : memref<10240x128xf32, #tpu.memory_space<hbm>> -> memref<10240x128xf32, #tpu.memory_space<hbm>>
        tpu.enqueue_indirect_dma source(%dma_start3A_68 : memref<10240x128xf32, #tpu.memory_space<hbm>>) target(%arg11 : memref<128x128xf32, #tpu.memory_space<vmem>>) offsets(%dma_start3A_65 : memref<128xi32, #tpu.memory_space<vmem>>) semaphore(%arg14 : memref<!tpu.dma_semaphore, #tpu.memory_space<semaphore_mem>>)
      } else {
      }
    }
    %scan3A_22 = arith.constant 40 : i32
    %barrier3A_23 = arith.constant 0 : index
    tpu.barrier barrier_id(%barrier3A_23)
    %mul3A_24 = arith.constant 640 : i32
    %mul3A_25 = arith.muli %arg1, %mul3A_24 : i32
    %mul3A_26 = arith.constant 10240 : i32
    %mul3A_27 = arith.muli %arg0, %mul3A_26 : i32
    %mul3A_28 = arith.constant 640 : i32
    %mul3A_29 = arith.muli %arg1, %mul3A_28 : i32
    %add3A_30 = arith.addi %mul3A_27, %mul3A_29 : i32
    "tpu.region"() ({
      %run_scoped3A = tpu.sem_alloc : memref<!tpu.dma_semaphore, #tpu.memory_space<semaphore_mem>>
      %dma_start3A_31 = arith.constant 0 : i32
      %dma_start3A_32 = tpu.memref_slice %arg6[%add3A_30, %dma_start3A_31] : memref<20480x128xf32, #tpu.memory_space<hbm>> -> memref<640x128xf32, #tpu.memory_space<hbm>>
      %dma_start3A_33 = arith.constant 0 : i32
      %dma_start3A_34 = tpu.memref_slice %arg12[%mul3A_25, %dma_start3A_33] : memref<10240x128xf32, #tpu.memory_space<vmem_shared>> -> memref<640x128xf32, #tpu.memory_space<vmem_shared>>
      tpu.enqueue_dma source(%dma_start3A_34 : memref<640x128xf32, #tpu.memory_space<vmem_shared>>) target(%dma_start3A_32 : memref<640x128xf32, #tpu.memory_space<hbm>>) target_semaphore(%run_scoped3A : memref<!tpu.dma_semaphore, #tpu.memory_space<semaphore_mem>>)
      %dma_wait3A = arith.constant 0 : i32
      %dma_wait3A_35 = tpu.memref_slice %arg6[%add3A_30, %dma_wait3A] : memref<20480x128xf32, #tpu.memory_space<hbm>> -> memref<640x128xf32, #tpu.memory_space<hbm>>
      %dma_wait3A_36 = arith.constant 0 : i32
      %dma_wait3A_37 = tpu.memref_slice %arg12[%mul3A_25, %dma_wait3A_36] : memref<10240x128xf32, #tpu.memory_space<vmem_shared>> -> memref<640x128xf32, #tpu.memory_space<vmem_shared>>
      tpu.wait_dma2 semaphore(%run_scoped3A : memref<!tpu.dma_semaphore, #tpu.memory_space<semaphore_mem>>) src(%dma_wait3A_37 : memref<640x128xf32, #tpu.memory_space<vmem_shared>>) dst(%dma_wait3A_35 : memref<640x128xf32, #tpu.memory_space<hbm>>)
      tpu.yield
    }) : () -> ()
    return
  }
}

#map = affine_map<(d0, d1) -> (0, 0)>
#map1 = affine_map<(d0, d1) -> (0, 0, 0)>
module attributes {stable_mosaic.version = 14 : i64} {
  func.func @_segsum_sc(%arg0: i32, %arg1: i32, %arg2: memref<10240x128xf32, #tpu.memory_space<hbm>>, %arg3: memref<32x80x128xi32, #tpu.memory_space<hbm>>, %arg4: memref<32x80x128xi32, #tpu.memory_space<hbm>>, %arg5: memref<10240x128xf32, #tpu.memory_space<hbm>>, %arg6: memref<20480x128xf32, #tpu.memory_space<hbm>>, %arg7: memref<80x128xi32, #tpu.memory_space<vmem>>, %arg8: memref<1x128xi32, #tpu.memory_space<vmem>>, %arg9: memref<1x128xi32, #tpu.memory_space<vmem>>, %arg10: memref<128x128xf32, #tpu.memory_space<vmem>>, %arg11: memref<128x128xf32, #tpu.memory_space<vmem>>, %arg12: memref<10240x128xf32, #tpu.memory_space<vmem_shared>>, %arg13: memref<!tpu.dma_semaphore, #tpu.memory_space<semaphore_mem>>, %arg14: memref<!tpu.dma_semaphore, #tpu.memory_space<semaphore_mem>>) attributes {dimension_semantics = [#tpu.dimension_semantics<core_parallel>, #tpu.dimension_semantics<subcore_parallel>], iteration_bounds = array<i64: 2, 16>, scalar_prefetch = 0 : i64, scratch_operands = 8 : i64, tpu.core_type = #tpu.core_type<sc_vector_subcore>, window_params = [{transform_indices = #map}, {transform_indices = #map1}, {transform_indices = #map1}, {transform_indices = #map}, {transform_indices = #map}]} {
    %mul3A = arith.constant 2 : i32
    %mul3A_0 = arith.muli %arg1, %mul3A : i32
    %add3A = arith.addi %mul3A_0, %arg0 : i32
    %mul3A_1 = arith.constant 640 : i32
    %mul3A_2 = arith.muli %arg1, %mul3A_1 : i32
    %mul3A_3 = arith.constant 640 : i32
    %mul3A_4 = arith.muli %arg1, %mul3A_3 : i32
    "tpu.region"() ({
      %run_scoped3A = tpu.sem_alloc : memref<!tpu.dma_semaphore, #tpu.memory_space<semaphore_mem>>
      %dma_start3A_31 = arith.constant 0 : i32
      %dma_start3A_32 = tpu.memref_slice %arg12[%mul3A_4, %dma_start3A_31] : memref<10240x128xf32, #tpu.memory_space<vmem_shared>> -> memref<640x128xf32, #tpu.memory_space<vmem_shared>>
      %dma_start3A_33 = arith.constant 0 : i32
      %dma_start3A_34 = tpu.memref_slice %arg5[%mul3A_2, %dma_start3A_33] : memref<10240x128xf32, #tpu.memory_space<hbm>> -> memref<640x128xf32, #tpu.memory_space<hbm>>
      tpu.enqueue_dma source(%dma_start3A_34 : memref<640x128xf32, #tpu.memory_space<hbm>>) target(%dma_start3A_32 : memref<640x128xf32, #tpu.memory_space<vmem_shared>>) target_semaphore(%run_scoped3A : memref<!tpu.dma_semaphore, #tpu.memory_space<semaphore_mem>>)
      %dma_wait3A = arith.constant 0 : i32
      %dma_wait3A_35 = tpu.memref_slice %arg12[%mul3A_4, %dma_wait3A] : memref<10240x128xf32, #tpu.memory_space<vmem_shared>> -> memref<640x128xf32, #tpu.memory_space<vmem_shared>>
      %dma_wait3A_36 = arith.constant 0 : i32
      %dma_wait3A_37 = tpu.memref_slice %arg5[%mul3A_2, %dma_wait3A_36] : memref<10240x128xf32, #tpu.memory_space<hbm>> -> memref<640x128xf32, #tpu.memory_space<hbm>>
      tpu.wait_dma2 semaphore(%run_scoped3A : memref<!tpu.dma_semaphore, #tpu.memory_space<semaphore_mem>>) src(%dma_wait3A_37 : memref<640x128xf32, #tpu.memory_space<hbm>>) dst(%dma_wait3A_35 : memref<640x128xf32, #tpu.memory_space<vmem_shared>>)
      tpu.yield
    }) : () -> ()
    "tpu.region"() ({
      %run_scoped3A = tpu.sem_alloc : memref<!tpu.dma_semaphore, #tpu.memory_space<semaphore_mem>>
      %dma_start3A_31 = arith.constant 0 : i32
      %dma_start3A_32 = arith.constant 0 : i32
      %dma_start3A_33 = tpu.memref_slice %arg4[%add3A, %dma_start3A_31, %dma_start3A_32] : memref<32x80x128xi32, #tpu.memory_space<hbm>> -> memref<1x80x128xi32, #tpu.memory_space<hbm>>
      %dma_start3A_34 = tpu.memref_squeeze %dma_start3A_33 : memref<1x80x128xi32, #tpu.memory_space<hbm>> -> memref<80x128xi32, #tpu.memory_space<hbm>>
      %dma_start3A_35 = arith.constant 0 : i32
      %dma_start3A_36 = arith.constant 0 : i32
      %dma_start3A_37 = tpu.memref_slice %arg4[%add3A, %dma_start3A_35, %dma_start3A_36] : memref<32x80x128xi32, #tpu.memory_space<hbm>> -> memref<1x80x128xi32, #tpu.memory_space<hbm>>
      %dma_start3A_38 = tpu.memref_squeeze %dma_start3A_37 : memref<1x80x128xi32, #tpu.memory_space<hbm>> -> memref<80x128xi32, #tpu.memory_space<hbm>>
      tpu.enqueue_dma source(%dma_start3A_38 : memref<80x128xi32, #tpu.memory_space<hbm>>) target(%arg7 : memref<80x128xi32, #tpu.memory_space<vmem>>) target_semaphore(%run_scoped3A : memref<!tpu.dma_semaphore, #tpu.memory_space<semaphore_mem>>)
      %dma_wait3A = arith.constant 0 : i32
      %dma_wait3A_39 = arith.constant 0 : i32
      %dma_wait3A_40 = tpu.memref_slice %arg4[%add3A, %dma_wait3A, %dma_wait3A_39] : memref<32x80x128xi32, #tpu.memory_space<hbm>> -> memref<1x80x128xi32, #tpu.memory_space<hbm>>
      %dma_wait3A_41 = tpu.memref_squeeze %dma_wait3A_40 : memref<1x80x128xi32, #tpu.memory_space<hbm>> -> memref<80x128xi32, #tpu.memory_space<hbm>>
      %dma_wait3A_42 = arith.constant 0 : i32
      %dma_wait3A_43 = arith.constant 0 : i32
      %dma_wait3A_44 = tpu.memref_slice %arg4[%add3A, %dma_wait3A_42, %dma_wait3A_43] : memref<32x80x128xi32, #tpu.memory_space<hbm>> -> memref<1x80x128xi32, #tpu.memory_space<hbm>>
      %dma_wait3A_45 = tpu.memref_squeeze %dma_wait3A_44 : memref<1x80x128xi32, #tpu.memory_space<hbm>> -> memref<80x128xi32, #tpu.memory_space<hbm>>
      tpu.wait_dma2 semaphore(%run_scoped3A : memref<!tpu.dma_semaphore, #tpu.memory_space<semaphore_mem>>) src(%dma_wait3A_45 : memref<80x128xi32, #tpu.memory_space<hbm>>) dst(%arg7 : memref<80x128xi32, #tpu.memory_space<vmem>>)
      tpu.yield
    }) : () -> ()
    "tpu.region"() ({
      %run_scoped3A = tpu.sem_alloc : memref<!tpu.dma_semaphore, #tpu.memory_space<semaphore_mem>>
      %dma_start3A_31 = arith.constant 0 : i32
      %dma_start3A_32 = arith.constant 0 : i32
      %dma_start3A_33 = tpu.memref_slice %arg3[%add3A, %dma_start3A_31, %dma_start3A_32] : memref<32x80x128xi32, #tpu.memory_space<hbm>> -> memref<1x80x128xi32, #tpu.memory_space<hbm>>
      %dma_start3A_34 = tpu.memref_squeeze %dma_start3A_33 : memref<1x80x128xi32, #tpu.memory_space<hbm>> -> memref<80x128xi32, #tpu.memory_space<hbm>>
      %dma_start3A_35 = arith.constant 0 : i32
      %dma_start3A_36 = arith.constant 0 : i32
      %dma_start3A_37 = tpu.memref_slice %dma_start3A_34[%dma_start3A_35, %dma_start3A_36] : memref<80x128xi32, #tpu.memory_space<hbm>> -> memref<1x128xi32, #tpu.memory_space<hbm>>
      %dma_start3A_38 = arith.constant 0 : i32
      %dma_start3A_39 = arith.constant 0 : i32
      %dma_start3A_40 = tpu.memref_slice %arg3[%add3A, %dma_start3A_38, %dma_start3A_39] : memref<32x80x128xi32, #tpu.memory_space<hbm>> -> memref<1x80x128xi32, #tpu.memory_space<hbm>>
      %dma_start3A_41 = tpu.memref_squeeze %dma_start3A_40 : memref<1x80x128xi32, #tpu.memory_space<hbm>> -> memref<80x128xi32, #tpu.memory_space<hbm>>
      %dma_start3A_42 = arith.constant 0 : i32
      %dma_start3A_43 = arith.constant 0 : i32
      %dma_start3A_44 = tpu.memref_slice %dma_start3A_41[%dma_start3A_42, %dma_start3A_43] : memref<80x128xi32, #tpu.memory_space<hbm>> -> memref<1x128xi32, #tpu.memory_space<hbm>>
      tpu.enqueue_dma source(%dma_start3A_44 : memref<1x128xi32, #tpu.memory_space<hbm>>) target(%arg8 : memref<1x128xi32, #tpu.memory_space<vmem>>) target_semaphore(%run_scoped3A : memref<!tpu.dma_semaphore, #tpu.memory_space<semaphore_mem>>)
      %dma_wait3A = arith.constant 0 : i32
      %dma_wait3A_45 = arith.constant 0 : i32
      %dma_wait3A_46 = tpu.memref_slice %arg3[%add3A, %dma_wait3A, %dma_wait3A_45] : memref<32x80x128xi32, #tpu.memory_space<hbm>> -> memref<1x80x128xi32, #tpu.memory_space<hbm>>
      %dma_wait3A_47 = tpu.memref_squeeze %dma_wait3A_46 : memref<1x80x128xi32, #tpu.memory_space<hbm>> -> memref<80x128xi32, #tpu.memory_space<hbm>>
      %dma_wait3A_48 = arith.constant 0 : i32
      %dma_wait3A_49 = arith.constant 0 : i32
      %dma_wait3A_50 = tpu.memref_slice %dma_wait3A_47[%dma_wait3A_48, %dma_wait3A_49] : memref<80x128xi32, #tpu.memory_space<hbm>> -> memref<1x128xi32, #tpu.memory_space<hbm>>
      %dma_wait3A_51 = arith.constant 0 : i32
      %dma_wait3A_52 = arith.constant 0 : i32
      %dma_wait3A_53 = tpu.memref_slice %arg3[%add3A, %dma_wait3A_51, %dma_wait3A_52] : memref<32x80x128xi32, #tpu.memory_space<hbm>> -> memref<1x80x128xi32, #tpu.memory_space<hbm>>
      %dma_wait3A_54 = tpu.memref_squeeze %dma_wait3A_53 : memref<1x80x128xi32, #tpu.memory_space<hbm>> -> memref<80x128xi32, #tpu.memory_space<hbm>>
      %dma_wait3A_55 = arith.constant 0 : i32
      %dma_wait3A_56 = arith.constant 0 : i32
      %dma_wait3A_57 = tpu.memref_slice %dma_wait3A_54[%dma_wait3A_55, %dma_wait3A_56] : memref<80x128xi32, #tpu.memory_space<hbm>> -> memref<1x128xi32, #tpu.memory_space<hbm>>
      tpu.wait_dma2 semaphore(%run_scoped3A : memref<!tpu.dma_semaphore, #tpu.memory_space<semaphore_mem>>) src(%dma_wait3A_57 : memref<1x128xi32, #tpu.memory_space<hbm>>) dst(%arg8 : memref<1x128xi32, #tpu.memory_space<vmem>>)
      tpu.yield
    }) : () -> ()
    %barrier3A = arith.constant 0 : index
    tpu.barrier barrier_id(%barrier3A)
    %dma_start3A = arith.constant 0 : i32
    %dma_start3A_5 = arith.constant 0 : i32
    %dma_start3A_6 = tpu.memref_slice %arg8[%dma_start3A, %dma_start3A_5] : memref<1x128xi32, #tpu.memory_space<vmem>> -> memref<1x128xi32, #tpu.memory_space<vmem>>
    %dma_start3A_7 = tpu.memref_squeeze %dma_start3A_6 : memref<1x128xi32, #tpu.memory_space<vmem>> -> memref<128xi32, #tpu.memory_space<vmem>>
    %dma_start3A_8 = arith.constant 0 : i32
    %dma_start3A_9 = arith.constant 0 : i32
    %dma_start3A_10 = tpu.memref_slice %arg2[%dma_start3A_8, %dma_start3A_9] : memref<10240x128xf32, #tpu.memory_space<hbm>> -> memref<10240x128xf32, #tpu.memory_space<hbm>>
    tpu.enqueue_indirect_dma source(%dma_start3A_10 : memref<10240x128xf32, #tpu.memory_space<hbm>>) target(%arg10 : memref<128x128xf32, #tpu.memory_space<vmem>>) offsets(%dma_start3A_7 : memref<128xi32, #tpu.memory_space<vmem>>) semaphore(%arg13 : memref<!tpu.dma_semaphore, #tpu.memory_space<semaphore_mem>>)
    "tpu.region"() ({
      %run_scoped3A = tpu.sem_alloc : memref<!tpu.dma_semaphore, #tpu.memory_space<semaphore_mem>>
      %dma_start3A_31 = arith.constant 0 : i32
      %dma_start3A_32 = arith.constant 0 : i32
      %dma_start3A_33 = tpu.memref_slice %arg3[%add3A, %dma_start3A_31, %dma_start3A_32] : memref<32x80x128xi32, #tpu.memory_space<hbm>> -> memref<1x80x128xi32, #tpu.memory_space<hbm>>
      %dma_start3A_34 = tpu.memref_squeeze %dma_start3A_33 : memref<1x80x128xi32, #tpu.memory_space<hbm>> -> memref<80x128xi32, #tpu.memory_space<hbm>>
      %dma_start3A_35 = arith.constant 1 : i32
      %dma_start3A_36 = arith.constant 0 : i32
      %dma_start3A_37 = tpu.memref_slice %dma_start3A_34[%dma_start3A_35, %dma_start3A_36] : memref<80x128xi32, #tpu.memory_space<hbm>> -> memref<1x128xi32, #tpu.memory_space<hbm>>
      %dma_start3A_38 = arith.constant 0 : i32
      %dma_start3A_39 = arith.constant 0 : i32
      %dma_start3A_40 = tpu.memref_slice %arg3[%add3A, %dma_start3A_38, %dma_start3A_39] : memref<32x80x128xi32, #tpu.memory_space<hbm>> -> memref<1x80x128xi32, #tpu.memory_space<hbm>>
      %dma_start3A_41 = tpu.memref_squeeze %dma_start3A_40 : memref<1x80x128xi32, #tpu.memory_space<hbm>> -> memref<80x128xi32, #tpu.memory_space<hbm>>
      %dma_start3A_42 = arith.constant 1 : i32
      %dma_start3A_43 = arith.constant 0 : i32
      %dma_start3A_44 = tpu.memref_slice %dma_start3A_41[%dma_start3A_42, %dma_start3A_43] : memref<80x128xi32, #tpu.memory_space<hbm>> -> memref<1x128xi32, #tpu.memory_space<hbm>>
      tpu.enqueue_dma source(%dma_start3A_44 : memref<1x128xi32, #tpu.memory_space<hbm>>) target(%arg9 : memref<1x128xi32, #tpu.memory_space<vmem>>) target_semaphore(%run_scoped3A : memref<!tpu.dma_semaphore, #tpu.memory_space<semaphore_mem>>)
      %dma_wait3A = arith.constant 0 : i32
      %dma_wait3A_45 = arith.constant 0 : i32
      %dma_wait3A_46 = tpu.memref_slice %arg3[%add3A, %dma_wait3A, %dma_wait3A_45] : memref<32x80x128xi32, #tpu.memory_space<hbm>> -> memref<1x80x128xi32, #tpu.memory_space<hbm>>
      %dma_wait3A_47 = tpu.memref_squeeze %dma_wait3A_46 : memref<1x80x128xi32, #tpu.memory_space<hbm>> -> memref<80x128xi32, #tpu.memory_space<hbm>>
      %dma_wait3A_48 = arith.constant 1 : i32
      %dma_wait3A_49 = arith.constant 0 : i32
      %dma_wait3A_50 = tpu.memref_slice %dma_wait3A_47[%dma_wait3A_48, %dma_wait3A_49] : memref<80x128xi32, #tpu.memory_space<hbm>> -> memref<1x128xi32, #tpu.memory_space<hbm>>
      %dma_wait3A_51 = arith.constant 0 : i32
      %dma_wait3A_52 = arith.constant 0 : i32
      %dma_wait3A_53 = tpu.memref_slice %arg3[%add3A, %dma_wait3A_51, %dma_wait3A_52] : memref<32x80x128xi32, #tpu.memory_space<hbm>> -> memref<1x80x128xi32, #tpu.memory_space<hbm>>
      %dma_wait3A_54 = tpu.memref_squeeze %dma_wait3A_53 : memref<1x80x128xi32, #tpu.memory_space<hbm>> -> memref<80x128xi32, #tpu.memory_space<hbm>>
      %dma_wait3A_55 = arith.constant 1 : i32
      %dma_wait3A_56 = arith.constant 0 : i32
      %dma_wait3A_57 = tpu.memref_slice %dma_wait3A_54[%dma_wait3A_55, %dma_wait3A_56] : memref<80x128xi32, #tpu.memory_space<hbm>> -> memref<1x128xi32, #tpu.memory_space<hbm>>
      tpu.wait_dma2 semaphore(%run_scoped3A : memref<!tpu.dma_semaphore, #tpu.memory_space<semaphore_mem>>) src(%dma_wait3A_57 : memref<1x128xi32, #tpu.memory_space<hbm>>) dst(%arg9 : memref<1x128xi32, #tpu.memory_space<vmem>>)
      tpu.yield
    }) : () -> ()
    %dma_start3A_11 = arith.constant 0 : i32
    %dma_start3A_12 = arith.constant 0 : i32
    %dma_start3A_13 = tpu.memref_slice %arg9[%dma_start3A_11, %dma_start3A_12] : memref<1x128xi32, #tpu.memory_space<vmem>> -> memref<1x128xi32, #tpu.memory_space<vmem>>
    %dma_start3A_14 = tpu.memref_squeeze %dma_start3A_13 : memref<1x128xi32, #tpu.memory_space<vmem>> -> memref<128xi32, #tpu.memory_space<vmem>>
    %dma_start3A_15 = arith.constant 0 : i32
    %dma_start3A_16 = arith.constant 0 : i32
    %dma_start3A_17 = tpu.memref_slice %arg2[%dma_start3A_15, %dma_start3A_16] : memref<10240x128xf32, #tpu.memory_space<hbm>> -> memref<10240x128xf32, #tpu.memory_space<hbm>>
    tpu.enqueue_indirect_dma source(%dma_start3A_17 : memref<10240x128xf32, #tpu.memory_space<hbm>>) target(%arg11 : memref<128x128xf32, #tpu.memory_space<vmem>>) offsets(%dma_start3A_14 : memref<128xi32, #tpu.memory_space<vmem>>) semaphore(%arg14 : memref<!tpu.dma_semaphore, #tpu.memory_space<semaphore_mem>>)
    %scan3A = arith.constant 0 : i32
    %scan3A_18 = arith.constant 0 : i32
    %scan3A_19 = arith.constant 40 : i32
    %scan3A_20 = arith.addi %scan3A_18, %scan3A_19 : i32
    %scan3A_21 = arith.constant 1 : i32
    scf.for %scan3A_31 = %scan3A_18 to %scan3A_20 step %scan3A_21  : i32 {
      %mul3A_32 = arith.constant 2 : i32
      %mul3A_33 = arith.muli %mul3A_32, %scan3A_31 : i32
      %dma_wait3A = arith.constant 0 : i32
      %dma_wait3A_34 = arith.constant 0 : i32
      %dma_wait3A_35 = tpu.memref_slice %arg8[%dma_wait3A, %dma_wait3A_34] : memref<1x128xi32, #tpu.memory_space<vmem>> -> memref<1x128xi32, #tpu.memory_space<vmem>>
      %dma_wait3A_36 = tpu.memref_squeeze %dma_wait3A_35 : memref<1x128xi32, #tpu.memory_space<vmem>> -> memref<128xi32, #tpu.memory_space<vmem>>
      %dma_wait3A_37 = arith.constant 0 : i32
      %dma_wait3A_38 = arith.constant 0 : i32
      %dma_wait3A_39 = tpu.memref_slice %arg2[%dma_wait3A_37, %dma_wait3A_38] : memref<10240x128xf32, #tpu.memory_space<hbm>> -> memref<10240x128xf32, #tpu.memory_space<hbm>>
      tpu.wait_indirect_dma semaphore(%arg13 : memref<!tpu.dma_semaphore, #tpu.memory_space<semaphore_mem>>) src(%dma_wait3A_39 : memref<10240x128xf32, #tpu.memory_space<hbm>>) dst(%arg10 : memref<128x128xf32, #tpu.memory_space<vmem>>)
      "tpu.region"() ({
        %run_scoped3A = tpu.sem_alloc : memref<!tpu.dma_semaphore, #tpu.memory_space<semaphore_mem>>
        %dma_start3A_60 = arith.constant 0 : i32
        %dma_start3A_61 = tpu.memref_slice %arg7[%mul3A_33, %dma_start3A_60] : memref<80x128xi32, #tpu.memory_space<vmem>> -> memref<1x128xi32, #tpu.memory_space<vmem>>
        %dma_start3A_62 = tpu.memref_squeeze %dma_start3A_61 : memref<1x128xi32, #tpu.memory_space<vmem>> -> memref<128xi32, #tpu.memory_space<vmem>>
        %dma_start3A_63 = arith.constant 0 : i32
        %dma_start3A_64 = arith.constant 0 : i32
        %dma_start3A_65 = tpu.memref_slice %arg12[%dma_start3A_63, %dma_start3A_64] : memref<10240x128xf32, #tpu.memory_space<vmem_shared>> -> memref<10240x128xf32, #tpu.memory_space<vmem_shared>>
        tpu.enqueue_indirect_dma source(%arg10 : memref<128x128xf32, #tpu.memory_space<vmem>>) target(%dma_start3A_65 : memref<10240x128xf32, #tpu.memory_space<vmem_shared>>) offsets(%dma_start3A_62 : memref<128xi32, #tpu.memory_space<vmem>>) semaphore(%run_scoped3A : memref<!tpu.dma_semaphore, #tpu.memory_space<semaphore_mem>>) {add = true}
        %dma_wait3A_66 = arith.constant 0 : i32
        %dma_wait3A_67 = tpu.memref_slice %arg7[%mul3A_33, %dma_wait3A_66] : memref<80x128xi32, #tpu.memory_space<vmem>> -> memref<1x128xi32, #tpu.memory_space<vmem>>
        %dma_wait3A_68 = tpu.memref_squeeze %dma_wait3A_67 : memref<1x128xi32, #tpu.memory_space<vmem>> -> memref<128xi32, #tpu.memory_space<vmem>>
        %dma_wait3A_69 = arith.constant 0 : i32
        %dma_wait3A_70 = arith.constant 0 : i32
        %dma_wait3A_71 = tpu.memref_slice %arg12[%dma_wait3A_69, %dma_wait3A_70] : memref<10240x128xf32, #tpu.memory_space<vmem_shared>> -> memref<10240x128xf32, #tpu.memory_space<vmem_shared>>
        tpu.wait_indirect_dma semaphore(%run_scoped3A : memref<!tpu.dma_semaphore, #tpu.memory_space<semaphore_mem>>) src(%arg10 : memref<128x128xf32, #tpu.memory_space<vmem>>) dst(%dma_wait3A_71 : memref<10240x128xf32, #tpu.memory_space<vmem_shared>>)
        tpu.yield
      }) : () -> ()
      %add3A_40 = arith.constant 2 : i32
      %add3A_41 = arith.addi %mul3A_33, %add3A_40 : i32
      %lt3A = arith.constant 80 : i32
      %lt3A_42 = arith.cmpi slt, %add3A_41, %lt3A : i32
      %convert_element_type3A = arith.extui %lt3A_42 : i1 to i32
      %cond3A = arith.constant 0 : i32
      %cond3A_43 = arith.cmpi ne, %convert_element_type3A, %cond3A : i32
      scf.if %cond3A_43 {
        %add3A_60 = arith.constant 2 : i32
        %add3A_61 = arith.addi %mul3A_33, %add3A_60 : i32
        "tpu.region"() ({
          %run_scoped3A = tpu.sem_alloc : memref<!tpu.dma_semaphore, #tpu.memory_space<semaphore_mem>>
          %dma_start3A_69 = arith.constant 0 : i32
          %dma_start3A_70 = arith.constant 0 : i32
          %dma_start3A_71 = tpu.memref_slice %arg3[%add3A, %dma_start3A_69, %dma_start3A_70] : memref<32x80x128xi32, #tpu.memory_space<hbm>> -> memref<1x80x128xi32, #tpu.memory_space<hbm>>
          %dma_start3A_72 = tpu.memref_squeeze %dma_start3A_71 : memref<1x80x128xi32, #tpu.memory_space<hbm>> -> memref<80x128xi32, #tpu.memory_space<hbm>>
          %dma_start3A_73 = arith.constant 0 : i32
          %dma_start3A_74 = tpu.memref_slice %dma_start3A_72[%add3A_61, %dma_start3A_73] : memref<80x128xi32, #tpu.memory_space<hbm>> -> memref<1x128xi32, #tpu.memory_space<hbm>>
          %dma_start3A_75 = arith.constant 0 : i32
          %dma_start3A_76 = arith.constant 0 : i32
          %dma_start3A_77 = tpu.memref_slice %arg3[%add3A, %dma_start3A_75, %dma_start3A_76] : memref<32x80x128xi32, #tpu.memory_space<hbm>> -> memref<1x80x128xi32, #tpu.memory_space<hbm>>
          %dma_start3A_78 = tpu.memref_squeeze %dma_start3A_77 : memref<1x80x128xi32, #tpu.memory_space<hbm>> -> memref<80x128xi32, #tpu.memory_space<hbm>>
          %dma_start3A_79 = arith.constant 0 : i32
          %dma_start3A_80 = tpu.memref_slice %dma_start3A_78[%add3A_61, %dma_start3A_79] : memref<80x128xi32, #tpu.memory_space<hbm>> -> memref<1x128xi32, #tpu.memory_space<hbm>>
          tpu.enqueue_dma source(%dma_start3A_80 : memref<1x128xi32, #tpu.memory_space<hbm>>) target(%arg8 : memref<1x128xi32, #tpu.memory_space<vmem>>) target_semaphore(%run_scoped3A : memref<!tpu.dma_semaphore, #tpu.memory_space<semaphore_mem>>)
          %dma_wait3A_81 = arith.constant 0 : i32
          %dma_wait3A_82 = arith.constant 0 : i32
          %dma_wait3A_83 = tpu.memref_slice %arg3[%add3A, %dma_wait3A_81, %dma_wait3A_82] : memref<32x80x128xi32, #tpu.memory_space<hbm>> -> memref<1x80x128xi32, #tpu.memory_space<hbm>>
          %dma_wait3A_84 = tpu.memref_squeeze %dma_wait3A_83 : memref<1x80x128xi32, #tpu.memory_space<hbm>> -> memref<80x128xi32, #tpu.memory_space<hbm>>
          %dma_wait3A_85 = arith.constant 0 : i32
          %dma_wait3A_86 = tpu.memref_slice %dma_wait3A_84[%add3A_61, %dma_wait3A_85] : memref<80x128xi32, #tpu.memory_space<hbm>> -> memref<1x128xi32, #tpu.memory_space<hbm>>
          %dma_wait3A_87 = arith.constant 0 : i32
          %dma_wait3A_88 = arith.constant 0 : i32
          %dma_wait3A_89 = tpu.memref_slice %arg3[%add3A, %dma_wait3A_87, %dma_wait3A_88] : memref<32x80x128xi32, #tpu.memory_space<hbm>> -> memref<1x80x128xi32, #tpu.memory_space<hbm>>
          %dma_wait3A_90 = tpu.memref_squeeze %dma_wait3A_89 : memref<1x80x128xi32, #tpu.memory_space<hbm>> -> memref<80x128xi32, #tpu.memory_space<hbm>>
          %dma_wait3A_91 = arith.constant 0 : i32
          %dma_wait3A_92 = tpu.memref_slice %dma_wait3A_90[%add3A_61, %dma_wait3A_91] : memref<80x128xi32, #tpu.memory_space<hbm>> -> memref<1x128xi32, #tpu.memory_space<hbm>>
          tpu.wait_dma2 semaphore(%run_scoped3A : memref<!tpu.dma_semaphore, #tpu.memory_space<semaphore_mem>>) src(%dma_wait3A_92 : memref<1x128xi32, #tpu.memory_space<hbm>>) dst(%arg8 : memref<1x128xi32, #tpu.memory_space<vmem>>)
          tpu.yield
        }) : () -> ()
        %dma_start3A_62 = arith.constant 0 : i32
        %dma_start3A_63 = arith.constant 0 : i32
        %dma_start3A_64 = tpu.memref_slice %arg8[%dma_start3A_62, %dma_start3A_63] : memref<1x128xi32, #tpu.memory_space<vmem>> -> memref<1x128xi32, #tpu.memory_space<vmem>>
        %dma_start3A_65 = tpu.memref_squeeze %dma_start3A_64 : memref<1x128xi32, #tpu.memory_space<vmem>> -> memref<128xi32, #tpu.memory_space<vmem>>
        %dma_start3A_66 = arith.constant 0 : i32
        %dma_start3A_67 = arith.constant 0 : i32
        %dma_start3A_68 = tpu.memref_slice %arg2[%dma_start3A_66, %dma_start3A_67] : memref<10240x128xf32, #tpu.memory_space<hbm>> -> memref<10240x128xf32, #tpu.memory_space<hbm>>
        tpu.enqueue_indirect_dma source(%dma_start3A_68 : memref<10240x128xf32, #tpu.memory_space<hbm>>) target(%arg10 : memref<128x128xf32, #tpu.memory_space<vmem>>) offsets(%dma_start3A_65 : memref<128xi32, #tpu.memory_space<vmem>>) semaphore(%arg13 : memref<!tpu.dma_semaphore, #tpu.memory_space<semaphore_mem>>)
      } else {
      }
      %dma_wait3A_44 = arith.constant 0 : i32
      %dma_wait3A_45 = arith.constant 0 : i32
      %dma_wait3A_46 = tpu.memref_slice %arg9[%dma_wait3A_44, %dma_wait3A_45] : memref<1x128xi32, #tpu.memory_space<vmem>> -> memref<1x128xi32, #tpu.memory_space<vmem>>
      %dma_wait3A_47 = tpu.memref_squeeze %dma_wait3A_46 : memref<1x128xi32, #tpu.memory_space<vmem>> -> memref<128xi32, #tpu.memory_space<vmem>>
      %dma_wait3A_48 = arith.constant 0 : i32
      %dma_wait3A_49 = arith.constant 0 : i32
      %dma_wait3A_50 = tpu.memref_slice %arg2[%dma_wait3A_48, %dma_wait3A_49] : memref<10240x128xf32, #tpu.memory_space<hbm>> -> memref<10240x128xf32, #tpu.memory_space<hbm>>
      tpu.wait_indirect_dma semaphore(%arg14 : memref<!tpu.dma_semaphore, #tpu.memory_space<semaphore_mem>>) src(%dma_wait3A_50 : memref<10240x128xf32, #tpu.memory_space<hbm>>) dst(%arg11 : memref<128x128xf32, #tpu.memory_space<vmem>>)
      %add3A_51 = arith.constant 1 : i32
      %add3A_52 = arith.addi %mul3A_33, %add3A_51 : i32
      "tpu.region"() ({
        %run_scoped3A = tpu.sem_alloc : memref<!tpu.dma_semaphore, #tpu.memory_space<semaphore_mem>>
        %dma_start3A_60 = arith.constant 0 : i32
        %dma_start3A_61 = tpu.memref_slice %arg7[%add3A_52, %dma_start3A_60] : memref<80x128xi32, #tpu.memory_space<vmem>> -> memref<1x128xi32, #tpu.memory_space<vmem>>
        %dma_start3A_62 = tpu.memref_squeeze %dma_start3A_61 : memref<1x128xi32, #tpu.memory_space<vmem>> -> memref<128xi32, #tpu.memory_space<vmem>>
        %dma_start3A_63 = arith.constant 0 : i32
        %dma_start3A_64 = arith.constant 0 : i32
        %dma_start3A_65 = tpu.memref_slice %arg12[%dma_start3A_63, %dma_start3A_64] : memref<10240x128xf32, #tpu.memory_space<vmem_shared>> -> memref<10240x128xf32, #tpu.memory_space<vmem_shared>>
        tpu.enqueue_indirect_dma source(%arg11 : memref<128x128xf32, #tpu.memory_space<vmem>>) target(%dma_start3A_65 : memref<10240x128xf32, #tpu.memory_space<vmem_shared>>) offsets(%dma_start3A_62 : memref<128xi32, #tpu.memory_space<vmem>>) semaphore(%run_scoped3A : memref<!tpu.dma_semaphore, #tpu.memory_space<semaphore_mem>>) {add = true}
        %dma_wait3A_66 = arith.constant 0 : i32
        %dma_wait3A_67 = tpu.memref_slice %arg7[%add3A_52, %dma_wait3A_66] : memref<80x128xi32, #tpu.memory_space<vmem>> -> memref<1x128xi32, #tpu.memory_space<vmem>>
        %dma_wait3A_68 = tpu.memref_squeeze %dma_wait3A_67 : memref<1x128xi32, #tpu.memory_space<vmem>> -> memref<128xi32, #tpu.memory_space<vmem>>
        %dma_wait3A_69 = arith.constant 0 : i32
        %dma_wait3A_70 = arith.constant 0 : i32
        %dma_wait3A_71 = tpu.memref_slice %arg12[%dma_wait3A_69, %dma_wait3A_70] : memref<10240x128xf32, #tpu.memory_space<vmem_shared>> -> memref<10240x128xf32, #tpu.memory_space<vmem_shared>>
        tpu.wait_indirect_dma semaphore(%run_scoped3A : memref<!tpu.dma_semaphore, #tpu.memory_space<semaphore_mem>>) src(%arg11 : memref<128x128xf32, #tpu.memory_space<vmem>>) dst(%dma_wait3A_71 : memref<10240x128xf32, #tpu.memory_space<vmem_shared>>)
        tpu.yield
      }) : () -> ()
      %add3A_53 = arith.constant 3 : i32
      %add3A_54 = arith.addi %mul3A_33, %add3A_53 : i32
      %lt3A_55 = arith.constant 80 : i32
      %lt3A_56 = arith.cmpi slt, %add3A_54, %lt3A_55 : i32
      %convert_element_type3A_57 = arith.extui %lt3A_56 : i1 to i32
      %cond3A_58 = arith.constant 0 : i32
      %cond3A_59 = arith.cmpi ne, %convert_element_type3A_57, %cond3A_58 : i32
      scf.if %cond3A_59 {
        %add3A_60 = arith.constant 3 : i32
        %add3A_61 = arith.addi %mul3A_33, %add3A_60 : i32
        "tpu.region"() ({
          %run_scoped3A = tpu.sem_alloc : memref<!tpu.dma_semaphore, #tpu.memory_space<semaphore_mem>>
          %dma_start3A_69 = arith.constant 0 : i32
          %dma_start3A_70 = arith.constant 0 : i32
          %dma_start3A_71 = tpu.memref_slice %arg3[%add3A, %dma_start3A_69, %dma_start3A_70] : memref<32x80x128xi32, #tpu.memory_space<hbm>> -> memref<1x80x128xi32, #tpu.memory_space<hbm>>
          %dma_start3A_72 = tpu.memref_squeeze %dma_start3A_71 : memref<1x80x128xi32, #tpu.memory_space<hbm>> -> memref<80x128xi32, #tpu.memory_space<hbm>>
          %dma_start3A_73 = arith.constant 0 : i32
          %dma_start3A_74 = tpu.memref_slice %dma_start3A_72[%add3A_61, %dma_start3A_73] : memref<80x128xi32, #tpu.memory_space<hbm>> -> memref<1x128xi32, #tpu.memory_space<hbm>>
          %dma_start3A_75 = arith.constant 0 : i32
          %dma_start3A_76 = arith.constant 0 : i32
          %dma_start3A_77 = tpu.memref_slice %arg3[%add3A, %dma_start3A_75, %dma_start3A_76] : memref<32x80x128xi32, #tpu.memory_space<hbm>> -> memref<1x80x128xi32, #tpu.memory_space<hbm>>
          %dma_start3A_78 = tpu.memref_squeeze %dma_start3A_77 : memref<1x80x128xi32, #tpu.memory_space<hbm>> -> memref<80x128xi32, #tpu.memory_space<hbm>>
          %dma_start3A_79 = arith.constant 0 : i32
          %dma_start3A_80 = tpu.memref_slice %dma_start3A_78[%add3A_61, %dma_start3A_79] : memref<80x128xi32, #tpu.memory_space<hbm>> -> memref<1x128xi32, #tpu.memory_space<hbm>>
          tpu.enqueue_dma source(%dma_start3A_80 : memref<1x128xi32, #tpu.memory_space<hbm>>) target(%arg9 : memref<1x128xi32, #tpu.memory_space<vmem>>) target_semaphore(%run_scoped3A : memref<!tpu.dma_semaphore, #tpu.memory_space<semaphore_mem>>)
          %dma_wait3A_81 = arith.constant 0 : i32
          %dma_wait3A_82 = arith.constant 0 : i32
          %dma_wait3A_83 = tpu.memref_slice %arg3[%add3A, %dma_wait3A_81, %dma_wait3A_82] : memref<32x80x128xi32, #tpu.memory_space<hbm>> -> memref<1x80x128xi32, #tpu.memory_space<hbm>>
          %dma_wait3A_84 = tpu.memref_squeeze %dma_wait3A_83 : memref<1x80x128xi32, #tpu.memory_space<hbm>> -> memref<80x128xi32, #tpu.memory_space<hbm>>
          %dma_wait3A_85 = arith.constant 0 : i32
          %dma_wait3A_86 = tpu.memref_slice %dma_wait3A_84[%add3A_61, %dma_wait3A_85] : memref<80x128xi32, #tpu.memory_space<hbm>> -> memref<1x128xi32, #tpu.memory_space<hbm>>
          %dma_wait3A_87 = arith.constant 0 : i32
          %dma_wait3A_88 = arith.constant 0 : i32
          %dma_wait3A_89 = tpu.memref_slice %arg3[%add3A, %dma_wait3A_87, %dma_wait3A_88] : memref<32x80x128xi32, #tpu.memory_space<hbm>> -> memref<1x80x128xi32, #tpu.memory_space<hbm>>
          %dma_wait3A_90 = tpu.memref_squeeze %dma_wait3A_89 : memref<1x80x128xi32, #tpu.memory_space<hbm>> -> memref<80x128xi32, #tpu.memory_space<hbm>>
          %dma_wait3A_91 = arith.constant 0 : i32
          %dma_wait3A_92 = tpu.memref_slice %dma_wait3A_90[%add3A_61, %dma_wait3A_91] : memref<80x128xi32, #tpu.memory_space<hbm>> -> memref<1x128xi32, #tpu.memory_space<hbm>>
          tpu.wait_dma2 semaphore(%run_scoped3A : memref<!tpu.dma_semaphore, #tpu.memory_space<semaphore_mem>>) src(%dma_wait3A_92 : memref<1x128xi32, #tpu.memory_space<hbm>>) dst(%arg9 : memref<1x128xi32, #tpu.memory_space<vmem>>)
          tpu.yield
        }) : () -> ()
        %dma_start3A_62 = arith.constant 0 : i32
        %dma_start3A_63 = arith.constant 0 : i32
        %dma_start3A_64 = tpu.memref_slice %arg9[%dma_start3A_62, %dma_start3A_63] : memref<1x128xi32, #tpu.memory_space<vmem>> -> memref<1x128xi32, #tpu.memory_space<vmem>>
        %dma_start3A_65 = tpu.memref_squeeze %dma_start3A_64 : memref<1x128xi32, #tpu.memory_space<vmem>> -> memref<128xi32, #tpu.memory_space<vmem>>
        %dma_start3A_66 = arith.constant 0 : i32
        %dma_start3A_67 = arith.constant 0 : i32
        %dma_start3A_68 = tpu.memref_slice %arg2[%dma_start3A_66, %dma_start3A_67] : memref<10240x128xf32, #tpu.memory_space<hbm>> -> memref<10240x128xf32, #tpu.memory_space<hbm>>
        tpu.enqueue_indirect_dma source(%dma_start3A_68 : memref<10240x128xf32, #tpu.memory_space<hbm>>) target(%arg11 : memref<128x128xf32, #tpu.memory_space<vmem>>) offsets(%dma_start3A_65 : memref<128xi32, #tpu.memory_space<vmem>>) semaphore(%arg14 : memref<!tpu.dma_semaphore, #tpu.memory_space<semaphore_mem>>)
      } else {
      }
    }
    %scan3A_22 = arith.constant 40 : i32
    %barrier3A_23 = arith.constant 0 : index
    tpu.barrier barrier_id(%barrier3A_23)
    %mul3A_24 = arith.constant 640 : i32
    %mul3A_25 = arith.muli %arg1, %mul3A_24 : i32
    %mul3A_26 = arith.constant 10240 : i32
    %mul3A_27 = arith.muli %arg0, %mul3A_26 : i32
    %mul3A_28 = arith.constant 640 : i32
    %mul3A_29 = arith.muli %arg1, %mul3A_28 : i32
    %add3A_30 = arith.addi %mul3A_27, %mul3A_29 : i32
    "tpu.region"() ({
      %run_scoped3A = tpu.sem_alloc : memref<!tpu.dma_semaphore, #tpu.memory_space<semaphore_mem>>
      %dma_start3A_31 = arith.constant 0 : i32
      %dma_start3A_32 = tpu.memref_slice %arg6[%add3A_30, %dma_start3A_31] : memref<20480x128xf32, #tpu.memory_space<hbm>> -> memref<640x128xf32, #tpu.memory_space<hbm>>
      %dma_start3A_33 = arith.constant 0 : i32
      %dma_start3A_34 = tpu.memref_slice %arg12[%mul3A_25, %dma_start3A_33] : memref<10240x128xf32, #tpu.memory_space<vmem_shared>> -> memref<640x128xf32, #tpu.memory_space<vmem_shared>>
      tpu.enqueue_dma source(%dma_start3A_34 : memref<640x128xf32, #tpu.memory_space<vmem_shared>>) target(%dma_start3A_32 : memref<640x128xf32, #tpu.memory_space<hbm>>) target_semaphore(%run_scoped3A : memref<!tpu.dma_semaphore, #tpu.memory_space<semaphore_mem>>)
      %dma_wait3A = arith.constant 0 : i32
      %dma_wait3A_35 = tpu.memref_slice %arg6[%add3A_30, %dma_wait3A] : memref<20480x128xf32, #tpu.memory_space<hbm>> -> memref<640x128xf32, #tpu.memory_space<hbm>>
      %dma_wait3A_36 = arith.constant 0 : i32
      %dma_wait3A_37 = tpu.memref_slice %arg12[%mul3A_25, %dma_wait3A_36] : memref<10240x128xf32, #tpu.memory_space<vmem_shared>> -> memref<640x128xf32, #tpu.memory_space<vmem_shared>>
      tpu.wait_dma2 semaphore(%run_scoped3A : memref<!tpu.dma_semaphore, #tpu.memory_space<semaphore_mem>>) src(%dma_wait3A_37 : memref<640x128xf32, #tpu.memory_space<vmem_shared>>) dst(%dma_wait3A_35 : memref<640x128xf32, #tpu.memory_space<hbm>>)
      tpu.yield
    }) : () -> ()
    return
  }
}

#map = affine_map<(d0, d1) -> (0, 0)>
#map1 = affine_map<(d0, d1) -> (0, 0, 0)>
module attributes {stable_mosaic.version = 14 : i64} {
  func.func @_segsum_sc(%arg0: i32, %arg1: i32, %arg2: memref<10240x128xf32, #tpu.memory_space<hbm>>, %arg3: memref<32x80x128xi32, #tpu.memory_space<hbm>>, %arg4: memref<32x80x128xi32, #tpu.memory_space<hbm>>, %arg5: memref<10240x128xf32, #tpu.memory_space<hbm>>, %arg6: memref<20480x128xf32, #tpu.memory_space<hbm>>, %arg7: memref<80x128xi32, #tpu.memory_space<vmem>>, %arg8: memref<1x128xi32, #tpu.memory_space<vmem>>, %arg9: memref<1x128xi32, #tpu.memory_space<vmem>>, %arg10: memref<128x128xf32, #tpu.memory_space<vmem>>, %arg11: memref<128x128xf32, #tpu.memory_space<vmem>>, %arg12: memref<10240x128xf32, #tpu.memory_space<vmem_shared>>, %arg13: memref<!tpu.dma_semaphore, #tpu.memory_space<semaphore_mem>>, %arg14: memref<!tpu.dma_semaphore, #tpu.memory_space<semaphore_mem>>) attributes {dimension_semantics = [#tpu.dimension_semantics<core_parallel>, #tpu.dimension_semantics<subcore_parallel>], iteration_bounds = array<i64: 2, 16>, scalar_prefetch = 0 : i64, scratch_operands = 8 : i64, tpu.core_type = #tpu.core_type<sc_vector_subcore>, window_params = [{transform_indices = #map}, {transform_indices = #map1}, {transform_indices = #map1}, {transform_indices = #map}, {transform_indices = #map}]} {
    %mul3A = arith.constant 2 : i32
    %mul3A_0 = arith.muli %arg1, %mul3A : i32
    %add3A = arith.addi %mul3A_0, %arg0 : i32
    %mul3A_1 = arith.constant 640 : i32
    %mul3A_2 = arith.muli %arg1, %mul3A_1 : i32
    %mul3A_3 = arith.constant 640 : i32
    %mul3A_4 = arith.muli %arg1, %mul3A_3 : i32
    "tpu.region"() ({
      %run_scoped3A = tpu.sem_alloc : memref<!tpu.dma_semaphore, #tpu.memory_space<semaphore_mem>>
      %dma_start3A_31 = arith.constant 0 : i32
      %dma_start3A_32 = tpu.memref_slice %arg12[%mul3A_4, %dma_start3A_31] : memref<10240x128xf32, #tpu.memory_space<vmem_shared>> -> memref<640x128xf32, #tpu.memory_space<vmem_shared>>
      %dma_start3A_33 = arith.constant 0 : i32
      %dma_start3A_34 = tpu.memref_slice %arg5[%mul3A_2, %dma_start3A_33] : memref<10240x128xf32, #tpu.memory_space<hbm>> -> memref<640x128xf32, #tpu.memory_space<hbm>>
      tpu.enqueue_dma source(%dma_start3A_34 : memref<640x128xf32, #tpu.memory_space<hbm>>) target(%dma_start3A_32 : memref<640x128xf32, #tpu.memory_space<vmem_shared>>) target_semaphore(%run_scoped3A : memref<!tpu.dma_semaphore, #tpu.memory_space<semaphore_mem>>)
      %dma_wait3A = arith.constant 0 : i32
      %dma_wait3A_35 = tpu.memref_slice %arg12[%mul3A_4, %dma_wait3A] : memref<10240x128xf32, #tpu.memory_space<vmem_shared>> -> memref<640x128xf32, #tpu.memory_space<vmem_shared>>
      %dma_wait3A_36 = arith.constant 0 : i32
      %dma_wait3A_37 = tpu.memref_slice %arg5[%mul3A_2, %dma_wait3A_36] : memref<10240x128xf32, #tpu.memory_space<hbm>> -> memref<640x128xf32, #tpu.memory_space<hbm>>
      tpu.wait_dma2 semaphore(%run_scoped3A : memref<!tpu.dma_semaphore, #tpu.memory_space<semaphore_mem>>) src(%dma_wait3A_37 : memref<640x128xf32, #tpu.memory_space<hbm>>) dst(%dma_wait3A_35 : memref<640x128xf32, #tpu.memory_space<vmem_shared>>)
      tpu.yield
    }) : () -> ()
    "tpu.region"() ({
      %run_scoped3A = tpu.sem_alloc : memref<!tpu.dma_semaphore, #tpu.memory_space<semaphore_mem>>
      %dma_start3A_31 = arith.constant 0 : i32
      %dma_start3A_32 = arith.constant 0 : i32
      %dma_start3A_33 = tpu.memref_slice %arg4[%add3A, %dma_start3A_31, %dma_start3A_32] : memref<32x80x128xi32, #tpu.memory_space<hbm>> -> memref<1x80x128xi32, #tpu.memory_space<hbm>>
      %dma_start3A_34 = tpu.memref_squeeze %dma_start3A_33 : memref<1x80x128xi32, #tpu.memory_space<hbm>> -> memref<80x128xi32, #tpu.memory_space<hbm>>
      %dma_start3A_35 = arith.constant 0 : i32
      %dma_start3A_36 = arith.constant 0 : i32
      %dma_start3A_37 = tpu.memref_slice %arg4[%add3A, %dma_start3A_35, %dma_start3A_36] : memref<32x80x128xi32, #tpu.memory_space<hbm>> -> memref<1x80x128xi32, #tpu.memory_space<hbm>>
      %dma_start3A_38 = tpu.memref_squeeze %dma_start3A_37 : memref<1x80x128xi32, #tpu.memory_space<hbm>> -> memref<80x128xi32, #tpu.memory_space<hbm>>
      tpu.enqueue_dma source(%dma_start3A_38 : memref<80x128xi32, #tpu.memory_space<hbm>>) target(%arg7 : memref<80x128xi32, #tpu.memory_space<vmem>>) target_semaphore(%run_scoped3A : memref<!tpu.dma_semaphore, #tpu.memory_space<semaphore_mem>>)
      %dma_wait3A = arith.constant 0 : i32
      %dma_wait3A_39 = arith.constant 0 : i32
      %dma_wait3A_40 = tpu.memref_slice %arg4[%add3A, %dma_wait3A, %dma_wait3A_39] : memref<32x80x128xi32, #tpu.memory_space<hbm>> -> memref<1x80x128xi32, #tpu.memory_space<hbm>>
      %dma_wait3A_41 = tpu.memref_squeeze %dma_wait3A_40 : memref<1x80x128xi32, #tpu.memory_space<hbm>> -> memref<80x128xi32, #tpu.memory_space<hbm>>
      %dma_wait3A_42 = arith.constant 0 : i32
      %dma_wait3A_43 = arith.constant 0 : i32
      %dma_wait3A_44 = tpu.memref_slice %arg4[%add3A, %dma_wait3A_42, %dma_wait3A_43] : memref<32x80x128xi32, #tpu.memory_space<hbm>> -> memref<1x80x128xi32, #tpu.memory_space<hbm>>
      %dma_wait3A_45 = tpu.memref_squeeze %dma_wait3A_44 : memref<1x80x128xi32, #tpu.memory_space<hbm>> -> memref<80x128xi32, #tpu.memory_space<hbm>>
      tpu.wait_dma2 semaphore(%run_scoped3A : memref<!tpu.dma_semaphore, #tpu.memory_space<semaphore_mem>>) src(%dma_wait3A_45 : memref<80x128xi32, #tpu.memory_space<hbm>>) dst(%arg7 : memref<80x128xi32, #tpu.memory_space<vmem>>)
      tpu.yield
    }) : () -> ()
    "tpu.region"() ({
      %run_scoped3A = tpu.sem_alloc : memref<!tpu.dma_semaphore, #tpu.memory_space<semaphore_mem>>
      %dma_start3A_31 = arith.constant 0 : i32
      %dma_start3A_32 = arith.constant 0 : i32
      %dma_start3A_33 = tpu.memref_slice %arg3[%add3A, %dma_start3A_31, %dma_start3A_32] : memref<32x80x128xi32, #tpu.memory_space<hbm>> -> memref<1x80x128xi32, #tpu.memory_space<hbm>>
      %dma_start3A_34 = tpu.memref_squeeze %dma_start3A_33 : memref<1x80x128xi32, #tpu.memory_space<hbm>> -> memref<80x128xi32, #tpu.memory_space<hbm>>
      %dma_start3A_35 = arith.constant 0 : i32
      %dma_start3A_36 = arith.constant 0 : i32
      %dma_start3A_37 = tpu.memref_slice %dma_start3A_34[%dma_start3A_35, %dma_start3A_36] : memref<80x128xi32, #tpu.memory_space<hbm>> -> memref<1x128xi32, #tpu.memory_space<hbm>>
      %dma_start3A_38 = arith.constant 0 : i32
      %dma_start3A_39 = arith.constant 0 : i32
      %dma_start3A_40 = tpu.memref_slice %arg3[%add3A, %dma_start3A_38, %dma_start3A_39] : memref<32x80x128xi32, #tpu.memory_space<hbm>> -> memref<1x80x128xi32, #tpu.memory_space<hbm>>
      %dma_start3A_41 = tpu.memref_squeeze %dma_start3A_40 : memref<1x80x128xi32, #tpu.memory_space<hbm>> -> memref<80x128xi32, #tpu.memory_space<hbm>>
      %dma_start3A_42 = arith.constant 0 : i32
      %dma_start3A_43 = arith.constant 0 : i32
      %dma_start3A_44 = tpu.memref_slice %dma_start3A_41[%dma_start3A_42, %dma_start3A_43] : memref<80x128xi32, #tpu.memory_space<hbm>> -> memref<1x128xi32, #tpu.memory_space<hbm>>
      tpu.enqueue_dma source(%dma_start3A_44 : memref<1x128xi32, #tpu.memory_space<hbm>>) target(%arg8 : memref<1x128xi32, #tpu.memory_space<vmem>>) target_semaphore(%run_scoped3A : memref<!tpu.dma_semaphore, #tpu.memory_space<semaphore_mem>>)
      %dma_wait3A = arith.constant 0 : i32
      %dma_wait3A_45 = arith.constant 0 : i32
      %dma_wait3A_46 = tpu.memref_slice %arg3[%add3A, %dma_wait3A, %dma_wait3A_45] : memref<32x80x128xi32, #tpu.memory_space<hbm>> -> memref<1x80x128xi32, #tpu.memory_space<hbm>>
      %dma_wait3A_47 = tpu.memref_squeeze %dma_wait3A_46 : memref<1x80x128xi32, #tpu.memory_space<hbm>> -> memref<80x128xi32, #tpu.memory_space<hbm>>
      %dma_wait3A_48 = arith.constant 0 : i32
      %dma_wait3A_49 = arith.constant 0 : i32
      %dma_wait3A_50 = tpu.memref_slice %dma_wait3A_47[%dma_wait3A_48, %dma_wait3A_49] : memref<80x128xi32, #tpu.memory_space<hbm>> -> memref<1x128xi32, #tpu.memory_space<hbm>>
      %dma_wait3A_51 = arith.constant 0 : i32
      %dma_wait3A_52 = arith.constant 0 : i32
      %dma_wait3A_53 = tpu.memref_slice %arg3[%add3A, %dma_wait3A_51, %dma_wait3A_52] : memref<32x80x128xi32, #tpu.memory_space<hbm>> -> memref<1x80x128xi32, #tpu.memory_space<hbm>>
      %dma_wait3A_54 = tpu.memref_squeeze %dma_wait3A_53 : memref<1x80x128xi32, #tpu.memory_space<hbm>> -> memref<80x128xi32, #tpu.memory_space<hbm>>
      %dma_wait3A_55 = arith.constant 0 : i32
      %dma_wait3A_56 = arith.constant 0 : i32
      %dma_wait3A_57 = tpu.memref_slice %dma_wait3A_54[%dma_wait3A_55, %dma_wait3A_56] : memref<80x128xi32, #tpu.memory_space<hbm>> -> memref<1x128xi32, #tpu.memory_space<hbm>>
      tpu.wait_dma2 semaphore(%run_scoped3A : memref<!tpu.dma_semaphore, #tpu.memory_space<semaphore_mem>>) src(%dma_wait3A_57 : memref<1x128xi32, #tpu.memory_space<hbm>>) dst(%arg8 : memref<1x128xi32, #tpu.memory_space<vmem>>)
      tpu.yield
    }) : () -> ()
    %barrier3A = arith.constant 0 : index
    tpu.barrier barrier_id(%barrier3A)
    %dma_start3A = arith.constant 0 : i32
    %dma_start3A_5 = arith.constant 0 : i32
    %dma_start3A_6 = tpu.memref_slice %arg8[%dma_start3A, %dma_start3A_5] : memref<1x128xi32, #tpu.memory_space<vmem>> -> memref<1x128xi32, #tpu.memory_space<vmem>>
    %dma_start3A_7 = tpu.memref_squeeze %dma_start3A_6 : memref<1x128xi32, #tpu.memory_space<vmem>> -> memref<128xi32, #tpu.memory_space<vmem>>
    %dma_start3A_8 = arith.constant 0 : i32
    %dma_start3A_9 = arith.constant 0 : i32
    %dma_start3A_10 = tpu.memref_slice %arg2[%dma_start3A_8, %dma_start3A_9] : memref<10240x128xf32, #tpu.memory_space<hbm>> -> memref<10240x128xf32, #tpu.memory_space<hbm>>
    tpu.enqueue_indirect_dma source(%dma_start3A_10 : memref<10240x128xf32, #tpu.memory_space<hbm>>) target(%arg10 : memref<128x128xf32, #tpu.memory_space<vmem>>) offsets(%dma_start3A_7 : memref<128xi32, #tpu.memory_space<vmem>>) semaphore(%arg13 : memref<!tpu.dma_semaphore, #tpu.memory_space<semaphore_mem>>)
    "tpu.region"() ({
      %run_scoped3A = tpu.sem_alloc : memref<!tpu.dma_semaphore, #tpu.memory_space<semaphore_mem>>
      %dma_start3A_31 = arith.constant 0 : i32
      %dma_start3A_32 = arith.constant 0 : i32
      %dma_start3A_33 = tpu.memref_slice %arg3[%add3A, %dma_start3A_31, %dma_start3A_32] : memref<32x80x128xi32, #tpu.memory_space<hbm>> -> memref<1x80x128xi32, #tpu.memory_space<hbm>>
      %dma_start3A_34 = tpu.memref_squeeze %dma_start3A_33 : memref<1x80x128xi32, #tpu.memory_space<hbm>> -> memref<80x128xi32, #tpu.memory_space<hbm>>
      %dma_start3A_35 = arith.constant 1 : i32
      %dma_start3A_36 = arith.constant 0 : i32
      %dma_start3A_37 = tpu.memref_slice %dma_start3A_34[%dma_start3A_35, %dma_start3A_36] : memref<80x128xi32, #tpu.memory_space<hbm>> -> memref<1x128xi32, #tpu.memory_space<hbm>>
      %dma_start3A_38 = arith.constant 0 : i32
      %dma_start3A_39 = arith.constant 0 : i32
      %dma_start3A_40 = tpu.memref_slice %arg3[%add3A, %dma_start3A_38, %dma_start3A_39] : memref<32x80x128xi32, #tpu.memory_space<hbm>> -> memref<1x80x128xi32, #tpu.memory_space<hbm>>
      %dma_start3A_41 = tpu.memref_squeeze %dma_start3A_40 : memref<1x80x128xi32, #tpu.memory_space<hbm>> -> memref<80x128xi32, #tpu.memory_space<hbm>>
      %dma_start3A_42 = arith.constant 1 : i32
      %dma_start3A_43 = arith.constant 0 : i32
      %dma_start3A_44 = tpu.memref_slice %dma_start3A_41[%dma_start3A_42, %dma_start3A_43] : memref<80x128xi32, #tpu.memory_space<hbm>> -> memref<1x128xi32, #tpu.memory_space<hbm>>
      tpu.enqueue_dma source(%dma_start3A_44 : memref<1x128xi32, #tpu.memory_space<hbm>>) target(%arg9 : memref<1x128xi32, #tpu.memory_space<vmem>>) target_semaphore(%run_scoped3A : memref<!tpu.dma_semaphore, #tpu.memory_space<semaphore_mem>>)
      %dma_wait3A = arith.constant 0 : i32
      %dma_wait3A_45 = arith.constant 0 : i32
      %dma_wait3A_46 = tpu.memref_slice %arg3[%add3A, %dma_wait3A, %dma_wait3A_45] : memref<32x80x128xi32, #tpu.memory_space<hbm>> -> memref<1x80x128xi32, #tpu.memory_space<hbm>>
      %dma_wait3A_47 = tpu.memref_squeeze %dma_wait3A_46 : memref<1x80x128xi32, #tpu.memory_space<hbm>> -> memref<80x128xi32, #tpu.memory_space<hbm>>
      %dma_wait3A_48 = arith.constant 1 : i32
      %dma_wait3A_49 = arith.constant 0 : i32
      %dma_wait3A_50 = tpu.memref_slice %dma_wait3A_47[%dma_wait3A_48, %dma_wait3A_49] : memref<80x128xi32, #tpu.memory_space<hbm>> -> memref<1x128xi32, #tpu.memory_space<hbm>>
      %dma_wait3A_51 = arith.constant 0 : i32
      %dma_wait3A_52 = arith.constant 0 : i32
      %dma_wait3A_53 = tpu.memref_slice %arg3[%add3A, %dma_wait3A_51, %dma_wait3A_52] : memref<32x80x128xi32, #tpu.memory_space<hbm>> -> memref<1x80x128xi32, #tpu.memory_space<hbm>>
      %dma_wait3A_54 = tpu.memref_squeeze %dma_wait3A_53 : memref<1x80x128xi32, #tpu.memory_space<hbm>> -> memref<80x128xi32, #tpu.memory_space<hbm>>
      %dma_wait3A_55 = arith.constant 1 : i32
      %dma_wait3A_56 = arith.constant 0 : i32
      %dma_wait3A_57 = tpu.memref_slice %dma_wait3A_54[%dma_wait3A_55, %dma_wait3A_56] : memref<80x128xi32, #tpu.memory_space<hbm>> -> memref<1x128xi32, #tpu.memory_space<hbm>>
      tpu.wait_dma2 semaphore(%run_scoped3A : memref<!tpu.dma_semaphore, #tpu.memory_space<semaphore_mem>>) src(%dma_wait3A_57 : memref<1x128xi32, #tpu.memory_space<hbm>>) dst(%arg9 : memref<1x128xi32, #tpu.memory_space<vmem>>)
      tpu.yield
    }) : () -> ()
    %dma_start3A_11 = arith.constant 0 : i32
    %dma_start3A_12 = arith.constant 0 : i32
    %dma_start3A_13 = tpu.memref_slice %arg9[%dma_start3A_11, %dma_start3A_12] : memref<1x128xi32, #tpu.memory_space<vmem>> -> memref<1x128xi32, #tpu.memory_space<vmem>>
    %dma_start3A_14 = tpu.memref_squeeze %dma_start3A_13 : memref<1x128xi32, #tpu.memory_space<vmem>> -> memref<128xi32, #tpu.memory_space<vmem>>
    %dma_start3A_15 = arith.constant 0 : i32
    %dma_start3A_16 = arith.constant 0 : i32
    %dma_start3A_17 = tpu.memref_slice %arg2[%dma_start3A_15, %dma_start3A_16] : memref<10240x128xf32, #tpu.memory_space<hbm>> -> memref<10240x128xf32, #tpu.memory_space<hbm>>
    tpu.enqueue_indirect_dma source(%dma_start3A_17 : memref<10240x128xf32, #tpu.memory_space<hbm>>) target(%arg11 : memref<128x128xf32, #tpu.memory_space<vmem>>) offsets(%dma_start3A_14 : memref<128xi32, #tpu.memory_space<vmem>>) semaphore(%arg14 : memref<!tpu.dma_semaphore, #tpu.memory_space<semaphore_mem>>)
    %scan3A = arith.constant 0 : i32
    %scan3A_18 = arith.constant 0 : i32
    %scan3A_19 = arith.constant 40 : i32
    %scan3A_20 = arith.addi %scan3A_18, %scan3A_19 : i32
    %scan3A_21 = arith.constant 1 : i32
    scf.for %scan3A_31 = %scan3A_18 to %scan3A_20 step %scan3A_21  : i32 {
      %mul3A_32 = arith.constant 2 : i32
      %mul3A_33 = arith.muli %mul3A_32, %scan3A_31 : i32
      %dma_wait3A = arith.constant 0 : i32
      %dma_wait3A_34 = arith.constant 0 : i32
      %dma_wait3A_35 = tpu.memref_slice %arg8[%dma_wait3A, %dma_wait3A_34] : memref<1x128xi32, #tpu.memory_space<vmem>> -> memref<1x128xi32, #tpu.memory_space<vmem>>
      %dma_wait3A_36 = tpu.memref_squeeze %dma_wait3A_35 : memref<1x128xi32, #tpu.memory_space<vmem>> -> memref<128xi32, #tpu.memory_space<vmem>>
      %dma_wait3A_37 = arith.constant 0 : i32
      %dma_wait3A_38 = arith.constant 0 : i32
      %dma_wait3A_39 = tpu.memref_slice %arg2[%dma_wait3A_37, %dma_wait3A_38] : memref<10240x128xf32, #tpu.memory_space<hbm>> -> memref<10240x128xf32, #tpu.memory_space<hbm>>
      tpu.wait_indirect_dma semaphore(%arg13 : memref<!tpu.dma_semaphore, #tpu.memory_space<semaphore_mem>>) src(%dma_wait3A_39 : memref<10240x128xf32, #tpu.memory_space<hbm>>) dst(%arg10 : memref<128x128xf32, #tpu.memory_space<vmem>>)
      "tpu.region"() ({
        %run_scoped3A = tpu.sem_alloc : memref<!tpu.dma_semaphore, #tpu.memory_space<semaphore_mem>>
        %dma_start3A_60 = arith.constant 0 : i32
        %dma_start3A_61 = tpu.memref_slice %arg7[%mul3A_33, %dma_start3A_60] : memref<80x128xi32, #tpu.memory_space<vmem>> -> memref<1x128xi32, #tpu.memory_space<vmem>>
        %dma_start3A_62 = tpu.memref_squeeze %dma_start3A_61 : memref<1x128xi32, #tpu.memory_space<vmem>> -> memref<128xi32, #tpu.memory_space<vmem>>
        %dma_start3A_63 = arith.constant 0 : i32
        %dma_start3A_64 = arith.constant 0 : i32
        %dma_start3A_65 = tpu.memref_slice %arg12[%dma_start3A_63, %dma_start3A_64] : memref<10240x128xf32, #tpu.memory_space<vmem_shared>> -> memref<10240x128xf32, #tpu.memory_space<vmem_shared>>
        tpu.enqueue_indirect_dma source(%arg10 : memref<128x128xf32, #tpu.memory_space<vmem>>) target(%dma_start3A_65 : memref<10240x128xf32, #tpu.memory_space<vmem_shared>>) offsets(%dma_start3A_62 : memref<128xi32, #tpu.memory_space<vmem>>) semaphore(%run_scoped3A : memref<!tpu.dma_semaphore, #tpu.memory_space<semaphore_mem>>) {add = true}
        %dma_wait3A_66 = arith.constant 0 : i32
        %dma_wait3A_67 = tpu.memref_slice %arg7[%mul3A_33, %dma_wait3A_66] : memref<80x128xi32, #tpu.memory_space<vmem>> -> memref<1x128xi32, #tpu.memory_space<vmem>>
        %dma_wait3A_68 = tpu.memref_squeeze %dma_wait3A_67 : memref<1x128xi32, #tpu.memory_space<vmem>> -> memref<128xi32, #tpu.memory_space<vmem>>
        %dma_wait3A_69 = arith.constant 0 : i32
        %dma_wait3A_70 = arith.constant 0 : i32
        %dma_wait3A_71 = tpu.memref_slice %arg12[%dma_wait3A_69, %dma_wait3A_70] : memref<10240x128xf32, #tpu.memory_space<vmem_shared>> -> memref<10240x128xf32, #tpu.memory_space<vmem_shared>>
        tpu.wait_indirect_dma semaphore(%run_scoped3A : memref<!tpu.dma_semaphore, #tpu.memory_space<semaphore_mem>>) src(%arg10 : memref<128x128xf32, #tpu.memory_space<vmem>>) dst(%dma_wait3A_71 : memref<10240x128xf32, #tpu.memory_space<vmem_shared>>)
        tpu.yield
      }) : () -> ()
      %add3A_40 = arith.constant 2 : i32
      %add3A_41 = arith.addi %mul3A_33, %add3A_40 : i32
      %lt3A = arith.constant 80 : i32
      %lt3A_42 = arith.cmpi slt, %add3A_41, %lt3A : i32
      %convert_element_type3A = arith.extui %lt3A_42 : i1 to i32
      %cond3A = arith.constant 0 : i32
      %cond3A_43 = arith.cmpi ne, %convert_element_type3A, %cond3A : i32
      scf.if %cond3A_43 {
        %add3A_60 = arith.constant 2 : i32
        %add3A_61 = arith.addi %mul3A_33, %add3A_60 : i32
        "tpu.region"() ({
          %run_scoped3A = tpu.sem_alloc : memref<!tpu.dma_semaphore, #tpu.memory_space<semaphore_mem>>
          %dma_start3A_69 = arith.constant 0 : i32
          %dma_start3A_70 = arith.constant 0 : i32
          %dma_start3A_71 = tpu.memref_slice %arg3[%add3A, %dma_start3A_69, %dma_start3A_70] : memref<32x80x128xi32, #tpu.memory_space<hbm>> -> memref<1x80x128xi32, #tpu.memory_space<hbm>>
          %dma_start3A_72 = tpu.memref_squeeze %dma_start3A_71 : memref<1x80x128xi32, #tpu.memory_space<hbm>> -> memref<80x128xi32, #tpu.memory_space<hbm>>
          %dma_start3A_73 = arith.constant 0 : i32
          %dma_start3A_74 = tpu.memref_slice %dma_start3A_72[%add3A_61, %dma_start3A_73] : memref<80x128xi32, #tpu.memory_space<hbm>> -> memref<1x128xi32, #tpu.memory_space<hbm>>
          %dma_start3A_75 = arith.constant 0 : i32
          %dma_start3A_76 = arith.constant 0 : i32
          %dma_start3A_77 = tpu.memref_slice %arg3[%add3A, %dma_start3A_75, %dma_start3A_76] : memref<32x80x128xi32, #tpu.memory_space<hbm>> -> memref<1x80x128xi32, #tpu.memory_space<hbm>>
          %dma_start3A_78 = tpu.memref_squeeze %dma_start3A_77 : memref<1x80x128xi32, #tpu.memory_space<hbm>> -> memref<80x128xi32, #tpu.memory_space<hbm>>
          %dma_start3A_79 = arith.constant 0 : i32
          %dma_start3A_80 = tpu.memref_slice %dma_start3A_78[%add3A_61, %dma_start3A_79] : memref<80x128xi32, #tpu.memory_space<hbm>> -> memref<1x128xi32, #tpu.memory_space<hbm>>
          tpu.enqueue_dma source(%dma_start3A_80 : memref<1x128xi32, #tpu.memory_space<hbm>>) target(%arg8 : memref<1x128xi32, #tpu.memory_space<vmem>>) target_semaphore(%run_scoped3A : memref<!tpu.dma_semaphore, #tpu.memory_space<semaphore_mem>>)
          %dma_wait3A_81 = arith.constant 0 : i32
          %dma_wait3A_82 = arith.constant 0 : i32
          %dma_wait3A_83 = tpu.memref_slice %arg3[%add3A, %dma_wait3A_81, %dma_wait3A_82] : memref<32x80x128xi32, #tpu.memory_space<hbm>> -> memref<1x80x128xi32, #tpu.memory_space<hbm>>
          %dma_wait3A_84 = tpu.memref_squeeze %dma_wait3A_83 : memref<1x80x128xi32, #tpu.memory_space<hbm>> -> memref<80x128xi32, #tpu.memory_space<hbm>>
          %dma_wait3A_85 = arith.constant 0 : i32
          %dma_wait3A_86 = tpu.memref_slice %dma_wait3A_84[%add3A_61, %dma_wait3A_85] : memref<80x128xi32, #tpu.memory_space<hbm>> -> memref<1x128xi32, #tpu.memory_space<hbm>>
          %dma_wait3A_87 = arith.constant 0 : i32
          %dma_wait3A_88 = arith.constant 0 : i32
          %dma_wait3A_89 = tpu.memref_slice %arg3[%add3A, %dma_wait3A_87, %dma_wait3A_88] : memref<32x80x128xi32, #tpu.memory_space<hbm>> -> memref<1x80x128xi32, #tpu.memory_space<hbm>>
          %dma_wait3A_90 = tpu.memref_squeeze %dma_wait3A_89 : memref<1x80x128xi32, #tpu.memory_space<hbm>> -> memref<80x128xi32, #tpu.memory_space<hbm>>
          %dma_wait3A_91 = arith.constant 0 : i32
          %dma_wait3A_92 = tpu.memref_slice %dma_wait3A_90[%add3A_61, %dma_wait3A_91] : memref<80x128xi32, #tpu.memory_space<hbm>> -> memref<1x128xi32, #tpu.memory_space<hbm>>
          tpu.wait_dma2 semaphore(%run_scoped3A : memref<!tpu.dma_semaphore, #tpu.memory_space<semaphore_mem>>) src(%dma_wait3A_92 : memref<1x128xi32, #tpu.memory_space<hbm>>) dst(%arg8 : memref<1x128xi32, #tpu.memory_space<vmem>>)
          tpu.yield
        }) : () -> ()
        %dma_start3A_62 = arith.constant 0 : i32
        %dma_start3A_63 = arith.constant 0 : i32
        %dma_start3A_64 = tpu.memref_slice %arg8[%dma_start3A_62, %dma_start3A_63] : memref<1x128xi32, #tpu.memory_space<vmem>> -> memref<1x128xi32, #tpu.memory_space<vmem>>
        %dma_start3A_65 = tpu.memref_squeeze %dma_start3A_64 : memref<1x128xi32, #tpu.memory_space<vmem>> -> memref<128xi32, #tpu.memory_space<vmem>>
        %dma_start3A_66 = arith.constant 0 : i32
        %dma_start3A_67 = arith.constant 0 : i32
        %dma_start3A_68 = tpu.memref_slice %arg2[%dma_start3A_66, %dma_start3A_67] : memref<10240x128xf32, #tpu.memory_space<hbm>> -> memref<10240x128xf32, #tpu.memory_space<hbm>>
        tpu.enqueue_indirect_dma source(%dma_start3A_68 : memref<10240x128xf32, #tpu.memory_space<hbm>>) target(%arg10 : memref<128x128xf32, #tpu.memory_space<vmem>>) offsets(%dma_start3A_65 : memref<128xi32, #tpu.memory_space<vmem>>) semaphore(%arg13 : memref<!tpu.dma_semaphore, #tpu.memory_space<semaphore_mem>>)
      } else {
      }
      %dma_wait3A_44 = arith.constant 0 : i32
      %dma_wait3A_45 = arith.constant 0 : i32
      %dma_wait3A_46 = tpu.memref_slice %arg9[%dma_wait3A_44, %dma_wait3A_45] : memref<1x128xi32, #tpu.memory_space<vmem>> -> memref<1x128xi32, #tpu.memory_space<vmem>>
      %dma_wait3A_47 = tpu.memref_squeeze %dma_wait3A_46 : memref<1x128xi32, #tpu.memory_space<vmem>> -> memref<128xi32, #tpu.memory_space<vmem>>
      %dma_wait3A_48 = arith.constant 0 : i32
      %dma_wait3A_49 = arith.constant 0 : i32
      %dma_wait3A_50 = tpu.memref_slice %arg2[%dma_wait3A_48, %dma_wait3A_49] : memref<10240x128xf32, #tpu.memory_space<hbm>> -> memref<10240x128xf32, #tpu.memory_space<hbm>>
      tpu.wait_indirect_dma semaphore(%arg14 : memref<!tpu.dma_semaphore, #tpu.memory_space<semaphore_mem>>) src(%dma_wait3A_50 : memref<10240x128xf32, #tpu.memory_space<hbm>>) dst(%arg11 : memref<128x128xf32, #tpu.memory_space<vmem>>)
      %add3A_51 = arith.constant 1 : i32
      %add3A_52 = arith.addi %mul3A_33, %add3A_51 : i32
      "tpu.region"() ({
        %run_scoped3A = tpu.sem_alloc : memref<!tpu.dma_semaphore, #tpu.memory_space<semaphore_mem>>
        %dma_start3A_60 = arith.constant 0 : i32
        %dma_start3A_61 = tpu.memref_slice %arg7[%add3A_52, %dma_start3A_60] : memref<80x128xi32, #tpu.memory_space<vmem>> -> memref<1x128xi32, #tpu.memory_space<vmem>>
        %dma_start3A_62 = tpu.memref_squeeze %dma_start3A_61 : memref<1x128xi32, #tpu.memory_space<vmem>> -> memref<128xi32, #tpu.memory_space<vmem>>
        %dma_start3A_63 = arith.constant 0 : i32
        %dma_start3A_64 = arith.constant 0 : i32
        %dma_start3A_65 = tpu.memref_slice %arg12[%dma_start3A_63, %dma_start3A_64] : memref<10240x128xf32, #tpu.memory_space<vmem_shared>> -> memref<10240x128xf32, #tpu.memory_space<vmem_shared>>
        tpu.enqueue_indirect_dma source(%arg11 : memref<128x128xf32, #tpu.memory_space<vmem>>) target(%dma_start3A_65 : memref<10240x128xf32, #tpu.memory_space<vmem_shared>>) offsets(%dma_start3A_62 : memref<128xi32, #tpu.memory_space<vmem>>) semaphore(%run_scoped3A : memref<!tpu.dma_semaphore, #tpu.memory_space<semaphore_mem>>) {add = true}
        %dma_wait3A_66 = arith.constant 0 : i32
        %dma_wait3A_67 = tpu.memref_slice %arg7[%add3A_52, %dma_wait3A_66] : memref<80x128xi32, #tpu.memory_space<vmem>> -> memref<1x128xi32, #tpu.memory_space<vmem>>
        %dma_wait3A_68 = tpu.memref_squeeze %dma_wait3A_67 : memref<1x128xi32, #tpu.memory_space<vmem>> -> memref<128xi32, #tpu.memory_space<vmem>>
        %dma_wait3A_69 = arith.constant 0 : i32
        %dma_wait3A_70 = arith.constant 0 : i32
        %dma_wait3A_71 = tpu.memref_slice %arg12[%dma_wait3A_69, %dma_wait3A_70] : memref<10240x128xf32, #tpu.memory_space<vmem_shared>> -> memref<10240x128xf32, #tpu.memory_space<vmem_shared>>
        tpu.wait_indirect_dma semaphore(%run_scoped3A : memref<!tpu.dma_semaphore, #tpu.memory_space<semaphore_mem>>) src(%arg11 : memref<128x128xf32, #tpu.memory_space<vmem>>) dst(%dma_wait3A_71 : memref<10240x128xf32, #tpu.memory_space<vmem_shared>>)
        tpu.yield
      }) : () -> ()
      %add3A_53 = arith.constant 3 : i32
      %add3A_54 = arith.addi %mul3A_33, %add3A_53 : i32
      %lt3A_55 = arith.constant 80 : i32
      %lt3A_56 = arith.cmpi slt, %add3A_54, %lt3A_55 : i32
      %convert_element_type3A_57 = arith.extui %lt3A_56 : i1 to i32
      %cond3A_58 = arith.constant 0 : i32
      %cond3A_59 = arith.cmpi ne, %convert_element_type3A_57, %cond3A_58 : i32
      scf.if %cond3A_59 {
        %add3A_60 = arith.constant 3 : i32
        %add3A_61 = arith.addi %mul3A_33, %add3A_60 : i32
        "tpu.region"() ({
          %run_scoped3A = tpu.sem_alloc : memref<!tpu.dma_semaphore, #tpu.memory_space<semaphore_mem>>
          %dma_start3A_69 = arith.constant 0 : i32
          %dma_start3A_70 = arith.constant 0 : i32
          %dma_start3A_71 = tpu.memref_slice %arg3[%add3A, %dma_start3A_69, %dma_start3A_70] : memref<32x80x128xi32, #tpu.memory_space<hbm>> -> memref<1x80x128xi32, #tpu.memory_space<hbm>>
          %dma_start3A_72 = tpu.memref_squeeze %dma_start3A_71 : memref<1x80x128xi32, #tpu.memory_space<hbm>> -> memref<80x128xi32, #tpu.memory_space<hbm>>
          %dma_start3A_73 = arith.constant 0 : i32
          %dma_start3A_74 = tpu.memref_slice %dma_start3A_72[%add3A_61, %dma_start3A_73] : memref<80x128xi32, #tpu.memory_space<hbm>> -> memref<1x128xi32, #tpu.memory_space<hbm>>
          %dma_start3A_75 = arith.constant 0 : i32
          %dma_start3A_76 = arith.constant 0 : i32
          %dma_start3A_77 = tpu.memref_slice %arg3[%add3A, %dma_start3A_75, %dma_start3A_76] : memref<32x80x128xi32, #tpu.memory_space<hbm>> -> memref<1x80x128xi32, #tpu.memory_space<hbm>>
          %dma_start3A_78 = tpu.memref_squeeze %dma_start3A_77 : memref<1x80x128xi32, #tpu.memory_space<hbm>> -> memref<80x128xi32, #tpu.memory_space<hbm>>
          %dma_start3A_79 = arith.constant 0 : i32
          %dma_start3A_80 = tpu.memref_slice %dma_start3A_78[%add3A_61, %dma_start3A_79] : memref<80x128xi32, #tpu.memory_space<hbm>> -> memref<1x128xi32, #tpu.memory_space<hbm>>
          tpu.enqueue_dma source(%dma_start3A_80 : memref<1x128xi32, #tpu.memory_space<hbm>>) target(%arg9 : memref<1x128xi32, #tpu.memory_space<vmem>>) target_semaphore(%run_scoped3A : memref<!tpu.dma_semaphore, #tpu.memory_space<semaphore_mem>>)
          %dma_wait3A_81 = arith.constant 0 : i32
          %dma_wait3A_82 = arith.constant 0 : i32
          %dma_wait3A_83 = tpu.memref_slice %arg3[%add3A, %dma_wait3A_81, %dma_wait3A_82] : memref<32x80x128xi32, #tpu.memory_space<hbm>> -> memref<1x80x128xi32, #tpu.memory_space<hbm>>
          %dma_wait3A_84 = tpu.memref_squeeze %dma_wait3A_83 : memref<1x80x128xi32, #tpu.memory_space<hbm>> -> memref<80x128xi32, #tpu.memory_space<hbm>>
          %dma_wait3A_85 = arith.constant 0 : i32
          %dma_wait3A_86 = tpu.memref_slice %dma_wait3A_84[%add3A_61, %dma_wait3A_85] : memref<80x128xi32, #tpu.memory_space<hbm>> -> memref<1x128xi32, #tpu.memory_space<hbm>>
          %dma_wait3A_87 = arith.constant 0 : i32
          %dma_wait3A_88 = arith.constant 0 : i32
          %dma_wait3A_89 = tpu.memref_slice %arg3[%add3A, %dma_wait3A_87, %dma_wait3A_88] : memref<32x80x128xi32, #tpu.memory_space<hbm>> -> memref<1x80x128xi32, #tpu.memory_space<hbm>>
          %dma_wait3A_90 = tpu.memref_squeeze %dma_wait3A_89 : memref<1x80x128xi32, #tpu.memory_space<hbm>> -> memref<80x128xi32, #tpu.memory_space<hbm>>
          %dma_wait3A_91 = arith.constant 0 : i32
          %dma_wait3A_92 = tpu.memref_slice %dma_wait3A_90[%add3A_61, %dma_wait3A_91] : memref<80x128xi32, #tpu.memory_space<hbm>> -> memref<1x128xi32, #tpu.memory_space<hbm>>
          tpu.wait_dma2 semaphore(%run_scoped3A : memref<!tpu.dma_semaphore, #tpu.memory_space<semaphore_mem>>) src(%dma_wait3A_92 : memref<1x128xi32, #tpu.memory_space<hbm>>) dst(%arg9 : memref<1x128xi32, #tpu.memory_space<vmem>>)
          tpu.yield
        }) : () -> ()
        %dma_start3A_62 = arith.constant 0 : i32
        %dma_start3A_63 = arith.constant 0 : i32
        %dma_start3A_64 = tpu.memref_slice %arg9[%dma_start3A_62, %dma_start3A_63] : memref<1x128xi32, #tpu.memory_space<vmem>> -> memref<1x128xi32, #tpu.memory_space<vmem>>
        %dma_start3A_65 = tpu.memref_squeeze %dma_start3A_64 : memref<1x128xi32, #tpu.memory_space<vmem>> -> memref<128xi32, #tpu.memory_space<vmem>>
        %dma_start3A_66 = arith.constant 0 : i32
        %dma_start3A_67 = arith.constant 0 : i32
        %dma_start3A_68 = tpu.memref_slice %arg2[%dma_start3A_66, %dma_start3A_67] : memref<10240x128xf32, #tpu.memory_space<hbm>> -> memref<10240x128xf32, #tpu.memory_space<hbm>>
        tpu.enqueue_indirect_dma source(%dma_start3A_68 : memref<10240x128xf32, #tpu.memory_space<hbm>>) target(%arg11 : memref<128x128xf32, #tpu.memory_space<vmem>>) offsets(%dma_start3A_65 : memref<128xi32, #tpu.memory_space<vmem>>) semaphore(%arg14 : memref<!tpu.dma_semaphore, #tpu.memory_space<semaphore_mem>>)
      } else {
      }
    }
    %scan3A_22 = arith.constant 40 : i32
    %barrier3A_23 = arith.constant 0 : index
    tpu.barrier barrier_id(%barrier3A_23)
    %mul3A_24 = arith.constant 640 : i32
    %mul3A_25 = arith.muli %arg1, %mul3A_24 : i32
    %mul3A_26 = arith.constant 10240 : i32
    %mul3A_27 = arith.muli %arg0, %mul3A_26 : i32
    %mul3A_28 = arith.constant 640 : i32
    %mul3A_29 = arith.muli %arg1, %mul3A_28 : i32
    %add3A_30 = arith.addi %mul3A_27, %mul3A_29 : i32
    "tpu.region"() ({
      %run_scoped3A = tpu.sem_alloc : memref<!tpu.dma_semaphore, #tpu.memory_space<semaphore_mem>>
      %dma_start3A_31 = arith.constant 0 : i32
      %dma_start3A_32 = tpu.memref_slice %arg6[%add3A_30, %dma_start3A_31] : memref<20480x128xf32, #tpu.memory_space<hbm>> -> memref<640x128xf32, #tpu.memory_space<hbm>>
      %dma_start3A_33 = arith.constant 0 : i32
      %dma_start3A_34 = tpu.memref_slice %arg12[%mul3A_25, %dma_start3A_33] : memref<10240x128xf32, #tpu.memory_space<vmem_shared>> -> memref<640x128xf32, #tpu.memory_space<vmem_shared>>
      tpu.enqueue_dma source(%dma_start3A_34 : memref<640x128xf32, #tpu.memory_space<vmem_shared>>) target(%dma_start3A_32 : memref<640x128xf32, #tpu.memory_space<hbm>>) target_semaphore(%run_scoped3A : memref<!tpu.dma_semaphore, #tpu.memory_space<semaphore_mem>>)
      %dma_wait3A = arith.constant 0 : i32
      %dma_wait3A_35 = tpu.memref_slice %arg6[%add3A_30, %dma_wait3A] : memref<20480x128xf32, #tpu.memory_space<hbm>> -> memref<640x128xf32, #tpu.memory_space<hbm>>
      %dma_wait3A_36 = arith.constant 0 : i32
      %dma_wait3A_37 = tpu.memref_slice %arg12[%mul3A_25, %dma_wait3A_36] : memref<10240x128xf32, #tpu.memory_space<vmem_shared>> -> memref<640x128xf32, #tpu.memory_space<vmem_shared>>
      tpu.wait_dma2 semaphore(%run_scoped3A : memref<!tpu.dma_semaphore, #tpu.memory_space<semaphore_mem>>) src(%dma_wait3A_37 : memref<640x128xf32, #tpu.memory_space<vmem_shared>>) dst(%dma_wait3A_35 : memref<640x128xf32, #tpu.memory_space<hbm>>)
      tpu.yield
    }) : () -> ()
    return
  }
}

module attributes {stable_mosaic.version = 14 : i64} {
  func.func @_enc_body(%arg0: i32, %arg1: memref<256x128xf32, #tpu.memory_space<vmem>>, %arg2: memref<128x128xf32, #tpu.memory_space<vmem>>, %arg3: memref<1x128xf32, #tpu.memory_space<vmem>>, %arg4: memref<256x1xf32, #tpu.memory_space<vmem>>, %arg5: memref<256x1xf32, #tpu.memory_space<vmem>>, %arg6: memref<128x128xf32, #tpu.memory_space<vmem>>, %arg7: memref<128x128xf32, #tpu.memory_space<vmem>>, %arg8: memref<1x128xf32, #tpu.memory_space<vmem>>, %arg9: memref<256x128xf32, #tpu.memory_space<vmem>>, %arg10: memref<256x128xf32, #tpu.memory_space<vmem>>, %arg11: memref<256x128xf32, #tpu.memory_space<vmem>>, %arg12: memref<256x1xf32, #tpu.memory_space<vmem>>) attributes {dimension_semantics = [#tpu.dimension_semantics<arbitrary>], iteration_bounds = array<i64: 40>, scalar_prefetch = 0 : i64, scratch_operands = 0 : i64, tpu.core_type = #tpu.core_type<tc>, window_params = [{transform_indices = @transform_0, window_bounds = array<i64: 256, 128>}, {pipeline_mode = #tpu.pipeline_mode<synchronous>, transform_indices = @transform_1, window_bounds = array<i64: 128, 128>}, {pipeline_mode = #tpu.pipeline_mode<synchronous>, transform_indices = @transform_2, window_bounds = array<i64: 1, 128>}, {transform_indices = @transform_3, window_bounds = array<i64: 256, 1>}, {transform_indices = @transform_4, window_bounds = array<i64: 256, 1>}, {pipeline_mode = #tpu.pipeline_mode<synchronous>, transform_indices = @transform_5, window_bounds = array<i64: 128, 128>}, {pipeline_mode = #tpu.pipeline_mode<synchronous>, transform_indices = @transform_6, window_bounds = array<i64: 128, 128>}, {pipeline_mode = #tpu.pipeline_mode<synchronous>, transform_indices = @transform_7, window_bounds = array<i64: 1, 128>}, {transform_indices = @transform_8, window_bounds = array<i64: 256, 128>}, {transform_indices = @transform_9, window_bounds = array<i64: 256, 128>}, {transform_indices = @transform_10, window_bounds = array<i64: 256, 128>}, {transform_indices = @transform_11, window_bounds = array<i64: 256, 1>}]} {
    %get3A = arith.constant 0 : index
    %get3A_0 = arith.constant 0 : index
    %get3A_1 = vector.load %arg4[%get3A, %get3A_0] : memref<256x1xf32, #tpu.memory_space<vmem>>, vector<256x1xf32>
    %get3A_2 = arith.constant 0 : index
    %get3A_3 = arith.constant 0 : index
    %get3A_4 = vector.load %arg5[%get3A_2, %get3A_3] : memref<256x1xf32, #tpu.memory_space<vmem>>, vector<256x1xf32>
    %add3A = arith.addf %get3A_1, %get3A_4 : vector<256x1xf32>
    %add3A_5 = arith.constant 1.000000e+00 : f32
    %add3A_6 = vector.broadcast %add3A_5 : f32 to vector<256x1xf32>
    %add3A_7 = arith.addf %add3A, %add3A_6 : vector<256x1xf32>
    %rsqrt3A = math.rsqrt %add3A_7 : vector<256x1xf32>
    %get3A_8 = arith.constant 0 : index
    %get3A_9 = arith.constant 0 : index
    %get3A_10 = vector.load %arg1[%get3A_8, %get3A_9] : memref<256x128xf32, #tpu.memory_space<vmem>>, vector<256x128xf32>
    %get3A_11 = arith.constant 0 : index
    %get3A_12 = arith.constant 0 : index
    %get3A_13 = vector.load %arg2[%get3A_11, %get3A_12] : memref<128x128xf32, #tpu.memory_space<vmem>>, vector<128x128xf32>
    %dot_general3A = arith.constant dense<0.000000e+00> : vector<256x128xf32>
    %dot_general3A_14 = tpu.matmul %get3A_10, %get3A_13, %dot_general3A {dimension_numbers = #tpu.dot_dimension_numbers<[1], [0], [0], [1], [0, 0, 1, 1], [], []>, transpose_lhs_hint = false} : vector<256x128xf32>, vector<128x128xf32>, vector<256x128xf32> -> vector<256x128xf32>
    %get3A_15 = arith.constant 0 : index
    %get3A_16 = arith.constant 0 : index
    %get3A_17 = vector.load %arg3[%get3A_15, %get3A_16] : memref<1x128xf32, #tpu.memory_space<vmem>>, vector<1x128xf32>
    %add3A_18 = vector.broadcast %get3A_17 : vector<1x128xf32> to vector<256x128xf32>
    %add3A_19 = arith.addf %dot_general3A_14, %add3A_18 : vector<256x128xf32>
    %max3A = arith.constant 0.000000e+00 : f32
    %max3A_20 = vector.broadcast %max3A : f32 to vector<256x128xf32>
    %max3A_21 = arith.maximumf %add3A_19, %max3A_20 : vector<256x128xf32>
    %get3A_22 = arith.constant 0 : index
    %get3A_23 = arith.constant 0 : index
    %get3A_24 = vector.load %arg6[%get3A_22, %get3A_23] : memref<128x128xf32, #tpu.memory_space<vmem>>, vector<128x128xf32>
    %dot_general3A_25 = arith.constant dense<0.000000e+00> : vector<256x128xf32>
    %dot_general3A_26 = tpu.matmul %max3A_21, %get3A_24, %dot_general3A_25 {dimension_numbers = #tpu.dot_dimension_numbers<[1], [0], [0], [1], [0, 0, 1, 1], [], []>, transpose_lhs_hint = false} : vector<256x128xf32>, vector<128x128xf32>, vector<256x128xf32> -> vector<256x128xf32>
    %swap3A = arith.constant 0 : index
    %swap3A_27 = arith.constant 0 : index
    %swap3A_28 = vector.load %arg9[%swap3A, %swap3A_27] : memref<256x128xf32, #tpu.memory_space<vmem>>, vector<256x128xf32>
    tpu.vector_store %arg9[%swap3A, %swap3A_27], %max3A_21 {strides = array<i32>} : memref<256x128xf32, #tpu.memory_space<vmem>>, vector<256x128xf32>,
    %mul3A = vector.broadcast %rsqrt3A : vector<256x1xf32> to vector<256x128xf32>
    %mul3A_29 = arith.mulf %mul3A, %dot_general3A_26 : vector<256x128xf32>
    %swap3A_30 = arith.constant 0 : index
    %swap3A_31 = arith.constant 0 : index
    %swap3A_32 = vector.load %arg10[%swap3A_30, %swap3A_31] : memref<256x128xf32, #tpu.memory_space<vmem>>, vector<256x128xf32>
    tpu.vector_store %arg10[%swap3A_30, %swap3A_31], %mul3A_29 {strides = array<i32>} : memref<256x128xf32, #tpu.memory_space<vmem>>, vector<256x128xf32>,
    %get3A_33 = arith.constant 0 : index
    %get3A_34 = arith.constant 0 : index
    %get3A_35 = vector.load %arg8[%get3A_33, %get3A_34] : memref<1x128xf32, #tpu.memory_space<vmem>>, vector<1x128xf32>
    %get3A_36 = arith.constant 0 : index
    %get3A_37 = arith.constant 0 : index
    %get3A_38 = vector.load %arg7[%get3A_36, %get3A_37] : memref<128x128xf32, #tpu.memory_space<vmem>>, vector<128x128xf32>
    %dot_general3A_39 = arith.constant dense<0.000000e+00> : vector<256x128xf32>
    %dot_general3A_40 = tpu.matmul %dot_general3A_26, %get3A_38, %dot_general3A_39 {dimension_numbers = #tpu.dot_dimension_numbers<[1], [0], [0], [1], [0, 0, 1, 1], [], []>, transpose_lhs_hint = false} : vector<256x128xf32>, vector<128x128xf32>, vector<256x128xf32> -> vector<256x128xf32>
    %sub3A = vector.broadcast %get3A_35 : vector<1x128xf32> to vector<256x128xf32>
    %sub3A_41 = arith.subf %sub3A, %dot_general3A_40 : vector<256x128xf32>
    %swap3A_42 = arith.constant 0 : index
    %swap3A_43 = arith.constant 0 : index
    %swap3A_44 = vector.load %arg11[%swap3A_42, %swap3A_43] : memref<256x128xf32, #tpu.memory_space<vmem>>, vector<256x128xf32>
    tpu.vector_store %arg11[%swap3A_42, %swap3A_43], %sub3A_41 {strides = array<i32>} : memref<256x128xf32, #tpu.memory_space<vmem>>, vector<256x128xf32>,
    %swap3A_45 = arith.constant 0 : index
    %swap3A_46 = arith.constant 0 : index
    %swap3A_47 = vector.load %arg12[%swap3A_45, %swap3A_46] : memref<256x1xf32, #tpu.memory_space<vmem>>, vector<256x1xf32>
    tpu.vector_store %arg12[%swap3A_45, %swap3A_46], %rsqrt3A {strides = array<i32>} : memref<256x1xf32, #tpu.memory_space<vmem>>, vector<256x1xf32>,
    return
  }
  func.func @transform_0(%arg0: i32) -> (i32, i32) {
    %c0_i32 = arith.constant 0 : i32
    %c0_i32_0 = arith.constant 0 : i32
    return %arg0, %c0_i32 : i32, i32
  }
  func.func @transform_1(%arg0: i32) -> (i32, i32) {
    %c0_i32 = arith.constant 0 : i32
    %c0_i32_0 = arith.constant 0 : i32
    %c0_i32_1 = arith.constant 0 : i32
    return %c0_i32, %c0_i32_0 : i32, i32
  }
  func.func @transform_2(%arg0: i32) -> (i32, i32) {
    %c0_i32 = arith.constant 0 : i32
    %c0_i32_0 = arith.constant 0 : i32
    %c0_i32_1 = arith.constant 0 : i32
    return %c0_i32, %c0_i32_0 : i32, i32
  }
  func.func @transform_3(%arg0: i32) -> (i32, i32) {
    %c0_i32 = arith.constant 0 : i32
    %c0_i32_0 = arith.constant 0 : i32
    return %arg0, %c0_i32 : i32, i32
  }
  func.func @transform_4(%arg0: i32) -> (i32, i32) {
    %c0_i32 = arith.constant 0 : i32
    %c0_i32_0 = arith.constant 0 : i32
    return %arg0, %c0_i32 : i32, i32
  }
  func.func @transform_5(%arg0: i32) -> (i32, i32) {
    %c0_i32 = arith.constant 0 : i32
    %c0_i32_0 = arith.constant 0 : i32
    %c0_i32_1 = arith.constant 0 : i32
    return %c0_i32, %c0_i32_0 : i32, i32
  }
  func.func @transform_6(%arg0: i32) -> (i32, i32) {
    %c0_i32 = arith.constant 0 : i32
    %c0_i32_0 = arith.constant 0 : i32
    %c0_i32_1 = arith.constant 0 : i32
    return %c0_i32, %c0_i32_0 : i32, i32
  }
  func.func @transform_7(%arg0: i32) -> (i32, i32) {
    %c0_i32 = arith.constant 0 : i32
    %c0_i32_0 = arith.constant 0 : i32
    %c0_i32_1 = arith.constant 0 : i32
    return %c0_i32, %c0_i32_0 : i32, i32
  }
  func.func @transform_8(%arg0: i32) -> (i32, i32) {
    %c0_i32 = arith.constant 0 : i32
    %c0_i32_0 = arith.constant 0 : i32
    return %arg0, %c0_i32 : i32, i32
  }
  func.func @transform_9(%arg0: i32) -> (i32, i32) {
    %c0_i32 = arith.constant 0 : i32
    %c0_i32_0 = arith.constant 0 : i32
    return %arg0, %c0_i32 : i32, i32
  }
  func.func @transform_10(%arg0: i32) -> (i32, i32) {
    %c0_i32 = arith.constant 0 : i32
    %c0_i32_0 = arith.constant 0 : i32
    return %arg0, %c0_i32 : i32, i32
  }
  func.func @transform_11(%arg0: i32) -> (i32, i32) {
    %c0_i32 = arith.constant 0 : i32
    %c0_i32_0 = arith.constant 0 : i32
    return %arg0, %c0_i32 : i32, i32
  }
}

module attributes {stable_mosaic.version = 14 : i64} {
  func.func @_layer_body(%arg0: i32, %arg1: memref<256x128xf32, #tpu.memory_space<vmem>>, %arg2: memref<256x128xf32, #tpu.memory_space<vmem>>, %arg3: memref<256x128xf32, #tpu.memory_space<vmem>>, %arg4: memref<256x128xf32, #tpu.memory_space<vmem>>, %arg5: memref<256x1xf32, #tpu.memory_space<vmem>>, %arg6: memref<256x128xf32, #tpu.memory_space<vmem>>, %arg7: memref<256x128xf32, #tpu.memory_space<vmem>>, %arg8: memref<1x128xf32, #tpu.memory_space<vmem>>, %arg9: memref<128x128xf32, #tpu.memory_space<vmem>>, %arg10: memref<128x128xf32, #tpu.memory_space<vmem>>, %arg11: memref<1x128xf32, #tpu.memory_space<vmem>>, %arg12: memref<256x128xf32, #tpu.memory_space<vmem>>, %arg13: memref<256x128xf32, #tpu.memory_space<vmem>>, %arg14: memref<256x128xf32, #tpu.memory_space<vmem>>) attributes {dimension_semantics = [#tpu.dimension_semantics<arbitrary>], iteration_bounds = array<i64: 40>, scalar_prefetch = 0 : i64, scratch_operands = 0 : i64, tpu.core_type = #tpu.core_type<tc>, window_params = [{transform_indices = @transform_0, window_bounds = array<i64: 256, 128>}, {transform_indices = @transform_1, window_bounds = array<i64: 256, 128>}, {transform_indices = @transform_2, window_bounds = array<i64: 256, 128>}, {transform_indices = @transform_3, window_bounds = array<i64: 256, 128>}, {transform_indices = @transform_4, window_bounds = array<i64: 256, 1>}, {transform_indices = @transform_5, window_bounds = array<i64: 256, 128>}, {transform_indices = @transform_6, window_bounds = array<i64: 256, 128>}, {pipeline_mode = #tpu.pipeline_mode<synchronous>, transform_indices = @transform_7, window_bounds = array<i64: 1, 128>}, {pipeline_mode = #tpu.pipeline_mode<synchronous>, transform_indices = @transform_8, window_bounds = array<i64: 128, 128>}, {pipeline_mode = #tpu.pipeline_mode<synchronous>, transform_indices = @transform_9, window_bounds = array<i64: 128, 128>}, {pipeline_mode = #tpu.pipeline_mode<synchronous>, transform_indices = @transform_10, window_bounds = array<i64: 1, 128>}, {transform_indices = @transform_11, window_bounds = array<i64: 256, 128>}, {transform_indices = @transform_12, window_bounds = array<i64: 256, 128>}, {transform_indices = @transform_13, window_bounds = array<i64: 256, 128>}]} {
    %get3A = arith.constant 0 : index
    %get3A_0 = arith.constant 0 : index
    %get3A_1 = vector.load %arg8[%get3A, %get3A_0] : memref<1x128xf32, #tpu.memory_space<vmem>>, vector<1x128xf32>
    %tanh3A = math.tanh %get3A_1 : vector<1x128xf32>
    %add3A = arith.constant 1.000000e+00 : f32
    %add3A_2 = vector.broadcast %add3A : f32 to vector<1x128xf32>
    %add3A_3 = arith.addf %add3A_2, %tanh3A : vector<1x128xf32>
    %get3A_4 = arith.constant 0 : index
    %get3A_5 = arith.constant 0 : index
    %get3A_6 = vector.load %arg5[%get3A_4, %get3A_5] : memref<256x1xf32, #tpu.memory_space<vmem>>, vector<256x1xf32>
    %get3A_7 = arith.constant 0 : index
    %get3A_8 = arith.constant 0 : index
    %get3A_9 = vector.load %arg1[%get3A_7, %get3A_8] : memref<256x128xf32, #tpu.memory_space<vmem>>, vector<256x128xf32>
    %get3A_10 = arith.constant 0 : index
    %get3A_11 = arith.constant 0 : index
    %get3A_12 = vector.load %arg2[%get3A_10, %get3A_11] : memref<256x128xf32, #tpu.memory_space<vmem>>, vector<256x128xf32>
    %add3A_13 = arith.addf %get3A_9, %get3A_12 : vector<256x128xf32>
    %get3A_14 = arith.constant 0 : index
    %get3A_15 = arith.constant 0 : index
    %get3A_16 = vector.load %arg3[%get3A_14, %get3A_15] : memref<256x128xf32, #tpu.memory_space<vmem>>, vector<256x128xf32>
    %add3A_17 = arith.addf %add3A_13, %get3A_16 : vector<256x128xf32>
    %mul3A = vector.broadcast %get3A_6 : vector<256x1xf32> to vector<256x128xf32>
    %mul3A_18 = arith.mulf %mul3A, %add3A_17 : vector<256x128xf32>
    %get3A_19 = arith.constant 0 : index
    %get3A_20 = arith.constant 0 : index
    %get3A_21 = vector.load %arg4[%get3A_19, %get3A_20] : memref<256x128xf32, #tpu.memory_space<vmem>>, vector<256x128xf32>
    %add3A_22 = arith.addf %mul3A_18, %get3A_21 : vector<256x128xf32>
    %get3A_23 = arith.constant 0 : index
    %get3A_24 = arith.constant 0 : index
    %get3A_25 = vector.load %arg7[%get3A_23, %get3A_24] : memref<256x128xf32, #tpu.memory_space<vmem>>, vector<256x128xf32>
    %mul3A_26 = vector.broadcast %add3A_3 : vector<1x128xf32> to vector<256x128xf32>
    %mul3A_27 = arith.mulf %get3A_25, %mul3A_26 : vector<256x128xf32>
    %max3A = arith.constant 0.000000e+00 : f32
    %max3A_28 = vector.broadcast %max3A : f32 to vector<256x128xf32>
    %max3A_29 = arith.maximumf %add3A_22, %max3A_28 : vector<256x128xf32>
    %get3A_30 = arith.constant 0 : index
    %get3A_31 = arith.constant 0 : index
    %get3A_32 = vector.load %arg6[%get3A_30, %get3A_31] : memref<256x128xf32, #tpu.memory_space<vmem>>, vector<256x128xf32>
    %mul3A_33 = arith.constant 1.000000e+00 : f32
    %mul3A_34 = vector.broadcast %mul3A_33 : f32 to vector<256x128xf32>
    %mul3A_35 = arith.mulf %mul3A_34, %get3A_32 : vector<256x128xf32>
    %sub3A = arith.subf %max3A_29, %mul3A_35 : vector<256x128xf32>
    %mul3A_36 = arith.constant 1.000000e+00 : f32
    %mul3A_37 = vector.broadcast %mul3A_36 : f32 to vector<256x128xf32>
    %mul3A_38 = arith.mulf %mul3A_37, %sub3A : vector<256x128xf32>
    %add3A_39 = arith.addf %mul3A_27, %mul3A_38 : vector<256x128xf32>
    %get3A_40 = arith.constant 0 : index
    %get3A_41 = arith.constant 0 : index
    %get3A_42 = vector.load %arg9[%get3A_40, %get3A_41] : memref<128x128xf32, #tpu.memory_space<vmem>>, vector<128x128xf32>
    %dot_general3A = arith.constant dense<0.000000e+00> : vector<256x128xf32>
    %dot_general3A_43 = tpu.matmul %add3A_39, %get3A_42, %dot_general3A {dimension_numbers = #tpu.dot_dimension_numbers<[1], [0], [0], [1], [0, 0, 1, 1], [], []>, transpose_lhs_hint = false} : vector<256x128xf32>, vector<128x128xf32>, vector<256x128xf32> -> vector<256x128xf32>
    %swap3A = arith.constant 0 : index
    %swap3A_44 = arith.constant 0 : index
    %swap3A_45 = vector.load %arg12[%swap3A, %swap3A_44] : memref<256x128xf32, #tpu.memory_space<vmem>>, vector<256x128xf32>
    tpu.vector_store %arg12[%swap3A, %swap3A_44], %add3A_39 {strides = array<i32>} : memref<256x128xf32, #tpu.memory_space<vmem>>, vector<256x128xf32>,
    %mul3A_46 = vector.broadcast %get3A_6 : vector<256x1xf32> to vector<256x128xf32>
    %mul3A_47 = arith.mulf %mul3A_46, %dot_general3A_43 : vector<256x128xf32>
    %swap3A_48 = arith.constant 0 : index
    %swap3A_49 = arith.constant 0 : index
    %swap3A_50 = vector.load %arg13[%swap3A_48, %swap3A_49] : memref<256x128xf32, #tpu.memory_space<vmem>>, vector<256x128xf32>
    tpu.vector_store %arg13[%swap3A_48, %swap3A_49], %mul3A_47 {strides = array<i32>} : memref<256x128xf32, #tpu.memory_space<vmem>>, vector<256x128xf32>,
    %get3A_51 = arith.constant 0 : index
    %get3A_52 = arith.constant 0 : index
    %get3A_53 = vector.load %arg11[%get3A_51, %get3A_52] : memref<1x128xf32, #tpu.memory_space<vmem>>, vector<1x128xf32>
    %get3A_54 = arith.constant 0 : index
    %get3A_55 = arith.constant 0 : index
    %get3A_56 = vector.load %arg10[%get3A_54, %get3A_55] : memref<128x128xf32, #tpu.memory_space<vmem>>, vector<128x128xf32>
    %dot_general3A_57 = arith.constant dense<0.000000e+00> : vector<256x128xf32>
    %dot_general3A_58 = tpu.matmul %dot_general3A_43, %get3A_56, %dot_general3A_57 {dimension_numbers = #tpu.dot_dimension_numbers<[1], [0], [0], [1], [0, 0, 1, 1], [], []>, transpose_lhs_hint = false} : vector<256x128xf32>, vector<128x128xf32>, vector<256x128xf32> -> vector<256x128xf32>
    %sub3A_59 = vector.broadcast %get3A_53 : vector<1x128xf32> to vector<256x128xf32>
    %sub3A_60 = arith.subf %sub3A_59, %dot_general3A_58 : vector<256x128xf32>
    %swap3A_61 = arith.constant 0 : index
    %swap3A_62 = arith.constant 0 : index
    %swap3A_63 = vector.load %arg14[%swap3A_61, %swap3A_62] : memref<256x128xf32, #tpu.memory_space<vmem>>, vector<256x128xf32>
    tpu.vector_store %arg14[%swap3A_61, %swap3A_62], %sub3A_60 {strides = array<i32>} : memref<256x128xf32, #tpu.memory_space<vmem>>, vector<256x128xf32>,
    return
  }
  func.func @transform_0(%arg0: i32) -> (i32, i32) {
    %c0_i32 = arith.constant 0 : i32
    %c0_i32_0 = arith.constant 0 : i32
    return %arg0, %c0_i32 : i32, i32
  }
  func.func @transform_1(%arg0: i32) -> (i32, i32) {
    %c0_i32 = arith.constant 0 : i32
    %c0_i32_0 = arith.constant 0 : i32
    return %arg0, %c0_i32 : i32, i32
  }
  func.func @transform_2(%arg0: i32) -> (i32, i32) {
    %c0_i32 = arith.constant 0 : i32
    %c0_i32_0 = arith.constant 0 : i32
    return %arg0, %c0_i32 : i32, i32
  }
  func.func @transform_3(%arg0: i32) -> (i32, i32) {
    %c0_i32 = arith.constant 0 : i32
    %c0_i32_0 = arith.constant 0 : i32
    return %arg0, %c0_i32 : i32, i32
  }
  func.func @transform_4(%arg0: i32) -> (i32, i32) {
    %c0_i32 = arith.constant 0 : i32
    %c0_i32_0 = arith.constant 0 : i32
    return %arg0, %c0_i32 : i32, i32
  }
  func.func @transform_5(%arg0: i32) -> (i32, i32) {
    %c0_i32 = arith.constant 0 : i32
    %c0_i32_0 = arith.constant 0 : i32
    return %arg0, %c0_i32 : i32, i32
  }
  func.func @transform_6(%arg0: i32) -> (i32, i32) {
    %c0_i32 = arith.constant 0 : i32
    %c0_i32_0 = arith.constant 0 : i32
    return %arg0, %c0_i32 : i32, i32
  }
  func.func @transform_7(%arg0: i32) -> (i32, i32) {
    %c0_i32 = arith.constant 0 : i32
    %c0_i32_0 = arith.constant 0 : i32
    %c0_i32_1 = arith.constant 0 : i32
    return %c0_i32, %c0_i32_0 : i32, i32
  }
  func.func @transform_8(%arg0: i32) -> (i32, i32) {
    %c0_i32 = arith.constant 0 : i32
    %c0_i32_0 = arith.constant 0 : i32
    %c0_i32_1 = arith.constant 0 : i32
    return %c0_i32, %c0_i32_0 : i32, i32
  }
  func.func @transform_9(%arg0: i32) -> (i32, i32) {
    %c0_i32 = arith.constant 0 : i32
    %c0_i32_0 = arith.constant 0 : i32
    %c0_i32_1 = arith.constant 0 : i32
    return %c0_i32, %c0_i32_0 : i32, i32
  }
  func.func @transform_10(%arg0: i32) -> (i32, i32) {
    %c0_i32 = arith.constant 0 : i32
    %c0_i32_0 = arith.constant 0 : i32
    %c0_i32_1 = arith.constant 0 : i32
    return %c0_i32, %c0_i32_0 : i32, i32
  }
  func.func @transform_11(%arg0: i32) -> (i32, i32) {
    %c0_i32 = arith.constant 0 : i32
    %c0_i32_0 = arith.constant 0 : i32
    return %arg0, %c0_i32 : i32, i32
  }
  func.func @transform_12(%arg0: i32) -> (i32, i32) {
    %c0_i32 = arith.constant 0 : i32
    %c0_i32_0 = arith.constant 0 : i32
    return %arg0, %c0_i32 : i32, i32
  }
  func.func @transform_13(%arg0: i32) -> (i32, i32) {
    %c0_i32 = arith.constant 0 : i32
    %c0_i32_0 = arith.constant 0 : i32
    return %arg0, %c0_i32 : i32, i32
  }
}

module attributes {stable_mosaic.version = 14 : i64} {
  func.func @_final_body(%arg0: i32, %arg1: memref<256x128xf32, #tpu.memory_space<vmem>>, %arg2: memref<256x128xf32, #tpu.memory_space<vmem>>, %arg3: memref<256x128xf32, #tpu.memory_space<vmem>>, %arg4: memref<256x128xf32, #tpu.memory_space<vmem>>, %arg5: memref<256x1xf32, #tpu.memory_space<vmem>>, %arg6: memref<256x128xf32, #tpu.memory_space<vmem>>, %arg7: memref<256x128xf32, #tpu.memory_space<vmem>>, %arg8: memref<1x128xf32, #tpu.memory_space<vmem>>, %arg9: memref<128x40xf32, #tpu.memory_space<vmem>>, %arg10: memref<1x40xf32, #tpu.memory_space<vmem>>, %arg11: memref<256x40xf32, #tpu.memory_space<vmem>>) attributes {dimension_semantics = [#tpu.dimension_semantics<arbitrary>], iteration_bounds = array<i64: 40>, scalar_prefetch = 0 : i64, scratch_operands = 0 : i64, tpu.core_type = #tpu.core_type<tc>, window_params = [{transform_indices = @transform_0, window_bounds = array<i64: 256, 128>}, {transform_indices = @transform_1, window_bounds = array<i64: 256, 128>}, {transform_indices = @transform_2, window_bounds = array<i64: 256, 128>}, {transform_indices = @transform_3, window_bounds = array<i64: 256, 128>}, {transform_indices = @transform_4, window_bounds = array<i64: 256, 1>}, {transform_indices = @transform_5, window_bounds = array<i64: 256, 128>}, {transform_indices = @transform_6, window_bounds = array<i64: 256, 128>}, {pipeline_mode = #tpu.pipeline_mode<synchronous>, transform_indices = @transform_7, window_bounds = array<i64: 1, 128>}, {pipeline_mode = #tpu.pipeline_mode<synchronous>, transform_indices = @transform_8, window_bounds = array<i64: 128, 40>}, {pipeline_mode = #tpu.pipeline_mode<synchronous>, transform_indices = @transform_9, window_bounds = array<i64: 1, 40>}, {transform_indices = @transform_10, window_bounds = array<i64: 256, 40>}]} {
    %get3A = arith.constant 0 : index
    %get3A_0 = arith.constant 0 : index
    %get3A_1 = vector.load %arg8[%get3A, %get3A_0] : memref<1x128xf32, #tpu.memory_space<vmem>>, vector<1x128xf32>
    %tanh3A = math.tanh %get3A_1 : vector<1x128xf32>
    %add3A = arith.constant 1.000000e+00 : f32
    %add3A_2 = vector.broadcast %add3A : f32 to vector<1x128xf32>
    %add3A_3 = arith.addf %add3A_2, %tanh3A : vector<1x128xf32>
    %get3A_4 = arith.constant 0 : index
    %get3A_5 = arith.constant 0 : index
    %get3A_6 = vector.load %arg5[%get3A_4, %get3A_5] : memref<256x1xf32, #tpu.memory_space<vmem>>, vector<256x1xf32>
    %get3A_7 = arith.constant 0 : index
    %get3A_8 = arith.constant 0 : index
    %get3A_9 = vector.load %arg1[%get3A_7, %get3A_8] : memref<256x128xf32, #tpu.memory_space<vmem>>, vector<256x128xf32>
    %get3A_10 = arith.constant 0 : index
    %get3A_11 = arith.constant 0 : index
    %get3A_12 = vector.load %arg2[%get3A_10, %get3A_11] : memref<256x128xf32, #tpu.memory_space<vmem>>, vector<256x128xf32>
    %add3A_13 = arith.addf %get3A_9, %get3A_12 : vector<256x128xf32>
    %get3A_14 = arith.constant 0 : index
    %get3A_15 = arith.constant 0 : index
    %get3A_16 = vector.load %arg3[%get3A_14, %get3A_15] : memref<256x128xf32, #tpu.memory_space<vmem>>, vector<256x128xf32>
    %add3A_17 = arith.addf %add3A_13, %get3A_16 : vector<256x128xf32>
    %mul3A = vector.broadcast %get3A_6 : vector<256x1xf32> to vector<256x128xf32>
    %mul3A_18 = arith.mulf %mul3A, %add3A_17 : vector<256x128xf32>
    %get3A_19 = arith.constant 0 : index
    %get3A_20 = arith.constant 0 : index
    %get3A_21 = vector.load %arg4[%get3A_19, %get3A_20] : memref<256x128xf32, #tpu.memory_space<vmem>>, vector<256x128xf32>
    %add3A_22 = arith.addf %mul3A_18, %get3A_21 : vector<256x128xf32>
    %get3A_23 = arith.constant 0 : index
    %get3A_24 = arith.constant 0 : index
    %get3A_25 = vector.load %arg7[%get3A_23, %get3A_24] : memref<256x128xf32, #tpu.memory_space<vmem>>, vector<256x128xf32>
    %mul3A_26 = vector.broadcast %add3A_3 : vector<1x128xf32> to vector<256x128xf32>
    %mul3A_27 = arith.mulf %get3A_25, %mul3A_26 : vector<256x128xf32>
    %max3A = arith.constant 0.000000e+00 : f32
    %max3A_28 = vector.broadcast %max3A : f32 to vector<256x128xf32>
    %max3A_29 = arith.maximumf %add3A_22, %max3A_28 : vector<256x128xf32>
    %get3A_30 = arith.constant 0 : index
    %get3A_31 = arith.constant 0 : index
    %get3A_32 = vector.load %arg6[%get3A_30, %get3A_31] : memref<256x128xf32, #tpu.memory_space<vmem>>, vector<256x128xf32>
    %mul3A_33 = arith.constant 1.000000e+00 : f32
    %mul3A_34 = vector.broadcast %mul3A_33 : f32 to vector<256x128xf32>
    %mul3A_35 = arith.mulf %mul3A_34, %get3A_32 : vector<256x128xf32>
    %sub3A = arith.subf %max3A_29, %mul3A_35 : vector<256x128xf32>
    %mul3A_36 = arith.constant 1.000000e+00 : f32
    %mul3A_37 = vector.broadcast %mul3A_36 : f32 to vector<256x128xf32>
    %mul3A_38 = arith.mulf %mul3A_37, %sub3A : vector<256x128xf32>
    %add3A_39 = arith.addf %mul3A_27, %mul3A_38 : vector<256x128xf32>
    %get3A_40 = arith.constant 0 : index
    %get3A_41 = arith.constant 0 : index
    %get3A_42 = vector.load %arg9[%get3A_40, %get3A_41] : memref<128x40xf32, #tpu.memory_space<vmem>>, vector<128x40xf32>
    %dot_general3A = arith.constant dense<0.000000e+00> : vector<256x40xf32>
    %dot_general3A_43 = tpu.matmul %add3A_39, %get3A_42, %dot_general3A {dimension_numbers = #tpu.dot_dimension_numbers<[1], [0], [0], [1], [0, 0, 1, 1], [], []>, transpose_lhs_hint = false} : vector<256x128xf32>, vector<128x40xf32>, vector<256x40xf32> -> vector<256x40xf32>
    %get3A_44 = arith.constant 0 : index
    %get3A_45 = arith.constant 0 : index
    %get3A_46 = vector.load %arg10[%get3A_44, %get3A_45] : memref<1x40xf32, #tpu.memory_space<vmem>>, vector<1x40xf32>
    %add3A_47 = vector.broadcast %get3A_46 : vector<1x40xf32> to vector<256x40xf32>
    %add3A_48 = arith.addf %dot_general3A_43, %add3A_47 : vector<256x40xf32>
    %swap3A = arith.constant 0 : index
    %swap3A_49 = arith.constant 0 : index
    %swap3A_50 = vector.load %arg11[%swap3A, %swap3A_49] : memref<256x40xf32, #tpu.memory_space<vmem>>, vector<256x40xf32>
    tpu.vector_store %arg11[%swap3A, %swap3A_49], %add3A_48 {strides = array<i32>} : memref<256x40xf32, #tpu.memory_space<vmem>>, vector<256x40xf32>,
    return
  }
  func.func @transform_0(%arg0: i32) -> (i32, i32) {
    %c0_i32 = arith.constant 0 : i32
    %c0_i32_0 = arith.constant 0 : i32
    return %arg0, %c0_i32 : i32, i32
  }
  func.func @transform_1(%arg0: i32) -> (i32, i32) {
    %c0_i32 = arith.constant 0 : i32
    %c0_i32_0 = arith.constant 0 : i32
    return %arg0, %c0_i32 : i32, i32
  }
  func.func @transform_2(%arg0: i32) -> (i32, i32) {
    %c0_i32 = arith.constant 0 : i32
    %c0_i32_0 = arith.constant 0 : i32
    return %arg0, %c0_i32 : i32, i32
  }
  func.func @transform_3(%arg0: i32) -> (i32, i32) {
    %c0_i32 = arith.constant 0 : i32
    %c0_i32_0 = arith.constant 0 : i32
    return %arg0, %c0_i32 : i32, i32
  }
  func.func @transform_4(%arg0: i32) -> (i32, i32) {
    %c0_i32 = arith.constant 0 : i32
    %c0_i32_0 = arith.constant 0 : i32
    return %arg0, %c0_i32 : i32, i32
  }
  func.func @transform_5(%arg0: i32) -> (i32, i32) {
    %c0_i32 = arith.constant 0 : i32
    %c0_i32_0 = arith.constant 0 : i32
    return %arg0, %c0_i32 : i32, i32
  }
  func.func @transform_6(%arg0: i32) -> (i32, i32) {
    %c0_i32 = arith.constant 0 : i32
    %c0_i32_0 = arith.constant 0 : i32
    return %arg0, %c0_i32 : i32, i32
  }
  func.func @transform_7(%arg0: i32) -> (i32, i32) {
    %c0_i32 = arith.constant 0 : i32
    %c0_i32_0 = arith.constant 0 : i32
    %c0_i32_1 = arith.constant 0 : i32
    return %c0_i32, %c0_i32_0 : i32, i32
  }
  func.func @transform_8(%arg0: i32) -> (i32, i32) {
    %c0_i32 = arith.constant 0 : i32
    %c0_i32_0 = arith.constant 0 : i32
    %c0_i32_1 = arith.constant 0 : i32
    return %c0_i32, %c0_i32_0 : i32, i32
  }
  func.func @transform_9(%arg0: i32) -> (i32, i32) {
    %c0_i32 = arith.constant 0 : i32
    %c0_i32_0 = arith.constant 0 : i32
    %c0_i32_1 = arith.constant 0 : i32
    return %c0_i32, %c0_i32_0 : i32, i32
  }
  func.func @transform_10(%arg0: i32) -> (i32, i32) {
    %c0_i32 = arith.constant 0 : i32
    %c0_i32_0 = arith.constant 0 : i32
    return %arg0, %c0_i32 : i32, i32
  }
}

</mosaic_0001>

<sc_bundles>
// kernel: kernel.12.cloned.1.call-start
scs
__scs_entry_jumppad:
0x0: {  	(pc) =	sbr.rel $0x88, $3  }
0x1: {  	(tag) =	ssettag $0x0;
	lr =	simm.s32 $0x1  }
0x2: {  	[smem:$0x3F96] =	sst lr;
	_ =	strace $0xD0000000  }
0x3: {  	_ = 	snop  }
0x4: {  	_ = 	snop  }
0x5: {  	_ = 	snop  }
0x6: {  	_ = 	snop  }
0x7: {  	_ = 	snop  }
__scs_overlays_trampoline_lowered:
0x8: {  	[smem:$0x3FA5] =	sst s0  }
0x9: {  	[smem:$0x3FA6] =	sst s1  }
0xa: {  	[smem:$0x3FA7] =	sst s2  }
0xb: {  	[smem:$0x3FA8] =	sst s3  }
0xc: {  	[smem:$0x3FA9] =	sst s4  }
0xd: {  	[smem:$0x3FAA] =	sst s5  }
0xe: {  	[smem:$0x3FAB] =	sst s6  }
0xf: {  	[smem:$0x3FAC] =	sst s7  }
0x10: {  	[smem:$0x3FAD] =	sst s8  }
0x11: {  	[smem:$0x3FAE] =	sst s9;
	s0 =	simm.s32 @!p0 $0x0  }
0x12: {  	s1 =	sld [smem:$0x3F94];
	s0 =	simm.s32 @p0 $0x1  }
0x13: {  	[smem:$0x3FAF] =	sst s0;
	s0 =	simm.s32 @!p1 $0x0  }
0x14: {  	s2 =	sld [smem:$0x3F93];
	s0 =	simm.s32 @p1 $0x1  }
0x15: {  	[smem:$0x3FB0] =	sst s0;
	s0 =	simm.s32 @!p2 $0x0  }
0x16: {  	s3 =	sld [smem:$0x3FDB];
	s0 =	simm.s32 @p2 $0x1  }
0x17: {  	s4 =	simm.s32 $0x1BF5;
	[smem:$0x3FB2] =	sst s0  }
0x18: {  	s0 =	sld [smem:$0x3F95];
	_ =	swait.ge [sflag:s4], $0x0  }
0x19: {  	s7 =	sld [smem:$0x3F96]  }
0x1a: {  	s8 =	sadd.s32 $0xFFFFE003, lr  }
0x1b: {  	s9 =	sadd.s32 $0xFFFFFEF7, lr;
	s5 =	simm.s32 $0xFFFFFFFF;
	p2 =	slt.u32 s8, $0xFFFFF086  }
0x1c: {  	p1 =	slt.u32 s9, $0xF7A;
	s5 =	simm.s32 @!p2 $0x0  }
0x1d: {  	s5 =	simm.s32 @p1 $0x1;
	p0 =	seq.s32 s7, s2  }
0x1e: {  	s7 =	smul.u32 @!p0 $0xF7A, s2;
	p2 =	seq.s32 @!p0 s5, $0x0  }
0x1f: {  	s9 =	smul.u32 $0xF7A, s1;
	s8 =	simm.s32 @!p0 $0x1BF5;
	p2 =	por !p2, p0  }
0x20: {  	[sflag:s8] =	ssyncset.s32 @!p0 $0xFFFFF086;
	s6 =	sadd.s32 @!p0 s3, s7;
	s7 =	simm.s32 @!p0 $0x108  }
0x21: {  	s3 =	sadd.s32 s3, s9;
	s6 =	sadd.s32 @!p0 $0x88, s6;
	s7 =	simm.s32 @p2 $0x1082  }
0x22: {  	[simem:s7], [sflag:s8] =	dma.local @!p0 [hbm:s6], $0xF7A  }
0x23: {  	s9 =	sor.u32 $0xD0000000, s2;
	s6 =	simm.s32 $0x108;
	_ =	swait.ge @!p0 [sflag:s8], $0x0  }
0x24: {  	s3 =	sadd.s32 $0x88, s3;
	s6 =	simm.s32 @!p1 $0x1082;
	[sflag:s4] =	ssyncset.s32 $0xFFFFF086  }
0x25: {  	[simem:s6], [sflag:s4] =	dma.local [hbm:s3], $0xF7A  }
0x26: {  	[smem:$0x3F96] =	sst s1;
	(tag) =	ssettag s2;
	_ =	strace s9  }
0x27: {  	s1 =	sld [smem:$0x3FA6]  }
0x28: {  	s2 =	sld [smem:$0x3FA7]  }
0x29: {  	s4 =	sld [smem:$0x3FA9]  }
0x2a: {  	p0 =	seq.s32 s5, $0x0;
	s5 =	sld [smem:$0x3FAA]  }
0x2b: {  	s6 =	sld [smem:$0x3FAB]  }
0x2c: {  	s7 =	sld [smem:$0x3FAC]  }
0x2d: {  	s3 =	simm.s32 $0x108;
	s8 =	sld [smem:$0x3FAD]  }
0x2e: {  	s3 =	simm.s32 @!p0 $0x1082;
	s9 =	sld [smem:$0x3FAE]  }
0x2f: {  	lr =	sadd.s32 s0, s3;
	s0 =	sld [smem:$0x3FA5]  }
0x30: {  	s3 =	sld [smem:$0x3FA8]  }
0x31: {  	[smem:$0x3FB1] =	sst s10  }
0x32: {  	s10 =	sld [smem:$0x3FAF];
	_ =	sdelay $0x3  }
0x33: {  	p0 =	seq.s32 s10, $0x1;
	s10 =	sld [smem:$0x3FB1];
	_ =	sdelay $0x3  }
0x34: {  	[smem:$0x3FB1] =	sst s10  }
0x35: {  	s10 =	sld [smem:$0x3FB0];
	_ =	sdelay $0x3  }
0x36: {  	p1 =	seq.s32 s10, $0x1;
	s10 =	sld [smem:$0x3FB1];
	_ =	sdelay $0x3  }
0x37: {  	[smem:$0x3FB1] =	sst s10  }
0x38: {  	s10 =	sld [smem:$0x3FB2]  }
0x39: {  	_ = 	snop;
	(pc) =	sbr.ind lr, $3  }
0x3a: {  	_ = 	snop  }
0x3b: {  	_ = 	snop  }
0x3c: {  	p2 =	seq.s32 s10, $0x1;
	s10 =	sld [smem:$0x3FB1]  }
0x3d: {  	_ =	shalt  }
0x3e: {  	_ =	shalt  }
0x3f: {  	_ =	shalt  }
0x40: {  	_ =	shalt  }
0x41: {  	_ =	shalt  }
0x42: {  	_ =	shalt  }
0x43: {  	_ =	shalt  }
0x44: {  	_ =	shalt  }
0x45: {  	_ =	shalt  }
0x46: {  	_ =	shalt  }
0x47: {  	_ =	shalt  }
0x48: {  	_ =	shalt  }
0x49: {  	_ =	shalt  }
0x4a: {  	_ =	shalt  }
0x4b: {  	_ =	shalt  }
0x4c: {  	_ =	shalt  }
0x4d: {  	_ =	shalt  }
0x4e: {  	_ =	shalt  }
0x4f: {  	_ =	shalt  }
0x50: {  	_ =	shalt  }
0x51: {  	_ =	shalt  }
0x52: {  	_ =	shalt  }
0x53: {  	_ =	shalt  }
0x54: {  	_ =	shalt  }
0x55: {  	_ =	shalt  }
0x56: {  	_ =	shalt  }
0x57: {  	_ =	shalt  }
0x58: {  	_ =	shalt  }
0x59: {  	_ =	shalt  }
0x5a: {  	_ =	shalt  }
0x5b: {  	_ =	shalt  }
0x5c: {  	_ =	shalt  }
0x5d: {  	_ =	shalt  }
0x5e: {  	_ =	shalt  }
0x5f: {  	_ =	shalt  }
0x60: {  	_ =	shalt  }
0x61: {  	_ =	shalt  }
0x62: {  	_ =	shalt  }
0x63: {  	_ =	shalt  }
0x64: {  	_ =	shalt  }
0x65: {  	_ =	shalt  }
0x66: {  	_ =	shalt  }
0x67: {  	_ =	shalt  }
0x68: {  	_ =	shalt  }
0x69: {  	_ =	shalt  }
0x6a: {  	_ =	shalt  }
0x6b: {  	_ =	shalt  }
0x6c: {  	_ =	shalt  }
0x6d: {  	_ =	shalt  }
0x6e: {  	_ =	shalt  }
0x6f: {  	_ =	shalt  }
0x70: {  	_ =	shalt  }
0x71: {  	_ =	shalt  }
0x72: {  	_ =	shalt  }
0x73: {  	_ =	shalt  }
0x74: {  	_ =	shalt  }
0x75: {  	_ =	shalt  }
0x76: {  	_ =	shalt  }
0x77: {  	_ =	shalt  }
0x78: {  	_ =	shalt  }
0x79: {  	_ =	shalt  }
0x7a: {  	_ =	shalt  }
0x7b: {  	_ =	shalt  }
0x7c: {  	_ =	shalt  }
0x7d: {  	_ =	shalt  }
0x7e: {  	_ =	shalt  }
0x7f: {  	_ =	shalt  }
0x80: {  	_ =	shalt  }
0x81: {  	_ =	shalt  }
0x82: {  	_ =	shalt  }
0x83: {  	_ =	shalt  }
0x84: {  	_ =	shalt  }
0x85: {  	_ =	shalt  }
0x86: {  	_ =	shalt  }
0x87: {  	_ =	shalt  }
.Lfunc_end0:
.L_simem_size_0:
called_computation_lowered:
.L_overlay_start_0:
0x88: {  	s2 =	sld [smem:$0x3FD9]  }
0x89: {  	s3 =	sld [smem:$0x3FFE];
	_ =	sdelay $0x1  }
0x8a: {  	s1 =	srdreg.scid  }
0x8b: {  	s0 =	sand.u32 $0x1, s1  }
0x8c: {  	s17 =	sshll.u32 s0, $0xA;
	s2 =	sadd.s32 s3, s2  }
0x8d: {  	s2 =	sadd.s32 s2, s17  }
0x8e: {  	[smem:$0x3FBD] =	sst s2  }
0x8f: {  	_ = 	snop  }
0x90: {  	s2 =	sld [smem:$0x3FD0];
	(tm) =	ssettm $0x1  }
0x91: {  	s18 =	sld [smem:$0x3FFB];
	_ =	sdelay $0x3  }
0x92: {  	_ =	strace s18  }
0x93: {  	s3 =	sld [smem:$0x3FFC];
	_ =	sdelay $0x3  }
0x94: {  	_ =	strace s3  }
0x95: {  	s3 =	sld [smem:$0x3FFD];
	_ =	sdelay $0x3  }
0x96: {  	_ =	strace s3  }
0x97: {  	_ =	strace $0x8FFFFFFF  }
0x98: {  	s19 =	sld [smem:$0x3FDB];
	_ =	sdelay $0x1  }
0x99: {  	s4 =	simm.s32 $_scs_section_size  }
0x9a: {  	s5 =	simm.s32 $_size__tile_overlayer_lowered;
	s6 =	simm.s32 $_tile_overlayer_lowered  }
0x9b: {  	s22 =	simm.s32 $0x1BFF;
	s21 =	sshll.u32 s6, $0x1;
	s3 =	sadd.s32 s4, s19  }
0x9c: {  	s7 =	simm.s32 $0x0;
	s20 =	sshll.u32 s5, $0x1;
	s5 =	sadd.s32 s21, s3  }
0x9d: {  	[timem:s7], [sflag:s22] =	dma.local [hbm:s5], s20  }
0x9e: {  	_ =	swait.ge [sflag:s22], s20  }
0x9f: {  	s4 =	ssub.s32 $0x0, s20;
	[sflag:s22] =	ssyncset.done $0x0  }
0xa0: {  	[sflag:s22] =	ssyncadd.s32 s4;
	_ =	sdelay $0x1  }
0xa1: {  	s23 =	simm.s32 $0x1B8B  }
0xa2: {  	_ =	swait.ge [sflag:s23], $0x1  }
0xa3: {  	[sflag:s23] =	ssyncset.done $0x0  }
0xa4: {  	s25 =	simm.s32 $0x1B8E;
	s24 =	sld [smem:$0x3FFE];
	[sflag:s23] =	ssyncadd.s32 $0xFFFFFFFF  }
0xa5: {  	s26 =	simm.s32 $execute0_lowered;
	[smem:$0x3FD2] =	sst s25  }
0xa6: {  	s5 =	sshll.u32 s26, $0x1;
	_ =	strace $0x80000046;
	[dreg:$0x1] =	wrdreg $0xFFFFFFFF  }
0xa7: {  	s28 =	simm.s32 $_size_execute0_lowered;
	s3 =	sadd.s32 s3, s5;
	[dreg:$0x0] =	wrdreg $0x0  }
0xa8: {  	s5 =	sshll.u32 s28, $0x1;
	[dreg:$0x2] =	wrdreg s3  }
0xa9: {  	[dreg:$0x3] =	wrdreg s5  }
0xaa: {  	[dreg:$0x4] =	wrdreg $0xC0  }
0xab: {  	_ =	task [dreg:s7], $0x5FFFF  }
0xac: {  	[dreg:$0x1] =	wrdreg $0xFFFFFFFF  }
0xad: {  	[dreg:$0x0] =	wrdreg $0x60  }
0xae: {  	[dreg:$0x2] =	wrdreg s2  }
0xaf: {  	[dreg:$0x3] =	wrdreg s24  }
0xb0: {  	[dreg:$0x4] =	wrdreg $0x28800  }
0xb1: {  	[dreg:$0x5] =	wrdreg $0x9  }
0xb2: {  	_ =	task.clear_ibuf [dreg:s7], $0x6FFFF;
	_ =	strace $0x90000046  }
0xb3: {  	s29 =	simm.s32 $0x9;
	_ =	strace $0x80000048  }
0xb4: {  	_ =	swait.ge [sflag:s29], $0x1  }
0xb5: {  	[sflag:s29] =	ssyncadd.s32 $0xFFFFFFFF  }
0xb6: {  	_ =	strace $0x90000048  }
0xb7: {  	_ =	sfence  }
0xb8: {  	s30 =	sld [smem:$0x0];
	_ =	sdelay $0x2  }
0xb9: {  	s31 =	sshll.u32 s1, $0xD;
	s1 =	sshrl.u32 s1, $0x2  }
0xba: {  	s3 =	sand.u32 $0x4000, s31;
	s1 =	sadd.s32 s1, s30  }
0xbb: {  	s0 =	sor.u32 s3, s0;
	s1 =	sshll.u32 s1, $0x11  }
0xbc: {  	s0 =	sor.u32 s1, s0  }
0xbd: {  	s0 =	sadd.s32 $0x8F2B, s0  }
0xbe: {  	[sflag:s0] =	ssyncadd.remote.s32 $0x1  }
0xbf: {  	_ =	sfence.sel $0xFFFF  }
0xc0: {  	[dreg:$0x0] =	wrdreg $0xFFFFFFFF;
	(pc) =	sbr.abs _section_cstart, $3  }
0xc1: {  	[dreg:$0x1] =	wrdreg $0xFFFFFFFF  }
0xc2: {  	_ =	task.clear_ibuf [dreg:s7], $0x2FFFF;
	_ =	strace $0x9FFFFFFF  }
0xc3: {  	(tm) =	ssettm $0x7FFFFFFF  }
tec
execute0_lowered:
.L_overlay_start_1:
0x0: {  	(tag) =	ssettag $0x1  }
0x1: {  	s6 =	rddreg [dreg:$0x0]  }
0x2: {  	s4 =	rddreg [dreg:$0x1]  }
0x3: {  	s2 =	rddreg [dreg:$0x2]  }
0x4: {  	s0 =	stileid.u32;
	s7 =	srdreg.scid  }
0x5: {  	s1 =	rddreg [dreg:$0x3];
	s3 =	simm.s32 $0x0;
	s13 =	simm.s32 $0x0  }
0x6: {  	s5 =	smul.u32 $0x280, s0;
	s7 =	sand.u32 $0x1, s7;
	[smem:$0x7FF] =	sst s3  }
0x7: {  	s11 =	sshll.u32 s0, $0x1;
	s31 =	sshll.u32 s0, $0x6;
	s9 =	smul.u32 $0x2800, s7  }
0x8: {  	_ =	strace $0x80000047;
	s10 =	ssub.s32 $0x2, s7;
	s7 =	sor.u32 s7, s11  }
0x9: {  	s11 =	simm.s32 $0x80;
	s8 =	sshrl.u32 s5, $0x3;
	s12 =	sshrl.u32 s10, $0x1  }
0xa: {  	s7 =	smul.u32 $0x500, s7;
	s30 =	sadd.s32 s5, s2;
	s8 =	sadd.s32 s8, s4  }
0xb: {  	s9 =	sadd.s32 s5, s9;
	s10 =	ssub.s32 s10, s12;
	s5 =	sor.u32 $0x1C01, s31  }
0xc: {  	s12 =	simm.s32 $0x2800;
	s9 =	sshrl.u32 s9, $0x3;
	s6 =	sadd.s32 s6, s7  }
0xd: {  	s9 =	sadd.s32 s9, s4;
	s4 =	sadd.s32 $0xFE00, s8;
	s8 =	smax.u32 s10, $0x1  }
0xe: {  	v0 =	vimm.f32 $1.000000000e+00;
	s10 =	simm.s32 $0x1;
	s7 =	sadd.s32 $0x10400, s9;
	s9 =	sshrl.u32 s30, $0x3  }
.LBB2_1:
0xf: {  	[spmem:s9], [sflag:s5] =	dma.local [hbm:s4], $0x50  }
0x10: {  	_ =	swait.ge [sflag:s10], $0x50  }
0x11: {  	[sflag:s10] =	ssyncset.done $0x0  }
0x12: {  	[sflag:s10] =	ssyncadd.s32 $0xFFFFFFB0  }
0x13: {  	[tilespmem:s3], [sflag:$0x1] =	stream.linear.gather [hbm4b:s6+s3], $0x2800, $0x38;
	[tilespmem:$0x2B00] =	vst v63  }
0x14: {  	_ =	swait.ge [sflag:s10], $0x2800  }
0x15: {  	[sflag:s10] =	ssyncset.done $0x0  }
0x16: {  	[sflag:s10] =	ssyncadd.s32 $0xFFFFD800  }
0x17: {  	[tilespmem:$0x2800] =	vst v0  }
0x18: {  	[tilespmem:$0x2810] =	vst v0  }
0x19: {  	[tilespmem:$0x2820] =	vst v0  }
0x1a: {  	[tilespmem:$0x2830] =	vst v0  }
0x1b: {  	[tilespmem:$0x2840] =	vst v0  }
0x1c: {  	[tilespmem:$0x2850] =	vst v0  }
0x1d: {  	[tilespmem:$0x2860] =	vst v0  }
0x1e: {  	[tilespmem:$0x2870] =	vst v0  }
0x1f: {  	s14 =	simm.s32 $0x0;
	[bflag:$0x0] =	sbarrier.arrive $0xFFFF  }
0x20: {  	[spmem:s2] =	stream.indirect.scatter.add.f32 [tilespmem:s12], [sflag:$0x1], $0x1, s14, s11, $0xb8;
	[tilespmem:$0x2B00] =	vst v63  }
0x21: {  	_ =	swait.ge [sflag:s10], $0x80  }
0x22: {  	s14 =	simm.s32 $0x200;
	[sflag:s10] =	ssyncset.done $0x0  }
.LBB2_2:
0x23: {  	s15 =	sshra.s32 s14, $0x2;
	[sflag:s10] =	ssyncadd.s32 $0xFFFFFF80;
	p0 =	sne.s32 s14, $0x9E00  }
0x24: {  	[spmem:s2] =	stream.indirect.scatter.add.f32 [tilespmem:s12], [sflag:$0x1], $0x1, s15, s11, $0xb8;
	[tilespmem:$0x2B00] =	vst v63  }
.Ltmp0:
0x25: {  	_ = 	snop;
	(pc) =	sbr.rel @p0 .LBB2_2-.Ltmp0, $4  }
0x26: {  	_ = 	snop  }
0x27: {  	s14 =	sadd.s32 $0x200, s14  }
0x28: {  	_ =	swait.ge [sflag:s10], $0x80  }
0x29: {  	[sflag:s10] =	ssyncset.done $0x0  }
0x2a: {  	s13 =	sadd.s32 $0x1, s13  }
0x2b: {  	[sflag:s10] =	ssyncadd.s32 $0xFFFFFF80;
	p0 =	sne.s32 s13, s8  }
.Ltmp1:
0x2c: {  	[bflag:$0x0] =	sbarrier.arrive $0xFFFF;
	(pc) =	sbr.rel @p0 .LBB2_1-.Ltmp1, $4  }
0x2d: {  	[hbm:s7], [sflag:s5] =	dma.local [spmem:s9], $0x50  }
0x2e: {  	_ =	swait.ge [sflag:s10], $0x50  }
0x2f: {  	[sflag:s10] =	ssyncset.done $0x0  }
0x30: {  	[sflag:s10] =	ssyncadd.s32 $0xFFFFFFB0  }
0x31: {  	_ =	sfence.sel $0x180000  }
0x32: {  	[bflag:$0x0] =	sbarrier.arrive $0xFFFF  }
0x33: {  	p0 =	sne.s32 s0, $0x0;
	_ =	strace $0x90000047  }
0x34: {  	s0 =	sadd.s32 @!p0 $0x100000, s1;
	[bflag:$0x2] =	sbarrier.arrive $0xFFFF  }
0x35: {  	[sflag:s0] =	ssyncadd.tile.s32 @!p0 $0x1;
	_ =	shalt  }
.Lfunc_end2:
_tile_overlayer_lowered:
.L_overlay_start_2:
0x36: {  	(tag) =	ssettag $0x2  }
0x37: {  	s0 =	rddreg [dreg:$0x0];
	s2 =	stileid.u32  }
0x38: {  	s1 =	rddreg [dreg:$0x1];
	p0 =	sne.s32 s2, $0x0  }
0x39: {  	s3 =	rddreg [dreg:$0x2];
	[bflag:$0x3] =	sbarrier.arrive $0xFFFF;
	s2 =	simm.s32 @!p0 $0x1C01  }
0x3a: {  	[timem:s3], [sflag:s2] =	dma.local @!p0 [hbm:s0], s1  }
0x3b: {  	s0 =	simm.s32 @!p0 $0x1  }
0x3c: {  	_ =	swait.ge @!p0 [sflag:s0], s1  }
0x3d: {  	s1 =	ssub.s32 @!p0 $0x0, s1;
	[sflag:s0] =	ssyncset.done @!p0 $0x0  }
0x3e: {  	[sflag:s0] =	ssyncadd.s32 @!p0 s1  }
0x3f: {  	[bflag:$0x3] =	sbarrier.arrive $0xFFFF  }
0x40: {  	_ =	shalt  }

// kernel: kernel.15.cloned.1.call-start
scs
__scs_entry_jumppad:
0x0: {  	(pc) =	sbr.rel $0x88, $3  }
0x1: {  	(tag) =	ssettag $0x0;
	lr =	simm.s32 $0x1  }
0x2: {  	[smem:$0x3F96] =	sst lr;
	_ =	strace $0xD0000000  }
0x3: {  	_ = 	snop  }
0x4: {  	_ = 	snop  }
0x5: {  	_ = 	snop  }
0x6: {  	_ = 	snop  }
0x7: {  	_ = 	snop  }
__scs_overlays_trampoline_lowered:
0x8: {  	[smem:$0x3FA5] =	sst s0  }
0x9: {  	[smem:$0x3FA6] =	sst s1  }
0xa: {  	[smem:$0x3FA7] =	sst s2  }
0xb: {  	[smem:$0x3FA8] =	sst s3  }
0xc: {  	[smem:$0x3FA9] =	sst s4  }
0xd: {  	[smem:$0x3FAA] =	sst s5  }
0xe: {  	[smem:$0x3FAB] =	sst s6  }
0xf: {  	[smem:$0x3FAC] =	sst s7  }
0x10: {  	[smem:$0x3FAD] =	sst s8  }
0x11: {  	[smem:$0x3FAE] =	sst s9;
	s0 =	simm.s32 @!p0 $0x0  }
0x12: {  	s1 =	sld [smem:$0x3F94];
	s0 =	simm.s32 @p0 $0x1  }
0x13: {  	[smem:$0x3FAF] =	sst s0;
	s0 =	simm.s32 @!p1 $0x0  }
0x14: {  	s2 =	sld [smem:$0x3F93];
	s0 =	simm.s32 @p1 $0x1  }
0x15: {  	[smem:$0x3FB0] =	sst s0;
	s0 =	simm.s32 @!p2 $0x0  }
0x16: {  	s3 =	sld [smem:$0x3FDB];
	s0 =	simm.s32 @p2 $0x1  }
0x17: {  	s4 =	simm.s32 $0x1BF5;
	[smem:$0x3FB2] =	sst s0  }
0x18: {  	s0 =	sld [smem:$0x3F95];
	_ =	swait.ge [sflag:s4], $0x0  }
0x19: {  	s7 =	sld [smem:$0x3F96]  }
0x1a: {  	s8 =	sadd.s32 $0xFFFFE003, lr  }
0x1b: {  	s9 =	sadd.s32 $0xFFFFFEF7, lr;
	s5 =	simm.s32 $0xFFFFFFFF;
	p2 =	slt.u32 s8, $0xFFFFF086  }
0x1c: {  	p1 =	slt.u32 s9, $0xF7A;
	s5 =	simm.s32 @!p2 $0x0  }
0x1d: {  	s5 =	simm.s32 @p1 $0x1;
	p0 =	seq.s32 s7, s2  }
0x1e: {  	s7 =	smul.u32 @!p0 $0xF7A, s2;
	p2 =	seq.s32 @!p0 s5, $0x0  }
0x1f: {  	s9 =	smul.u32 $0xF7A, s1;
	s8 =	simm.s32 @!p0 $0x1BF5;
	p2 =	por !p2, p0  }
0x20: {  	[sflag:s8] =	ssyncset.s32 @!p0 $0xFFFFF086;
	s6 =	sadd.s32 @!p0 s3, s7;
	s7 =	simm.s32 @!p0 $0x108  }
0x21: {  	s3 =	sadd.s32 s3, s9;
	s6 =	sadd.s32 @!p0 $0x88, s6;
	s7 =	simm.s32 @p2 $0x1082  }
0x22: {  	[simem:s7], [sflag:s8] =	dma.local @!p0 [hbm:s6], $0xF7A  }
0x23: {  	s9 =	sor.u32 $0xD0000000, s2;
	s6 =	simm.s32 $0x108;
	_ =	swait.ge @!p0 [sflag:s8], $0x0  }
0x24: {  	s3 =	sadd.s32 $0x88, s3;
	s6 =	simm.s32 @!p1 $0x1082;
	[sflag:s4] =	ssyncset.s32 $0xFFFFF086  }
0x25: {  	[simem:s6], [sflag:s4] =	dma.local [hbm:s3], $0xF7A  }
0x26: {  	[smem:$0x3F96] =	sst s1;
	(tag) =	ssettag s2;
	_ =	strace s9  }
0x27: {  	s1 =	sld [smem:$0x3FA6]  }
0x28: {  	s2 =	sld [smem:$0x3FA7]  }
0x29: {  	s4 =	sld [smem:$0x3FA9]  }
0x2a: {  	p0 =	seq.s32 s5, $0x0;
	s5 =	sld [smem:$0x3FAA]  }
0x2b: {  	s6 =	sld [smem:$0x3FAB]  }
0x2c: {  	s7 =	sld [smem:$0x3FAC]  }
0x2d: {  	s3 =	simm.s32 $0x108;
	s8 =	sld [smem:$0x3FAD]  }
0x2e: {  	s3 =	simm.s32 @!p0 $0x1082;
	s9 =	sld [smem:$0x3FAE]  }
0x2f: {  	lr =	sadd.s32 s0, s3;
	s0 =	sld [smem:$0x3FA5]  }
0x30: {  	s3 =	sld [smem:$0x3FA8]  }
0x31: {  	[smem:$0x3FB1] =	sst s10  }
0x32: {  	s10 =	sld [smem:$0x3FAF];
	_ =	sdelay $0x3  }
0x33: {  	p0 =	seq.s32 s10, $0x1;
	s10 =	sld [smem:$0x3FB1];
	_ =	sdelay $0x3  }
0x34: {  	[smem:$0x3FB1] =	sst s10  }
0x35: {  	s10 =	sld [smem:$0x3FB0];
	_ =	sdelay $0x3  }
0x36: {  	p1 =	seq.s32 s10, $0x1;
	s10 =	sld [smem:$0x3FB1];
	_ =	sdelay $0x3  }
0x37: {  	[smem:$0x3FB1] =	sst s10  }
0x38: {  	s10 =	sld [smem:$0x3FB2]  }
0x39: {  	_ = 	snop;
	(pc) =	sbr.ind lr, $3  }
0x3a: {  	_ = 	snop  }
0x3b: {  	_ = 	snop  }
0x3c: {  	p2 =	seq.s32 s10, $0x1;
	s10 =	sld [smem:$0x3FB1]  }
0x3d: {  	_ =	shalt  }
0x3e: {  	_ =	shalt  }
0x3f: {  	_ =	shalt  }
0x40: {  	_ =	shalt  }
0x41: {  	_ =	shalt  }
0x42: {  	_ =	shalt  }
0x43: {  	_ =	shalt  }
0x44: {  	_ =	shalt  }
0x45: {  	_ =	shalt  }
0x46: {  	_ =	shalt  }
0x47: {  	_ =	shalt  }
0x48: {  	_ =	shalt  }
0x49: {  	_ =	shalt  }
0x4a: {  	_ =	shalt  }
0x4b: {  	_ =	shalt  }
0x4c: {  	_ =	shalt  }
0x4d: {  	_ =	shalt  }
0x4e: {  	_ =	shalt  }
0x4f: {  	_ =	shalt  }
0x50: {  	_ =	shalt  }
0x51: {  	_ =	shalt  }
0x52: {  	_ =	shalt  }
0x53: {  	_ =	shalt  }
0x54: {  	_ =	shalt  }
0x55: {  	_ =	shalt  }
0x56: {  	_ =	shalt  }
0x57: {  	_ =	shalt  }
0x58: {  	_ =	shalt  }
0x59: {  	_ =	shalt  }
0x5a: {  	_ =	shalt  }
0x5b: {  	_ =	shalt  }
0x5c: {  	_ =	shalt  }
0x5d: {  	_ =	shalt  }
0x5e: {  	_ =	shalt  }
0x5f: {  	_ =	shalt  }
0x60: {  	_ =	shalt  }
0x61: {  	_ =	shalt  }
0x62: {  	_ =	shalt  }
0x63: {  	_ =	shalt  }
0x64: {  	_ =	shalt  }
0x65: {  	_ =	shalt  }
0x66: {  	_ =	shalt  }
0x67: {  	_ =	shalt  }
0x68: {  	_ =	shalt  }
0x69: {  	_ =	shalt  }
0x6a: {  	_ =	shalt  }
0x6b: {  	_ =	shalt  }
0x6c: {  	_ =	shalt  }
0x6d: {  	_ =	shalt  }
0x6e: {  	_ =	shalt  }
0x6f: {  	_ =	shalt  }
0x70: {  	_ =	shalt  }
0x71: {  	_ =	shalt  }
0x72: {  	_ =	shalt  }
0x73: {  	_ =	shalt  }
0x74: {  	_ =	shalt  }
0x75: {  	_ =	shalt  }
0x76: {  	_ =	shalt  }
0x77: {  	_ =	shalt  }
0x78: {  	_ =	shalt  }
0x79: {  	_ =	shalt  }
0x7a: {  	_ =	shalt  }
0x7b: {  	_ =	shalt  }
0x7c: {  	_ =	shalt  }
0x7d: {  	_ =	shalt  }
0x7e: {  	_ =	shalt  }
0x7f: {  	_ =	shalt  }
0x80: {  	_ =	shalt  }
0x81: {  	_ =	shalt  }
0x82: {  	_ =	shalt  }
0x83: {  	_ =	shalt  }
0x84: {  	_ =	shalt  }
0x85: {  	_ =	shalt  }
0x86: {  	_ =	shalt  }
0x87: {  	_ =	shalt  }
.Lfunc_end0:
.L_simem_size_0:
called_computation.1_lowered:
.L_overlay_start_0:
0x88: {  	s2 =	sld [smem:$0x3FD9]  }
0x89: {  	s3 =	sld [smem:$0x3FFE];
	_ =	sdelay $0x1  }
0x8a: {  	s1 =	srdreg.scid  }
0x8b: {  	s0 =	sand.u32 $0x1, s1  }
0x8c: {  	s17 =	sshll.u32 s0, $0xA;
	s2 =	sadd.s32 s3, s2  }
0x8d: {  	s2 =	sadd.s32 s2, s17  }
0x8e: {  	[smem:$0x3FBD] =	sst s2  }
0x8f: {  	_ = 	snop  }
0x90: {  	s2 =	sld [smem:$0x3FD0];
	(tm) =	ssettm $0x1  }
0x91: {  	s18 =	sld [smem:$0x3FFB];
	_ =	sdelay $0x3  }
0x92: {  	_ =	strace s18  }
0x93: {  	s3 =	sld [smem:$0x3FFC];
	_ =	sdelay $0x3  }
0x94: {  	_ =	strace s3  }
0x95: {  	s3 =	sld [smem:$0x3FFD];
	_ =	sdelay $0x3  }
0x96: {  	_ =	strace s3  }
0x97: {  	_ =	strace $0x8FFFFFFF  }
0x98: {  	s19 =	sld [smem:$0x3FDB];
	_ =	sdelay $0x1  }
0x99: {  	s4 =	simm.s32 $_scs_section_size  }
0x9a: {  	s5 =	simm.s32 $_size__tile_overlayer_lowered;
	s6 =	simm.s32 $_tile_overlayer_lowered  }
0x9b: {  	s22 =	simm.s32 $0x1BFF;
	s21 =	sshll.u32 s6, $0x1;
	s3 =	sadd.s32 s4, s19  }
0x9c: {  	s7 =	simm.s32 $0x0;
	s20 =	sshll.u32 s5, $0x1;
	s5 =	sadd.s32 s21, s3  }
0x9d: {  	[timem:s7], [sflag:s22] =	dma.local [hbm:s5], s20  }
0x9e: {  	_ =	swait.ge [sflag:s22], s20  }
0x9f: {  	s4 =	ssub.s32 $0x0, s20;
	[sflag:s22] =	ssyncset.done $0x0  }
0xa0: {  	[sflag:s22] =	ssyncadd.s32 s4;
	_ =	sdelay $0x1  }
0xa1: {  	s23 =	simm.s32 $0x1B8B  }
0xa2: {  	_ =	swait.ge [sflag:s23], $0x1  }
0xa3: {  	[sflag:s23] =	ssyncset.done $0x0  }
0xa4: {  	s25 =	simm.s32 $0x1B8E;
	s24 =	sld [smem:$0x3FFE];
	[sflag:s23] =	ssyncadd.s32 $0xFFFFFFFF  }
0xa5: {  	s26 =	simm.s32 $execute0_lowered;
	[smem:$0x3FD2] =	sst s25  }
0xa6: {  	s5 =	sshll.u32 s26, $0x1;
	_ =	strace $0x80000049;
	[dreg:$0x1] =	wrdreg $0xFFFFFFFF  }
0xa7: {  	s28 =	simm.s32 $_size_execute0_lowered;
	s3 =	sadd.s32 s3, s5;
	[dreg:$0x0] =	wrdreg $0x0  }
0xa8: {  	s5 =	sshll.u32 s28, $0x1;
	[dreg:$0x2] =	wrdreg s3  }
0xa9: {  	[dreg:$0x3] =	wrdreg s5  }
0xaa: {  	[dreg:$0x4] =	wrdreg $0xC0  }
0xab: {  	_ =	task [dreg:s7], $0x5FFFF  }
0xac: {  	[dreg:$0x1] =	wrdreg $0xFFFFFFFF  }
0xad: {  	[dreg:$0x0] =	wrdreg $0x60  }
0xae: {  	[dreg:$0x2] =	wrdreg s24  }
0xaf: {  	[dreg:$0x3] =	wrdreg s2  }
0xb0: {  	[dreg:$0x4] =	wrdreg $0xA9000  }
0xb1: {  	[dreg:$0x5] =	wrdreg $0x9  }
0xb2: {  	_ =	task.clear_ibuf [dreg:s7], $0x6FFFF;
	_ =	strace $0x90000049  }
0xb3: {  	s29 =	simm.s32 $0x9;
	_ =	strace $0x8000004B  }
0xb4: {  	_ =	swait.ge [sflag:s29], $0x1  }
0xb5: {  	[sflag:s29] =	ssyncadd.s32 $0xFFFFFFFF  }
0xb6: {  	_ =	strace $0x9000004B  }
0xb7: {  	_ =	sfence  }
0xb8: {  	s30 =	sld [smem:$0x0];
	_ =	sdelay $0x2  }
0xb9: {  	s31 =	sshll.u32 s1, $0xD;
	s1 =	sshrl.u32 s1, $0x2  }
0xba: {  	s3 =	sand.u32 $0x4000, s31;
	s1 =	sadd.s32 s1, s30  }
0xbb: {  	s0 =	sor.u32 s3, s0;
	s1 =	sshll.u32 s1, $0x11  }
0xbc: {  	s0 =	sor.u32 s1, s0  }
0xbd: {  	s0 =	sadd.s32 $0x8F2B, s0  }
0xbe: {  	[sflag:s0] =	ssyncadd.remote.s32 $0x1  }
0xbf: {  	_ =	sfence.sel $0xFFFF  }
0xc0: {  	[dreg:$0x0] =	wrdreg $0xFFFFFFFF;
	(pc) =	sbr.abs _section_cstart, $3  }
0xc1: {  	[dreg:$0x1] =	wrdreg $0xFFFFFFFF  }
0xc2: {  	_ =	task.clear_ibuf [dreg:s7], $0x2FFFF;
	_ =	strace $0x9FFFFFFF  }
0xc3: {  	(tm) =	ssettm $0x7FFFFFFF  }
tec
execute0_lowered:
.L_overlay_start_1:
0x0: {  	(tag) =	ssettag $0x1  }
0x1: {  	s5 =	rddreg [dreg:$0x0]  }
0x2: {  	s1 =	srdreg.scid;
	s7 =	rddreg [dreg:$0x1]  }
0x3: {  	s0 =	stileid.u32;
	s2 =	rddreg [dreg:$0x2]  }
0x4: {  	s3 =	simm.s32 $0x0;
	s14 =	simm.s32 $0x80;
	s15 =	simm.s32 $0x2900  }
0x5: {  	s17 =	simm.s32 $0x2880;
	s18 =	simm.s32 $0x6900;
	s20 =	simm.s32 $0x1  }
0x6: {  	s21 =	simm.s32 $0x2;
	s22 =	simm.s32 $0x2700;
	s23 =	simm.s32 $0x2780  }
0x7: {  	s24 =	simm.s32 $0x0;
	s6 =	sand.u32 $0x1, s1;
	s9 =	smul.u32 $0x2800, s0  }
0x8: {  	s28 =	sshll.u32 s0, $0x1;
	[smem:$0x7FF] =	sst s3;
	s12 =	smul.u32 $0x50000, s0  }
0x9: {  	s4 =	sadd.s32 $0xFE00, s5;
	s1 =	sor.u32 s6, s28;
	s10 =	smul.u32 $0x28000, s6  }
0xa: {  	s31 =	sshll.u32 s0, $0x6;
	s6 =	ssub.s32 $0x2, s6;
	s8 =	smul.u32 $0x500, s1  }
0xb: {  	s1 =	rddreg [dreg:$0x3];
	_ =	strace $0x8000004A;
	s29 =	sshrl.u32 s6, $0x1  }
0xc: {  	s30 =	sshrl.u32 s12, $0x2;
	s10 =	sadd.s32 s9, s10;
	s9 =	sadd.s32 s9, s5  }
0xd: {  	s13 =	ssub.s32 s6, s29;
	s12 =	sadd.s32 s30, s2;
	s6 =	sor.u32 $0x1C03, s31  }
0xe: {  	s11 =	sadd.s32 s8, s5;
	s10 =	sadd.s32 s10, s5;
	s5 =	sadd.s32 $0xAFE00, s9  }
0xf: {  	s7 =	sadd.s32 s7, s8;
	s8 =	sadd.s32 $0x5E00, s11;
	s9 =	sadd.s32 $0xD7E00, s10  }
0x10: {  	s10 =	smax.u32 s13, $0x1;
	s11 =	sshrl.u32 s12, $0x3;
	s12 =	simm.s32 $0x3  }
0x11: {  	s13 =	simm.s32 $0x2800;
	s16 =	sadd.s32 $0x10, s8;
	s19 =	sadd.s32 $0x20, s8  }
.LBB2_1:
0x12: {  	[spmem:s11], [sflag:s6] =	dma.local [hbm:s5], $0x2800  }
0x13: {  	_ =	swait.ge [sflag:s12], $0x2800  }
0x14: {  	[sflag:s12] =	ssyncset.done $0x0  }
0x15: {  	[sflag:s12] =	ssyncadd.s32 $0xFFFFD800  }
0x16: {  	[tilespmem:s3], [sflag:$0x3] =	stream.linear.gather [hbm4b:s7+s3], $0x2800, $0x38;
	[tilespmem:$0x1E900] =	vst v63  }
0x17: {  	_ =	swait.ge [sflag:s12], $0x2800  }
0x18: {  	[sflag:s12] =	ssyncset.done $0x0  }
0x19: {  	[sflag:s12] =	ssyncadd.s32 $0xFFFFD800  }
0x1a: {  	[tilespmem:s13], [sflag:$0x3] =	stream.linear.gather [hbm4b:s8+s3], $0x80, $0x38;
	[tilespmem:$0x1E900] =	vst v63  }
0x1b: {  	_ =	swait.ge [sflag:s12], $0x80  }
0x1c: {  	[sflag:s12] =	ssyncset.done $0x0  }
0x1d: {  	[sflag:s12] =	ssyncadd.s32 $0xFFFFFF80  }
0x1e: {  	[bflag:$0x0] =	sbarrier.arrive $0xFFFF  }
0x1f: {  	[tilespmem:s15], [sflag:$0x1] =	stream.indirect.gather [hbm4b:s4+s14], $0x80, s13, s14, $0xb8;
	[tilespmem:$0x1E900] =	vst v63  }
0x20: {  	_ = 	snop  }
0x21: {  	[tilespmem:s17], [sflag:$0x3] =	stream.linear.gather [hbm4b:s16+s3], $0x80, $0x38;
	[tilespmem:$0x1E900] =	vst v63  }
0x22: {  	_ =	swait.ge [sflag:s12], $0x80  }
0x23: {  	[sflag:s12] =	ssyncset.done $0x0  }
0x24: {  	[sflag:s12] =	ssyncadd.s32 $0xFFFFFF80  }
0x25: {  	[tilespmem:s18], [sflag:$0x2] =	stream.indirect.gather [hbm4b:s4+s14], $0x80, s17, s14, $0xb8;
	[tilespmem:$0x1E900] =	vst v63  }
0x26: {  	_ =	swait.ge [sflag:s20], $0x4000  }
0x27: {  	[sflag:s20] =	ssyncset.done $0x0  }
0x28: {  	s25 =	simm.s32 $0x0;
	[sflag:s20] =	ssyncadd.s32 $0xFFFFC000  }
0x29: {  	[spmem:s2] =	stream.indirect.scatter.add.f32 [tilespmem:s15], [sflag:$0x3], $0x80, s25, s14, $0xb8;
	[tilespmem:$0x1E900] =	vst v63  }
0x2a: {  	_ =	swait.ge [sflag:s12], $0x4000  }
0x2b: {  	[sflag:s12] =	ssyncset.done $0x0  }
0x2c: {  	[sflag:s12] =	ssyncadd.s32 $0xFFFFC000  }
0x2d: {  	[tilespmem:s13], [sflag:$0x3] =	stream.linear.gather [hbm4b:s19+s3], $0x80, $0x38;
	[tilespmem:$0x1E900] =	vst v63  }
0x2e: {  	_ =	swait.ge [sflag:s12], $0x80  }
0x2f: {  	[sflag:s12] =	ssyncset.done $0x0  }
0x30: {  	[sflag:s12] =	ssyncadd.s32 $0xFFFFFF80  }
0x31: {  	[tilespmem:s15], [sflag:$0x1] =	stream.indirect.gather [hbm4b:s4+s14], $0x80, s13, s14, $0xb8;
	[tilespmem:$0x1E900] =	vst v63  }
0x32: {  	_ =	swait.ge [sflag:s21], $0x4000  }
0x33: {  	[sflag:s21] =	ssyncset.done $0x0  }
0x34: {  	s30 =	simm.s32 $0x80;
	[sflag:s21] =	ssyncadd.s32 $0xFFFFC000  }
0x35: {  	[spmem:s2] =	stream.indirect.scatter.add.f32 [tilespmem:s18], [sflag:$0x3], $0x80, s30, s14, $0xb8;
	[tilespmem:$0x1E900] =	vst v63  }
0x36: {  	_ =	swait.ge [sflag:s12], $0x4000  }
0x37: {  	[sflag:s12] =	ssyncset.done $0x0  }
0x38: {  	s31 =	sadd.s32 $0x10, s19;
	[sflag:s12] =	ssyncadd.s32 $0xFFFFC000  }
0x39: {  	[tilespmem:s17], [sflag:$0x3] =	stream.linear.gather [hbm4b:s31+s3], $0x80, $0x38;
	[tilespmem:$0x1E900] =	vst v63  }
0x3a: {  	_ =	swait.ge [sflag:s12], $0x80  }
0x3b: {  	[sflag:s12] =	ssyncset.done $0x0  }
0x3c: {  	s26 =	sadd.s32 $0x20, s19;
	s25 =	simm.s32 $0x400;
	[sflag:s12] =	ssyncadd.s32 $0xFFFFFF80  }
.LBB2_2:
0x3d: {  	[tilespmem:s18], [sflag:$0x2] =	stream.indirect.gather [hbm4b:s4+s14], $0x80, s17, s14, $0xb8;
	[tilespmem:$0x1E900] =	vst v63  }
0x3e: {  	s28 =	smov.u32 s25  }
0x3f: {  	p0 =	sne.s32 s25, $0x9800;
	s25 =	sadd.s32 $0x400, s25;
	_ =	swait.ge [sflag:s20], $0x4000  }
0x40: {  	[sflag:s20] =	ssyncset.done $0x0  }
0x41: {  	s28 =	sshra.s32 s28, $0x2;
	[sflag:s20] =	ssyncadd.s32 $0xFFFFC000  }
0x42: {  	[spmem:s2] =	stream.indirect.scatter.add.f32 [tilespmem:s15], [sflag:$0x3], $0x80, s28, s14, $0xb8;
	[tilespmem:$0x1E900] =	vst v63  }
0x43: {  	_ =	swait.ge [sflag:s12], $0x4000  }
0x44: {  	[sflag:s12] =	ssyncset.done $0x0  }
0x45: {  	[sflag:s12] =	ssyncadd.s32 $0xFFFFC000  }
0x46: {  	[tilespmem:s13], [sflag:$0x3] =	stream.linear.gather [hbm4b:s26+s3], $0x80, $0x38;
	[tilespmem:$0x1E900] =	vst v63  }
0x47: {  	_ =	swait.ge [sflag:s12], $0x80  }
0x48: {  	[sflag:s12] =	ssyncset.done $0x0  }
0x49: {  	[sflag:s12] =	ssyncadd.s32 $0xFFFFFF80  }
0x4a: {  	[tilespmem:s15], [sflag:$0x1] =	stream.indirect.gather [hbm4b:s4+s14], $0x80, s13, s14, $0xb8;
	[tilespmem:$0x1E900] =	vst v63  }
0x4b: {  	_ =	swait.ge [sflag:s21], $0x4000  }
0x4c: {  	[sflag:s21] =	ssyncset.done $0x0  }
0x4d: {  	s28 =	sadd.s32 $0x80, s28;
	[sflag:s21] =	ssyncadd.s32 $0xFFFFC000  }
0x4e: {  	[spmem:s2] =	stream.indirect.scatter.add.f32 [tilespmem:s18], [sflag:$0x3], $0x80, s28, s14, $0xb8;
	[tilespmem:$0x1E900] =	vst v63  }
0x4f: {  	_ =	swait.ge [sflag:s12], $0x4000  }
0x50: {  	[sflag:s12] =	ssyncset.done $0x0  }
.Ltmp0:
0x51: {  	s28 =	sadd.s32 $0x10, s26;
	[sflag:s12] =	ssyncadd.s32 $0xFFFFC000;
	(pc) =	sbr.rel @p0 .LBB2_2-.Ltmp0, $4  }
0x52: {  	[tilespmem:s17], [sflag:$0x3] =	stream.linear.gather [hbm4b:s28+s3], $0x80, $0x38;
	[tilespmem:$0x1E900] =	vst v63  }
0x53: {  	_ =	swait.ge [sflag:s12], $0x80  }
0x54: {  	[sflag:s12] =	ssyncset.done $0x0  }
0x55: {  	s26 =	sadd.s32 $0x20, s26;
	[sflag:s12] =	ssyncadd.s32 $0xFFFFFF80  }
0x56: {  	[tilespmem:s18], [sflag:$0x2] =	stream.indirect.gather [hbm4b:s4+s14], $0x80, s17, s14, $0xb8;
	[tilespmem:$0x1E900] =	vst v63  }
0x57: {  	_ =	swait.ge [sflag:s20], $0x4000  }
0x58: {  	[sflag:s20] =	ssyncset.done $0x0  }
0x59: {  	[sflag:s20] =	ssyncadd.s32 $0xFFFFC000  }
0x5a: {  	[spmem:s2] =	stream.indirect.scatter.add.f32 [tilespmem:s15], [sflag:$0x3], $0x80, s22, s14, $0xb8;
	[tilespmem:$0x1E900] =	vst v63  }
0x5b: {  	_ =	swait.ge [sflag:s12], $0x4000  }
0x5c: {  	[sflag:s12] =	ssyncset.done $0x0  }
0x5d: {  	[sflag:s12] =	ssyncadd.s32 $0xFFFFC000  }
0x5e: {  	_ =	swait.ge [sflag:s21], $0x4000  }
0x5f: {  	[sflag:s21] =	ssyncset.done $0x0  }
0x60: {  	[sflag:s21] =	ssyncadd.s32 $0xFFFFC000  }
0x61: {  	[spmem:s2] =	stream.indirect.scatter.add.f32 [tilespmem:s18], [sflag:$0x3], $0x80, s23, s14, $0xb8;
	[tilespmem:$0x1E900] =	vst v63  }
0x62: {  	_ =	swait.ge [sflag:s12], $0x4000  }
0x63: {  	s24 =	sadd.s32 $0x1, s24;
	[sflag:s12] =	ssyncset.done $0x0  }
0x64: {  	p0 =	sne.s32 s24, s10;
	[sflag:s12] =	ssyncadd.s32 $0xFFFFC000  }
.Ltmp1:
0x65: {  	[bflag:$0x0] =	sbarrier.arrive $0xFFFF;
	(pc) =	sbr.rel @p0 .LBB2_1-.Ltmp1, $4  }
0x66: {  	[hbm:s9], [sflag:s6] =	dma.local [spmem:s11], $0x2800  }
0x67: {  	_ =	swait.ge [sflag:s12], $0x2800  }
0x68: {  	[sflag:s12] =	ssyncset.done $0x0  }
0x69: {  	[sflag:s12] =	ssyncadd.s32 $0xFFFFD800  }
0x6a: {  	_ =	sfence.sel $0x180000  }
0x6b: {  	[bflag:$0x0] =	sbarrier.arrive $0xFFFF  }
0x6c: {  	p0 =	sne.s32 s0, $0x0;
	_ =	strace $0x9000004A  }
0x6d: {  	s0 =	sadd.s32 @!p0 $0x100000, s1;
	[bflag:$0x2] =	sbarrier.arrive $0xFFFF  }
0x6e: {  	[sflag:s0] =	ssyncadd.tile.s32 @!p0 $0x1;
	_ =	shalt  }
.Lfunc_end2:
_tile_overlayer_lowered:
.L_overlay_start_2:
0x6f: {  	(tag) =	ssettag $0x2  }
0x70: {  	s0 =	rddreg [dreg:$0x0];
	s2 =	stileid.u32  }
0x71: {  	s1 =	rddreg [dreg:$0x1];
	p0 =	sne.s32 s2, $0x0  }
0x72: {  	s3 =	rddreg [dreg:$0x2];
	[bflag:$0x3] =	sbarrier.arrive $0xFFFF;
	s2 =	simm.s32 @!p0 $0x1C03  }
0x73: {  	[timem:s3], [sflag:s2] =	dma.local @!p0 [hbm:s0], s1  }
0x74: {  	s0 =	simm.s32 @!p0 $0x3  }
0x75: {  	_ =	swait.ge @!p0 [sflag:s0], s1  }
0x76: {  	s1 =	ssub.s32 @!p0 $0x0, s1;
	[sflag:s0] =	ssyncset.done @!p0 $0x0  }
0x77: {  	[sflag:s0] =	ssyncadd.s32 @!p0 s1  }
0x78: {  	[bflag:$0x3] =	sbarrier.arrive $0xFFFF  }
0x79: {  	_ =	shalt  }

// kernel: kernel.18.cloned.1.call-start
scs
__scs_entry_jumppad:
0x0: {  	(pc) =	sbr.rel $0x88, $3  }
0x1: {  	(tag) =	ssettag $0x0;
	lr =	simm.s32 $0x1  }
0x2: {  	[smem:$0x3F96] =	sst lr;
	_ =	strace $0xD0000000  }
0x3: {  	_ = 	snop  }
0x4: {  	_ = 	snop  }
0x5: {  	_ = 	snop  }
0x6: {  	_ = 	snop  }
0x7: {  	_ = 	snop  }
__scs_overlays_trampoline_lowered:
0x8: {  	[smem:$0x3FA5] =	sst s0  }
0x9: {  	[smem:$0x3FA6] =	sst s1  }
0xa: {  	[smem:$0x3FA7] =	sst s2  }
0xb: {  	[smem:$0x3FA8] =	sst s3  }
0xc: {  	[smem:$0x3FA9] =	sst s4  }
0xd: {  	[smem:$0x3FAA] =	sst s5  }
0xe: {  	[smem:$0x3FAB] =	sst s6  }
0xf: {  	[smem:$0x3FAC] =	sst s7  }
0x10: {  	[smem:$0x3FAD] =	sst s8  }
0x11: {  	[smem:$0x3FAE] =	sst s9;
	s0 =	simm.s32 @!p0 $0x0  }
0x12: {  	s1 =	sld [smem:$0x3F94];
	s0 =	simm.s32 @p0 $0x1  }
0x13: {  	[smem:$0x3FAF] =	sst s0;
	s0 =	simm.s32 @!p1 $0x0  }
0x14: {  	s2 =	sld [smem:$0x3F93];
	s0 =	simm.s32 @p1 $0x1  }
0x15: {  	[smem:$0x3FB0] =	sst s0;
	s0 =	simm.s32 @!p2 $0x0  }
0x16: {  	s3 =	sld [smem:$0x3FDB];
	s0 =	simm.s32 @p2 $0x1  }
0x17: {  	s4 =	simm.s32 $0x1BF5;
	[smem:$0x3FB2] =	sst s0  }
0x18: {  	s0 =	sld [smem:$0x3F95];
	_ =	swait.ge [sflag:s4], $0x0  }
0x19: {  	s7 =	sld [smem:$0x3F96]  }
0x1a: {  	s8 =	sadd.s32 $0xFFFFE003, lr  }
0x1b: {  	s9 =	sadd.s32 $0xFFFFFEF7, lr;
	s5 =	simm.s32 $0xFFFFFFFF;
	p2 =	slt.u32 s8, $0xFFFFF086  }
0x1c: {  	p1 =	slt.u32 s9, $0xF7A;
	s5 =	simm.s32 @!p2 $0x0  }
0x1d: {  	s5 =	simm.s32 @p1 $0x1;
	p0 =	seq.s32 s7, s2  }
0x1e: {  	s7 =	smul.u32 @!p0 $0xF7A, s2;
	p2 =	seq.s32 @!p0 s5, $0x0  }
0x1f: {  	s9 =	smul.u32 $0xF7A, s1;
	s8 =	simm.s32 @!p0 $0x1BF5;
	p2 =	por !p2, p0  }
0x20: {  	[sflag:s8] =	ssyncset.s32 @!p0 $0xFFFFF086;
	s6 =	sadd.s32 @!p0 s3, s7;
	s7 =	simm.s32 @!p0 $0x108  }
0x21: {  	s3 =	sadd.s32 s3, s9;
	s6 =	sadd.s32 @!p0 $0x88, s6;
	s7 =	simm.s32 @p2 $0x1082  }
0x22: {  	[simem:s7], [sflag:s8] =	dma.local @!p0 [hbm:s6], $0xF7A  }
0x23: {  	s9 =	sor.u32 $0xD0000000, s2;
	s6 =	simm.s32 $0x108;
	_ =	swait.ge @!p0 [sflag:s8], $0x0  }
0x24: {  	s3 =	sadd.s32 $0x88, s3;
	s6 =	simm.s32 @!p1 $0x1082;
	[sflag:s4] =	ssyncset.s32 $0xFFFFF086  }
0x25: {  	[simem:s6], [sflag:s4] =	dma.local [hbm:s3], $0xF7A  }
0x26: {  	[smem:$0x3F96] =	sst s1;
	(tag) =	ssettag s2;
	_ =	strace s9  }
0x27: {  	s1 =	sld [smem:$0x3FA6]  }
0x28: {  	s2 =	sld [smem:$0x3FA7]  }
0x29: {  	s4 =	sld [smem:$0x3FA9]  }
0x2a: {  	p0 =	seq.s32 s5, $0x0;
	s5 =	sld [smem:$0x3FAA]  }
0x2b: {  	s6 =	sld [smem:$0x3FAB]  }
0x2c: {  	s7 =	sld [smem:$0x3FAC]  }
0x2d: {  	s3 =	simm.s32 $0x108;
	s8 =	sld [smem:$0x3FAD]  }
0x2e: {  	s3 =	simm.s32 @!p0 $0x1082;
	s9 =	sld [smem:$0x3FAE]  }
0x2f: {  	lr =	sadd.s32 s0, s3;
	s0 =	sld [smem:$0x3FA5]  }
0x30: {  	s3 =	sld [smem:$0x3FA8]  }
0x31: {  	[smem:$0x3FB1] =	sst s10  }
0x32: {  	s10 =	sld [smem:$0x3FAF];
	_ =	sdelay $0x3  }
0x33: {  	p0 =	seq.s32 s10, $0x1;
	s10 =	sld [smem:$0x3FB1];
	_ =	sdelay $0x3  }
0x34: {  	[smem:$0x3FB1] =	sst s10  }
0x35: {  	s10 =	sld [smem:$0x3FB0];
	_ =	sdelay $0x3  }
0x36: {  	p1 =	seq.s32 s10, $0x1;
	s10 =	sld [smem:$0x3FB1];
	_ =	sdelay $0x3  }
0x37: {  	[smem:$0x3FB1] =	sst s10  }
0x38: {  	s10 =	sld [smem:$0x3FB2]  }
0x39: {  	_ = 	snop;
	(pc) =	sbr.ind lr, $3  }
0x3a: {  	_ = 	snop  }
0x3b: {  	_ = 	snop  }
0x3c: {  	p2 =	seq.s32 s10, $0x1;
	s10 =	sld [smem:$0x3FB1]  }
0x3d: {  	_ =	shalt  }
0x3e: {  	_ =	shalt  }
0x3f: {  	_ =	shalt  }
0x40: {  	_ =	shalt  }
0x41: {  	_ =	shalt  }
0x42: {  	_ =	shalt  }
0x43: {  	_ =	shalt  }
0x44: {  	_ =	shalt  }
0x45: {  	_ =	shalt  }
0x46: {  	_ =	shalt  }
0x47: {  	_ =	shalt  }
0x48: {  	_ =	shalt  }
0x49: {  	_ =	shalt  }
0x4a: {  	_ =	shalt  }
0x4b: {  	_ =	shalt  }
0x4c: {  	_ =	shalt  }
0x4d: {  	_ =	shalt  }
0x4e: {  	_ =	shalt  }
0x4f: {  	_ =	shalt  }
0x50: {  	_ =	shalt  }
0x51: {  	_ =	shalt  }
0x52: {  	_ =	shalt  }
0x53: {  	_ =	shalt  }
0x54: {  	_ =	shalt  }
0x55: {  	_ =	shalt  }
0x56: {  	_ =	shalt  }
0x57: {  	_ =	shalt  }
0x58: {  	_ =	shalt  }
0x59: {  	_ =	shalt  }
0x5a: {  	_ =	shalt  }
0x5b: {  	_ =	shalt  }
0x5c: {  	_ =	shalt  }
0x5d: {  	_ =	shalt  }
0x5e: {  	_ =	shalt  }
0x5f: {  	_ =	shalt  }
0x60: {  	_ =	shalt  }
0x61: {  	_ =	shalt  }
0x62: {  	_ =	shalt  }
0x63: {  	_ =	shalt  }
0x64: {  	_ =	shalt  }
0x65: {  	_ =	shalt  }
0x66: {  	_ =	shalt  }
0x67: {  	_ =	shalt  }
0x68: {  	_ =	shalt  }
0x69: {  	_ =	shalt  }
0x6a: {  	_ =	shalt  }
0x6b: {  	_ =	shalt  }
0x6c: {  	_ =	shalt  }
0x6d: {  	_ =	shalt  }
0x6e: {  	_ =	shalt  }
0x6f: {  	_ =	shalt  }
0x70: {  	_ =	shalt  }
0x71: {  	_ =	shalt  }
0x72: {  	_ =	shalt  }
0x73: {  	_ =	shalt  }
0x74: {  	_ =	shalt  }
0x75: {  	_ =	shalt  }
0x76: {  	_ =	shalt  }
0x77: {  	_ =	shalt  }
0x78: {  	_ =	shalt  }
0x79: {  	_ =	shalt  }
0x7a: {  	_ =	shalt  }
0x7b: {  	_ =	shalt  }
0x7c: {  	_ =	shalt  }
0x7d: {  	_ =	shalt  }
0x7e: {  	_ =	shalt  }
0x7f: {  	_ =	shalt  }
0x80: {  	_ =	shalt  }
0x81: {  	_ =	shalt  }
0x82: {  	_ =	shalt  }
0x83: {  	_ =	shalt  }
0x84: {  	_ =	shalt  }
0x85: {  	_ =	shalt  }
0x86: {  	_ =	shalt  }
0x87: {  	_ =	shalt  }
.Lfunc_end0:
.L_simem_size_0:
called_computation.2_lowered:
.L_overlay_start_0:
0x88: {  	s2 =	sld [smem:$0x3FD9]  }
0x89: {  	s3 =	sld [smem:$0x3FFE];
	_ =	sdelay $0x1  }
0x8a: {  	s1 =	srdreg.scid  }
0x8b: {  	s0 =	sand.u32 $0x1, s1  }
0x8c: {  	s17 =	sshll.u32 s0, $0xA;
	s2 =	sadd.s32 s3, s2  }
0x8d: {  	s2 =	sadd.s32 s2, s17  }
0x8e: {  	[smem:$0x3FBD] =	sst s2  }
0x8f: {  	_ = 	snop  }
0x90: {  	s2 =	sld [smem:$0x3FD0];
	(tm) =	ssettm $0x1  }
0x91: {  	s18 =	sld [smem:$0x3FFB];
	_ =	sdelay $0x3  }
0x92: {  	_ =	strace s18  }
0x93: {  	s3 =	sld [smem:$0x3FFC];
	_ =	sdelay $0x3  }
0x94: {  	_ =	strace s3  }
0x95: {  	s3 =	sld [smem:$0x3FFD];
	_ =	sdelay $0x3  }
0x96: {  	_ =	strace s3  }
0x97: {  	_ =	strace $0x8FFFFFFF  }
0x98: {  	s19 =	sld [smem:$0x3FDB];
	_ =	sdelay $0x1  }
0x99: {  	s4 =	simm.s32 $_scs_section_size  }
0x9a: {  	s5 =	simm.s32 $_size__tile_overlayer_lowered;
	s6 =	simm.s32 $_tile_overlayer_lowered  }
0x9b: {  	s22 =	simm.s32 $0x1BFF;
	s21 =	sshll.u32 s6, $0x1;
	s3 =	sadd.s32 s4, s19  }
0x9c: {  	s7 =	simm.s32 $0x0;
	s20 =	sshll.u32 s5, $0x1;
	s5 =	sadd.s32 s21, s3  }
0x9d: {  	[timem:s7], [sflag:s22] =	dma.local [hbm:s5], s20  }
0x9e: {  	_ =	swait.ge [sflag:s22], s20  }
0x9f: {  	s4 =	ssub.s32 $0x0, s20;
	[sflag:s22] =	ssyncset.done $0x0  }
0xa0: {  	[sflag:s22] =	ssyncadd.s32 s4;
	_ =	sdelay $0x1  }
0xa1: {  	s23 =	simm.s32 $0x1B8B  }
0xa2: {  	_ =	swait.ge [sflag:s23], $0x1  }
0xa3: {  	[sflag:s23] =	ssyncset.done $0x0  }
0xa4: {  	s25 =	simm.s32 $0x1B8E;
	s24 =	sld [smem:$0x3FFE];
	[sflag:s23] =	ssyncadd.s32 $0xFFFFFFFF  }
0xa5: {  	s26 =	simm.s32 $execute0_lowered;
	[smem:$0x3FD2] =	sst s25  }
0xa6: {  	s5 =	sshll.u32 s26, $0x1;
	_ =	strace $0x8000004C;
	[dreg:$0x1] =	wrdreg $0xFFFFFFFF  }
0xa7: {  	s28 =	simm.s32 $_size_execute0_lowered;
	s3 =	sadd.s32 s3, s5;
	[dreg:$0x0] =	wrdreg $0x0  }
0xa8: {  	s5 =	sshll.u32 s28, $0x1;
	[dreg:$0x2] =	wrdreg s3  }
0xa9: {  	[dreg:$0x3] =	wrdreg s5  }
0xaa: {  	[dreg:$0x4] =	wrdreg $0xC0  }
0xab: {  	_ =	task [dreg:s7], $0x5FFFF  }
0xac: {  	[dreg:$0x1] =	wrdreg $0xFFFFFFFF  }
0xad: {  	[dreg:$0x0] =	wrdreg $0x60  }
0xae: {  	[dreg:$0x2] =	wrdreg s24  }
0xaf: {  	[dreg:$0x3] =	wrdreg s2  }
0xb0: {  	[dreg:$0x4] =	wrdreg $0xA9000  }
0xb1: {  	[dreg:$0x5] =	wrdreg $0x9  }
0xb2: {  	_ =	task.clear_ibuf [dreg:s7], $0x6FFFF;
	_ =	strace $0x9000004C  }
0xb3: {  	s29 =	simm.s32 $0x9;
	_ =	strace $0x8000004E  }
0xb4: {  	_ =	swait.ge [sflag:s29], $0x1  }
0xb5: {  	[sflag:s29] =	ssyncadd.s32 $0xFFFFFFFF  }
0xb6: {  	_ =	strace $0x9000004E  }
0xb7: {  	_ =	sfence  }
0xb8: {  	s30 =	sld [smem:$0x0];
	_ =	sdelay $0x2  }
0xb9: {  	s31 =	sshll.u32 s1, $0xD;
	s1 =	sshrl.u32 s1, $0x2  }
0xba: {  	s3 =	sand.u32 $0x4000, s31;
	s1 =	sadd.s32 s1, s30  }
0xbb: {  	s0 =	sor.u32 s3, s0;
	s1 =	sshll.u32 s1, $0x11  }
0xbc: {  	s0 =	sor.u32 s1, s0  }
0xbd: {  	s0 =	sadd.s32 $0x8F2B, s0  }
0xbe: {  	[sflag:s0] =	ssyncadd.remote.s32 $0x1  }
0xbf: {  	_ =	sfence.sel $0xFFFF  }
0xc0: {  	[dreg:$0x0] =	wrdreg $0xFFFFFFFF;
	(pc) =	sbr.abs _section_cstart, $3  }
0xc1: {  	[dreg:$0x1] =	wrdreg $0xFFFFFFFF  }
0xc2: {  	_ =	task.clear_ibuf [dreg:s7], $0x2FFFF;
	_ =	strace $0x9FFFFFFF  }
0xc3: {  	(tm) =	ssettm $0x7FFFFFFF  }
tec
execute0_lowered:
.L_overlay_start_1:
0x0: {  	(tag) =	ssettag $0x1  }
0x1: {  	s5 =	rddreg [dreg:$0x0]  }
0x2: {  	s1 =	srdreg.scid;
	s7 =	rddreg [dreg:$0x1]  }
0x3: {  	s0 =	stileid.u32;
	s2 =	rddreg [dreg:$0x2]  }
0x4: {  	s3 =	simm.s32 $0x0;
	s14 =	simm.s32 $0x80;
	s15 =	simm.s32 $0x2900  }
0x5: {  	s17 =	simm.s32 $0x2880;
	s18 =	simm.s32 $0x6900;
	s20 =	simm.s32 $0x1  }
0x6: {  	s21 =	simm.s32 $0x2;
	s22 =	simm.s32 $0x2700;
	s23 =	simm.s32 $0x2780  }
0x7: {  	s24 =	simm.s32 $0x0;
	s6 =	sand.u32 $0x1, s1;
	s9 =	smul.u32 $0x2800, s0  }
0x8: {  	s28 =	sshll.u32 s0, $0x1;
	[smem:$0x7FF] =	sst s3;
	s12 =	smul.u32 $0x50000, s0  }
0x9: {  	s4 =	sadd.s32 $0xFE00, s5;
	s1 =	sor.u32 s6, s28;
	s10 =	smul.u32 $0x28000, s6  }
0xa: {  	s31 =	sshll.u32 s0, $0x6;
	s6 =	ssub.s32 $0x2, s6;
	s8 =	smul.u32 $0x500, s1  }
0xb: {  	s1 =	rddreg [dreg:$0x3];
	_ =	strace $0x8000004D;
	s29 =	sshrl.u32 s6, $0x1  }
0xc: {  	s30 =	sshrl.u32 s12, $0x2;
	s10 =	sadd.s32 s9, s10;
	s9 =	sadd.s32 s9, s5  }
0xd: {  	s13 =	ssub.s32 s6, s29;
	s12 =	sadd.s32 s30, s2;
	s6 =	sor.u32 $0x1C03, s31  }
0xe: {  	s11 =	sadd.s32 s8, s5;
	s10 =	sadd.s32 s10, s5;
	s5 =	sadd.s32 $0xAFE00, s9  }
0xf: {  	s7 =	sadd.s32 s7, s8;
	s8 =	sadd.s32 $0x5E00, s11;
	s9 =	sadd.s32 $0xD7E00, s10  }
0x10: {  	s10 =	smax.u32 s13, $0x1;
	s11 =	sshrl.u32 s12, $0x3;
	s12 =	simm.s32 $0x3  }
0x11: {  	s13 =	simm.s32 $0x2800;
	s16 =	sadd.s32 $0x10, s8;
	s19 =	sadd.s32 $0x20, s8  }
.LBB2_1:
0x12: {  	[spmem:s11], [sflag:s6] =	dma.local [hbm:s5], $0x2800  }
0x13: {  	_ =	swait.ge [sflag:s12], $0x2800  }
0x14: {  	[sflag:s12] =	ssyncset.done $0x0  }
0x15: {  	[sflag:s12] =	ssyncadd.s32 $0xFFFFD800  }
0x16: {  	[tilespmem:s3], [sflag:$0x3] =	stream.linear.gather [hbm4b:s7+s3], $0x2800, $0x38;
	[tilespmem:$0x1E900] =	vst v63  }
0x17: {  	_ =	swait.ge [sflag:s12], $0x2800  }
0x18: {  	[sflag:s12] =	ssyncset.done $0x0  }
0x19: {  	[sflag:s12] =	ssyncadd.s32 $0xFFFFD800  }
0x1a: {  	[tilespmem:s13], [sflag:$0x3] =	stream.linear.gather [hbm4b:s8+s3], $0x80, $0x38;
	[tilespmem:$0x1E900] =	vst v63  }
0x1b: {  	_ =	swait.ge [sflag:s12], $0x80  }
0x1c: {  	[sflag:s12] =	ssyncset.done $0x0  }
0x1d: {  	[sflag:s12] =	ssyncadd.s32 $0xFFFFFF80  }
0x1e: {  	[bflag:$0x0] =	sbarrier.arrive $0xFFFF  }
0x1f: {  	[tilespmem:s15], [sflag:$0x1] =	stream.indirect.gather [hbm4b:s4+s14], $0x80, s13, s14, $0xb8;
	[tilespmem:$0x1E900] =	vst v63  }
0x20: {  	_ = 	snop  }
0x21: {  	[tilespmem:s17], [sflag:$0x3] =	stream.linear.gather [hbm4b:s16+s3], $0x80, $0x38;
	[tilespmem:$0x1E900] =	vst v63  }
0x22: {  	_ =	swait.ge [sflag:s12], $0x80  }
0x23: {  	[sflag:s12] =	ssyncset.done $0x0  }
0x24: {  	[sflag:s12] =	ssyncadd.s32 $0xFFFFFF80  }
0x25: {  	[tilespmem:s18], [sflag:$0x2] =	stream.indirect.gather [hbm4b:s4+s14], $0x80, s17, s14, $0xb8;
	[tilespmem:$0x1E900] =	vst v63  }
0x26: {  	_ =	swait.ge [sflag:s20], $0x4000  }
0x27: {  	[sflag:s20] =	ssyncset.done $0x0  }
0x28: {  	s25 =	simm.s32 $0x0;
	[sflag:s20] =	ssyncadd.s32 $0xFFFFC000  }
0x29: {  	[spmem:s2] =	stream.indirect.scatter.add.f32 [tilespmem:s15], [sflag:$0x3], $0x80, s25, s14, $0xb8;
	[tilespmem:$0x1E900] =	vst v63  }
0x2a: {  	_ =	swait.ge [sflag:s12], $0x4000  }
0x2b: {  	[sflag:s12] =	ssyncset.done $0x0  }
0x2c: {  	[sflag:s12] =	ssyncadd.s32 $0xFFFFC000  }
0x2d: {  	[tilespmem:s13], [sflag:$0x3] =	stream.linear.gather [hbm4b:s19+s3], $0x80, $0x38;
	[tilespmem:$0x1E900] =	vst v63  }
0x2e: {  	_ =	swait.ge [sflag:s12], $0x80  }
0x2f: {  	[sflag:s12] =	ssyncset.done $0x0  }
0x30: {  	[sflag:s12] =	ssyncadd.s32 $0xFFFFFF80  }
0x31: {  	[tilespmem:s15], [sflag:$0x1] =	stream.indirect.gather [hbm4b:s4+s14], $0x80, s13, s14, $0xb8;
	[tilespmem:$0x1E900] =	vst v63  }
0x32: {  	_ =	swait.ge [sflag:s21], $0x4000  }
0x33: {  	[sflag:s21] =	ssyncset.done $0x0  }
0x34: {  	s30 =	simm.s32 $0x80;
	[sflag:s21] =	ssyncadd.s32 $0xFFFFC000  }
0x35: {  	[spmem:s2] =	stream.indirect.scatter.add.f32 [tilespmem:s18], [sflag:$0x3], $0x80, s30, s14, $0xb8;
	[tilespmem:$0x1E900] =	vst v63  }
0x36: {  	_ =	swait.ge [sflag:s12], $0x4000  }
0x37: {  	[sflag:s12] =	ssyncset.done $0x0  }
0x38: {  	s31 =	sadd.s32 $0x10, s19;
	[sflag:s12] =	ssyncadd.s32 $0xFFFFC000  }
0x39: {  	[tilespmem:s17], [sflag:$0x3] =	stream.linear.gather [hbm4b:s31+s3], $0x80, $0x38;
	[tilespmem:$0x1E900] =	vst v63  }
0x3a: {  	_ =	swait.ge [sflag:s12], $0x80  }
0x3b: {  	[sflag:s12] =	ssyncset.done $0x0  }
0x3c: {  	s26 =	sadd.s32 $0x20, s19;
	s25 =	simm.s32 $0x400;
	[sflag:s12] =	ssyncadd.s32 $0xFFFFFF80  }
.LBB2_2:
0x3d: {  	[tilespmem:s18], [sflag:$0x2] =	stream.indirect.gather [hbm4b:s4+s14], $0x80, s17, s14, $0xb8;
	[tilespmem:$0x1E900] =	vst v63  }
0x3e: {  	s28 =	smov.u32 s25  }
0x3f: {  	p0 =	sne.s32 s25, $0x9800;
	s25 =	sadd.s32 $0x400, s25;
	_ =	swait.ge [sflag:s20], $0x4000  }
0x40: {  	[sflag:s20] =	ssyncset.done $0x0  }
0x41: {  	s28 =	sshra.s32 s28, $0x2;
	[sflag:s20] =	ssyncadd.s32 $0xFFFFC000  }
0x42: {  	[spmem:s2] =	stream.indirect.scatter.add.f32 [tilespmem:s15], [sflag:$0x3], $0x80, s28, s14, $0xb8;
	[tilespmem:$0x1E900] =	vst v63  }
0x43: {  	_ =	swait.ge [sflag:s12], $0x4000  }
0x44: {  	[sflag:s12] =	ssyncset.done $0x0  }
0x45: {  	[sflag:s12] =	ssyncadd.s32 $0xFFFFC000  }
0x46: {  	[tilespmem:s13], [sflag:$0x3] =	stream.linear.gather [hbm4b:s26+s3], $0x80, $0x38;
	[tilespmem:$0x1E900] =	vst v63  }
0x47: {  	_ =	swait.ge [sflag:s12], $0x80  }
0x48: {  	[sflag:s12] =	ssyncset.done $0x0  }
0x49: {  	[sflag:s12] =	ssyncadd.s32 $0xFFFFFF80  }
0x4a: {  	[tilespmem:s15], [sflag:$0x1] =	stream.indirect.gather [hbm4b:s4+s14], $0x80, s13, s14, $0xb8;
	[tilespmem:$0x1E900] =	vst v63  }
0x4b: {  	_ =	swait.ge [sflag:s21], $0x4000  }
0x4c: {  	[sflag:s21] =	ssyncset.done $0x0  }
0x4d: {  	s28 =	sadd.s32 $0x80, s28;
	[sflag:s21] =	ssyncadd.s32 $0xFFFFC000  }
0x4e: {  	[spmem:s2] =	stream.indirect.scatter.add.f32 [tilespmem:s18], [sflag:$0x3], $0x80, s28, s14, $0xb8;
	[tilespmem:$0x1E900] =	vst v63  }
0x4f: {  	_ =	swait.ge [sflag:s12], $0x4000  }
0x50: {  	[sflag:s12] =	ssyncset.done $0x0  }
.Ltmp0:
0x51: {  	s28 =	sadd.s32 $0x10, s26;
	[sflag:s12] =	ssyncadd.s32 $0xFFFFC000;
	(pc) =	sbr.rel @p0 .LBB2_2-.Ltmp0, $4  }
0x52: {  	[tilespmem:s17], [sflag:$0x3] =	stream.linear.gather [hbm4b:s28+s3], $0x80, $0x38;
	[tilespmem:$0x1E900] =	vst v63  }
0x53: {  	_ =	swait.ge [sflag:s12], $0x80  }
0x54: {  	[sflag:s12] =	ssyncset.done $0x0  }
0x55: {  	s26 =	sadd.s32 $0x20, s26;
	[sflag:s12] =	ssyncadd.s32 $0xFFFFFF80  }
0x56: {  	[tilespmem:s18], [sflag:$0x2] =	stream.indirect.gather [hbm4b:s4+s14], $0x80, s17, s14, $0xb8;
	[tilespmem:$0x1E900] =	vst v63  }
0x57: {  	_ =	swait.ge [sflag:s20], $0x4000  }
0x58: {  	[sflag:s20] =	ssyncset.done $0x0  }
0x59: {  	[sflag:s20] =	ssyncadd.s32 $0xFFFFC000  }
0x5a: {  	[spmem:s2] =	stream.indirect.scatter.add.f32 [tilespmem:s15], [sflag:$0x3], $0x80, s22, s14, $0xb8;
	[tilespmem:$0x1E900] =	vst v63  }
0x5b: {  	_ =	swait.ge [sflag:s12], $0x4000  }
0x5c: {  	[sflag:s12] =	ssyncset.done $0x0  }
0x5d: {  	[sflag:s12] =	ssyncadd.s32 $0xFFFFC000  }
0x5e: {  	_ =	swait.ge [sflag:s21], $0x4000  }
0x5f: {  	[sflag:s21] =	ssyncset.done $0x0  }
0x60: {  	[sflag:s21] =	ssyncadd.s32 $0xFFFFC000  }
0x61: {  	[spmem:s2] =	stream.indirect.scatter.add.f32 [tilespmem:s18], [sflag:$0x3], $0x80, s23, s14, $0xb8;
	[tilespmem:$0x1E900] =	vst v63  }
0x62: {  	_ =	swait.ge [sflag:s12], $0x4000  }
0x63: {  	s24 =	sadd.s32 $0x1, s24;
	[sflag:s12] =	ssyncset.done $0x0  }
0x64: {  	p0 =	sne.s32 s24, s10;
	[sflag:s12] =	ssyncadd.s32 $0xFFFFC000  }
.Ltmp1:
0x65: {  	[bflag:$0x0] =	sbarrier.arrive $0xFFFF;
	(pc) =	sbr.rel @p0 .LBB2_1-.Ltmp1, $4  }
0x66: {  	[hbm:s9], [sflag:s6] =	dma.local [spmem:s11], $0x2800  }
0x67: {  	_ =	swait.ge [sflag:s12], $0x2800  }
0x68: {  	[sflag:s12] =	ssyncset.done $0x0  }
0x69: {  	[sflag:s12] =	ssyncadd.s32 $0xFFFFD800  }
0x6a: {  	_ =	sfence.sel $0x180000  }
0x6b: {  	[bflag:$0x0] =	sbarrier.arrive $0xFFFF  }
0x6c: {  	p0 =	sne.s32 s0, $0x0;
	_ =	strace $0x9000004D  }
0x6d: {  	s0 =	sadd.s32 @!p0 $0x100000, s1;
	[bflag:$0x2] =	sbarrier.arrive $0xFFFF  }
0x6e: {  	[sflag:s0] =	ssyncadd.tile.s32 @!p0 $0x1;
	_ =	shalt  }
.Lfunc_end2:
_tile_overlayer_lowered:
.L_overlay_start_2:
0x6f: {  	(tag) =	ssettag $0x2  }
0x70: {  	s0 =	rddreg [dreg:$0x0];
	s2 =	stileid.u32  }
0x71: {  	s1 =	rddreg [dreg:$0x1];
	p0 =	sne.s32 s2, $0x0  }
0x72: {  	s3 =	rddreg [dreg:$0x2];
	[bflag:$0x3] =	sbarrier.arrive $0xFFFF;
	s2 =	simm.s32 @!p0 $0x1C03  }
0x73: {  	[timem:s3], [sflag:s2] =	dma.local @!p0 [hbm:s0], s1  }
0x74: {  	s0 =	simm.s32 @!p0 $0x3  }
0x75: {  	_ =	swait.ge @!p0 [sflag:s0], s1  }
0x76: {  	s1 =	ssub.s32 @!p0 $0x0, s1;
	[sflag:s0] =	ssyncset.done @!p0 $0x0  }
0x77: {  	[sflag:s0] =	ssyncadd.s32 @!p0 s1  }
0x78: {  	[bflag:$0x3] =	sbarrier.arrive $0xFFFF  }
0x79: {  	_ =	shalt  }

// kernel: kernel.21.cloned.1.call-start
scs
__scs_entry_jumppad:
0x0: {  	(pc) =	sbr.rel $0x88, $3  }
0x1: {  	(tag) =	ssettag $0x0;
	lr =	simm.s32 $0x1  }
0x2: {  	[smem:$0x3F96] =	sst lr;
	_ =	strace $0xD0000000  }
0x3: {  	_ = 	snop  }
0x4: {  	_ = 	snop  }
0x5: {  	_ = 	snop  }
0x6: {  	_ = 	snop  }
0x7: {  	_ = 	snop  }
__scs_overlays_trampoline_lowered:
0x8: {  	[smem:$0x3FA5] =	sst s0  }
0x9: {  	[smem:$0x3FA6] =	sst s1  }
0xa: {  	[smem:$0x3FA7] =	sst s2  }
0xb: {  	[smem:$0x3FA8] =	sst s3  }
0xc: {  	[smem:$0x3FA9] =	sst s4  }
0xd: {  	[smem:$0x3FAA] =	sst s5  }
0xe: {  	[smem:$0x3FAB] =	sst s6  }
0xf: {  	[smem:$0x3FAC] =	sst s7  }
0x10: {  	[smem:$0x3FAD] =	sst s8  }
0x11: {  	[smem:$0x3FAE] =	sst s9;
	s0 =	simm.s32 @!p0 $0x0  }
0x12: {  	s1 =	sld [smem:$0x3F94];
	s0 =	simm.s32 @p0 $0x1  }
0x13: {  	[smem:$0x3FAF] =	sst s0;
	s0 =	simm.s32 @!p1 $0x0  }
0x14: {  	s2 =	sld [smem:$0x3F93];
	s0 =	simm.s32 @p1 $0x1  }
0x15: {  	[smem:$0x3FB0] =	sst s0;
	s0 =	simm.s32 @!p2 $0x0  }
0x16: {  	s3 =	sld [smem:$0x3FDB];
	s0 =	simm.s32 @p2 $0x1  }
0x17: {  	s4 =	simm.s32 $0x1BF5;
	[smem:$0x3FB2] =	sst s0  }
0x18: {  	s0 =	sld [smem:$0x3F95];
	_ =	swait.ge [sflag:s4], $0x0  }
0x19: {  	s7 =	sld [smem:$0x3F96]  }
0x1a: {  	s8 =	sadd.s32 $0xFFFFE003, lr  }
0x1b: {  	s9 =	sadd.s32 $0xFFFFFEF7, lr;
	s5 =	simm.s32 $0xFFFFFFFF;
	p2 =	slt.u32 s8, $0xFFFFF086  }
0x1c: {  	p1 =	slt.u32 s9, $0xF7A;
	s5 =	simm.s32 @!p2 $0x0  }
0x1d: {  	s5 =	simm.s32 @p1 $0x1;
	p0 =	seq.s32 s7, s2  }
0x1e: {  	s7 =	smul.u32 @!p0 $0xF7A, s2;
	p2 =	seq.s32 @!p0 s5, $0x0  }
0x1f: {  	s9 =	smul.u32 $0xF7A, s1;
	s8 =	simm.s32 @!p0 $0x1BF5;
	p2 =	por !p2, p0  }
0x20: {  	[sflag:s8] =	ssyncset.s32 @!p0 $0xFFFFF086;
	s6 =	sadd.s32 @!p0 s3, s7;
	s7 =	simm.s32 @!p0 $0x108  }
0x21: {  	s3 =	sadd.s32 s3, s9;
	s6 =	sadd.s32 @!p0 $0x88, s6;
	s7 =	simm.s32 @p2 $0x1082  }
0x22: {  	[simem:s7], [sflag:s8] =	dma.local @!p0 [hbm:s6], $0xF7A  }
0x23: {  	s9 =	sor.u32 $0xD0000000, s2;
	s6 =	simm.s32 $0x108;
	_ =	swait.ge @!p0 [sflag:s8], $0x0  }
0x24: {  	s3 =	sadd.s32 $0x88, s3;
	s6 =	simm.s32 @!p1 $0x1082;
	[sflag:s4] =	ssyncset.s32 $0xFFFFF086  }
0x25: {  	[simem:s6], [sflag:s4] =	dma.local [hbm:s3], $0xF7A  }
0x26: {  	[smem:$0x3F96] =	sst s1;
	(tag) =	ssettag s2;
	_ =	strace s9  }
0x27: {  	s1 =	sld [smem:$0x3FA6]  }
0x28: {  	s2 =	sld [smem:$0x3FA7]  }
0x29: {  	s4 =	sld [smem:$0x3FA9]  }
0x2a: {  	p0 =	seq.s32 s5, $0x0;
	s5 =	sld [smem:$0x3FAA]  }
0x2b: {  	s6 =	sld [smem:$0x3FAB]  }
0x2c: {  	s7 =	sld [smem:$0x3FAC]  }
0x2d: {  	s3 =	simm.s32 $0x108;
	s8 =	sld [smem:$0x3FAD]  }
0x2e: {  	s3 =	simm.s32 @!p0 $0x1082;
	s9 =	sld [smem:$0x3FAE]  }
0x2f: {  	lr =	sadd.s32 s0, s3;
	s0 =	sld [smem:$0x3FA5]  }
0x30: {  	s3 =	sld [smem:$0x3FA8]  }
0x31: {  	[smem:$0x3FB1] =	sst s10  }
0x32: {  	s10 =	sld [smem:$0x3FAF];
	_ =	sdelay $0x3  }
0x33: {  	p0 =	seq.s32 s10, $0x1;
	s10 =	sld [smem:$0x3FB1];
	_ =	sdelay $0x3  }
0x34: {  	[smem:$0x3FB1] =	sst s10  }
0x35: {  	s10 =	sld [smem:$0x3FB0];
	_ =	sdelay $0x3  }
0x36: {  	p1 =	seq.s32 s10, $0x1;
	s10 =	sld [smem:$0x3FB1];
	_ =	sdelay $0x3  }
0x37: {  	[smem:$0x3FB1] =	sst s10  }
0x38: {  	s10 =	sld [smem:$0x3FB2]  }
0x39: {  	_ = 	snop;
	(pc) =	sbr.ind lr, $3  }
0x3a: {  	_ = 	snop  }
0x3b: {  	_ = 	snop  }
0x3c: {  	p2 =	seq.s32 s10, $0x1;
	s10 =	sld [smem:$0x3FB1]  }
0x3d: {  	_ =	shalt  }
0x3e: {  	_ =	shalt  }
0x3f: {  	_ =	shalt  }
0x40: {  	_ =	shalt  }
0x41: {  	_ =	shalt  }
0x42: {  	_ =	shalt  }
0x43: {  	_ =	shalt  }
0x44: {  	_ =	shalt  }
0x45: {  	_ =	shalt  }
0x46: {  	_ =	shalt  }
0x47: {  	_ =	shalt  }
0x48: {  	_ =	shalt  }
0x49: {  	_ =	shalt  }
0x4a: {  	_ =	shalt  }
0x4b: {  	_ =	shalt  }
0x4c: {  	_ =	shalt  }
0x4d: {  	_ =	shalt  }
0x4e: {  	_ =	shalt  }
0x4f: {  	_ =	shalt  }
0x50: {  	_ =	shalt  }
0x51: {  	_ =	shalt  }
0x52: {  	_ =	shalt  }
0x53: {  	_ =	shalt  }
0x54: {  	_ =	shalt  }
0x55: {  	_ =	shalt  }
0x56: {  	_ =	shalt  }
0x57: {  	_ =	shalt  }
0x58: {  	_ =	shalt  }
0x59: {  	_ =	shalt  }
0x5a: {  	_ =	shalt  }
0x5b: {  	_ =	shalt  }
0x5c: {  	_ =	shalt  }
0x5d: {  	_ =	shalt  }
0x5e: {  	_ =	shalt  }
0x5f: {  	_ =	shalt  }
0x60: {  	_ =	shalt  }
0x61: {  	_ =	shalt  }
0x62: {  	_ =	shalt  }
0x63: {  	_ =	shalt  }
0x64: {  	_ =	shalt  }
0x65: {  	_ =	shalt  }
0x66: {  	_ =	shalt  }
0x67: {  	_ =	shalt  }
0x68: {  	_ =	shalt  }
0x69: {  	_ =	shalt  }
0x6a: {  	_ =	shalt  }
0x6b: {  	_ =	shalt  }
0x6c: {  	_ =	shalt  }
0x6d: {  	_ =	shalt  }
0x6e: {  	_ =	shalt  }
0x6f: {  	_ =	shalt  }
0x70: {  	_ =	shalt  }
0x71: {  	_ =	shalt  }
0x72: {  	_ =	shalt  }
0x73: {  	_ =	shalt  }
0x74: {  	_ =	shalt  }
0x75: {  	_ =	shalt  }
0x76: {  	_ =	shalt  }
0x77: {  	_ =	shalt  }
0x78: {  	_ =	shalt  }
0x79: {  	_ =	shalt  }
0x7a: {  	_ =	shalt  }
0x7b: {  	_ =	shalt  }
0x7c: {  	_ =	shalt  }
0x7d: {  	_ =	shalt  }
0x7e: {  	_ =	shalt  }
0x7f: {  	_ =	shalt  }
0x80: {  	_ =	shalt  }
0x81: {  	_ =	shalt  }
0x82: {  	_ =	shalt  }
0x83: {  	_ =	shalt  }
0x84: {  	_ =	shalt  }
0x85: {  	_ =	shalt  }
0x86: {  	_ =	shalt  }
0x87: {  	_ =	shalt  }
.Lfunc_end0:
.L_simem_size_0:
called_computation.3_lowered:
.L_overlay_start_0:
0x88: {  	s2 =	sld [smem:$0x3FD9]  }
0x89: {  	s3 =	sld [smem:$0x3FFE];
	_ =	sdelay $0x1  }
0x8a: {  	s1 =	srdreg.scid  }
0x8b: {  	s0 =	sand.u32 $0x1, s1  }
0x8c: {  	s17 =	sshll.u32 s0, $0xA;
	s2 =	sadd.s32 s3, s2  }
0x8d: {  	s2 =	sadd.s32 s2, s17  }
0x8e: {  	[smem:$0x3FBD] =	sst s2  }
0x8f: {  	_ = 	snop  }
0x90: {  	s2 =	sld [smem:$0x3FD0];
	(tm) =	ssettm $0x1  }
0x91: {  	s18 =	sld [smem:$0x3FFB];
	_ =	sdelay $0x3  }
0x92: {  	_ =	strace s18  }
0x93: {  	s3 =	sld [smem:$0x3FFC];
	_ =	sdelay $0x3  }
0x94: {  	_ =	strace s3  }
0x95: {  	s3 =	sld [smem:$0x3FFD];
	_ =	sdelay $0x3  }
0x96: {  	_ =	strace s3  }
0x97: {  	_ =	strace $0x8FFFFFFF  }
0x98: {  	s19 =	sld [smem:$0x3FDB];
	_ =	sdelay $0x1  }
0x99: {  	s4 =	simm.s32 $_scs_section_size  }
0x9a: {  	s5 =	simm.s32 $_size__tile_overlayer_lowered;
	s6 =	simm.s32 $_tile_overlayer_lowered  }
0x9b: {  	s22 =	simm.s32 $0x1BFF;
	s21 =	sshll.u32 s6, $0x1;
	s3 =	sadd.s32 s4, s19  }
0x9c: {  	s7 =	simm.s32 $0x0;
	s20 =	sshll.u32 s5, $0x1;
	s5 =	sadd.s32 s21, s3  }
0x9d: {  	[timem:s7], [sflag:s22] =	dma.local [hbm:s5], s20  }
0x9e: {  	_ =	swait.ge [sflag:s22], s20  }
0x9f: {  	s4 =	ssub.s32 $0x0, s20;
	[sflag:s22] =	ssyncset.done $0x0  }
0xa0: {  	[sflag:s22] =	ssyncadd.s32 s4;
	_ =	sdelay $0x1  }
0xa1: {  	s23 =	simm.s32 $0x1B8B  }
0xa2: {  	_ =	swait.ge [sflag:s23], $0x1  }
0xa3: {  	[sflag:s23] =	ssyncset.done $0x0  }
0xa4: {  	s25 =	simm.s32 $0x1B8E;
	s24 =	sld [smem:$0x3FFE];
	[sflag:s23] =	ssyncadd.s32 $0xFFFFFFFF  }
0xa5: {  	s26 =	simm.s32 $execute0_lowered;
	[smem:$0x3FD2] =	sst s25  }
0xa6: {  	s5 =	sshll.u32 s26, $0x1;
	_ =	strace $0x8000004F;
	[dreg:$0x1] =	wrdreg $0xFFFFFFFF  }
0xa7: {  	s28 =	simm.s32 $_size_execute0_lowered;
	s3 =	sadd.s32 s3, s5;
	[dreg:$0x0] =	wrdreg $0x0  }
0xa8: {  	s5 =	sshll.u32 s28, $0x1;
	[dreg:$0x2] =	wrdreg s3  }
0xa9: {  	[dreg:$0x3] =	wrdreg s5  }
0xaa: {  	[dreg:$0x4] =	wrdreg $0xC0  }
0xab: {  	_ =	task [dreg:s7], $0x5FFFF  }
0xac: {  	[dreg:$0x1] =	wrdreg $0xFFFFFFFF  }
0xad: {  	[dreg:$0x0] =	wrdreg $0x60  }
0xae: {  	[dreg:$0x2] =	wrdreg s24  }
0xaf: {  	[dreg:$0x3] =	wrdreg s2  }
0xb0: {  	[dreg:$0x4] =	wrdreg $0xA9000  }
0xb1: {  	[dreg:$0x5] =	wrdreg $0x9  }
0xb2: {  	_ =	task.clear_ibuf [dreg:s7], $0x6FFFF;
	_ =	strace $0x9000004F  }
0xb3: {  	s29 =	simm.s32 $0x9;
	_ =	strace $0x80000051  }
0xb4: {  	_ =	swait.ge [sflag:s29], $0x1  }
0xb5: {  	[sflag:s29] =	ssyncadd.s32 $0xFFFFFFFF  }
0xb6: {  	_ =	strace $0x90000051  }
0xb7: {  	_ =	sfence  }
0xb8: {  	s30 =	sld [smem:$0x0];
	_ =	sdelay $0x2  }
0xb9: {  	s31 =	sshll.u32 s1, $0xD;
	s1 =	sshrl.u32 s1, $0x2  }
0xba: {  	s3 =	sand.u32 $0x4000, s31;
	s1 =	sadd.s32 s1, s30  }
0xbb: {  	s0 =	sor.u32 s3, s0;
	s1 =	sshll.u32 s1, $0x11  }
0xbc: {  	s0 =	sor.u32 s1, s0  }
0xbd: {  	s0 =	sadd.s32 $0x8F2B, s0  }
0xbe: {  	[sflag:s0] =	ssyncadd.remote.s32 $0x1  }
0xbf: {  	_ =	sfence.sel $0xFFFF  }
0xc0: {  	[dreg:$0x0] =	wrdreg $0xFFFFFFFF;
	(pc) =	sbr.abs _section_cstart, $3  }
0xc1: {  	[dreg:$0x1] =	wrdreg $0xFFFFFFFF  }
0xc2: {  	_ =	task.clear_ibuf [dreg:s7], $0x2FFFF;
	_ =	strace $0x9FFFFFFF  }
0xc3: {  	(tm) =	ssettm $0x7FFFFFFF  }
tec
execute0_lowered:
.L_overlay_start_1:
0x0: {  	(tag) =	ssettag $0x1  }
0x1: {  	s5 =	rddreg [dreg:$0x0]  }
0x2: {  	s1 =	srdreg.scid;
	s7 =	rddreg [dreg:$0x1]  }
0x3: {  	s0 =	stileid.u32;
	s2 =	rddreg [dreg:$0x2]  }
0x4: {  	s3 =	simm.s32 $0x0;
	s14 =	simm.s32 $0x80;
	s15 =	simm.s32 $0x2900  }
0x5: {  	s17 =	simm.s32 $0x2880;
	s18 =	simm.s32 $0x6900;
	s20 =	simm.s32 $0x1  }
0x6: {  	s21 =	simm.s32 $0x2;
	s22 =	simm.s32 $0x2700;
	s23 =	simm.s32 $0x2780  }
0x7: {  	s24 =	simm.s32 $0x0;
	s6 =	sand.u32 $0x1, s1;
	s9 =	smul.u32 $0x2800, s0  }
0x8: {  	s28 =	sshll.u32 s0, $0x1;
	[smem:$0x7FF] =	sst s3;
	s12 =	smul.u32 $0x50000, s0  }
0x9: {  	s4 =	sadd.s32 $0xFE00, s5;
	s1 =	sor.u32 s6, s28;
	s10 =	smul.u32 $0x28000, s6  }
0xa: {  	s31 =	sshll.u32 s0, $0x6;
	s6 =	ssub.s32 $0x2, s6;
	s8 =	smul.u32 $0x500, s1  }
0xb: {  	s1 =	rddreg [dreg:$0x3];
	_ =	strace $0x80000050;
	s29 =	sshrl.u32 s6, $0x1  }
0xc: {  	s30 =	sshrl.u32 s12, $0x2;
	s10 =	sadd.s32 s9, s10;
	s9 =	sadd.s32 s9, s5  }
0xd: {  	s13 =	ssub.s32 s6, s29;
	s12 =	sadd.s32 s30, s2;
	s6 =	sor.u32 $0x1C03, s31  }
0xe: {  	s11 =	sadd.s32 s8, s5;
	s10 =	sadd.s32 s10, s5;
	s5 =	sadd.s32 $0xAFE00, s9  }
0xf: {  	s7 =	sadd.s32 s7, s8;
	s8 =	sadd.s32 $0x5E00, s11;
	s9 =	sadd.s32 $0xD7E00, s10  }
0x10: {  	s10 =	smax.u32 s13, $0x1;
	s11 =	sshrl.u32 s12, $0x3;
	s12 =	simm.s32 $0x3  }
0x11: {  	s13 =	simm.s32 $0x2800;
	s16 =	sadd.s32 $0x10, s8;
	s19 =	sadd.s32 $0x20, s8  }
.LBB2_1:
0x12: {  	[spmem:s11], [sflag:s6] =	dma.local [hbm:s5], $0x2800  }
0x13: {  	_ =	swait.ge [sflag:s12], $0x2800  }
0x14: {  	[sflag:s12] =	ssyncset.done $0x0  }
0x15: {  	[sflag:s12] =	ssyncadd.s32 $0xFFFFD800  }
0x16: {  	[tilespmem:s3], [sflag:$0x3] =	stream.linear.gather [hbm4b:s7+s3], $0x2800, $0x38;
	[tilespmem:$0x1E900] =	vst v63  }
0x17: {  	_ =	swait.ge [sflag:s12], $0x2800  }
0x18: {  	[sflag:s12] =	ssyncset.done $0x0  }
0x19: {  	[sflag:s12] =	ssyncadd.s32 $0xFFFFD800  }
0x1a: {  	[tilespmem:s13], [sflag:$0x3] =	stream.linear.gather [hbm4b:s8+s3], $0x80, $0x38;
	[tilespmem:$0x1E900] =	vst v63  }
0x1b: {  	_ =	swait.ge [sflag:s12], $0x80  }
0x1c: {  	[sflag:s12] =	ssyncset.done $0x0  }
0x1d: {  	[sflag:s12] =	ssyncadd.s32 $0xFFFFFF80  }
0x1e: {  	[bflag:$0x0] =	sbarrier.arrive $0xFFFF  }
0x1f: {  	[tilespmem:s15], [sflag:$0x1] =	stream.indirect.gather [hbm4b:s4+s14], $0x80, s13, s14, $0xb8;
	[tilespmem:$0x1E900] =	vst v63  }
0x20: {  	_ = 	snop  }
0x21: {  	[tilespmem:s17], [sflag:$0x3] =	stream.linear.gather [hbm4b:s16+s3], $0x80, $0x38;
	[tilespmem:$0x1E900] =	vst v63  }
0x22: {  	_ =	swait.ge [sflag:s12], $0x80  }
0x23: {  	[sflag:s12] =	ssyncset.done $0x0  }
0x24: {  	[sflag:s12] =	ssyncadd.s32 $0xFFFFFF80  }
0x25: {  	[tilespmem:s18], [sflag:$0x2] =	stream.indirect.gather [hbm4b:s4+s14], $0x80, s17, s14, $0xb8;
	[tilespmem:$0x1E900] =	vst v63  }
0x26: {  	_ =	swait.ge [sflag:s20], $0x4000  }
0x27: {  	[sflag:s20] =	ssyncset.done $0x0  }
0x28: {  	s25 =	simm.s32 $0x0;
	[sflag:s20] =	ssyncadd.s32 $0xFFFFC000  }
0x29: {  	[spmem:s2] =	stream.indirect.scatter.add.f32 [tilespmem:s15], [sflag:$0x3], $0x80, s25, s14, $0xb8;
	[tilespmem:$0x1E900] =	vst v63  }
0x2a: {  	_ =	swait.ge [sflag:s12], $0x4000  }
0x2b: {  	[sflag:s12] =	ssyncset.done $0x0  }
0x2c: {  	[sflag:s12] =	ssyncadd.s32 $0xFFFFC000  }
0x2d: {  	[tilespmem:s13], [sflag:$0x3] =	stream.linear.gather [hbm4b:s19+s3], $0x80, $0x38;
	[tilespmem:$0x1E900] =	vst v63  }
0x2e: {  	_ =	swait.ge [sflag:s12], $0x80  }
0x2f: {  	[sflag:s12] =	ssyncset.done $0x0  }
0x30: {  	[sflag:s12] =	ssyncadd.s32 $0xFFFFFF80  }
0x31: {  	[tilespmem:s15], [sflag:$0x1] =	stream.indirect.gather [hbm4b:s4+s14], $0x80, s13, s14, $0xb8;
	[tilespmem:$0x1E900] =	vst v63  }
0x32: {  	_ =	swait.ge [sflag:s21], $0x4000  }
0x33: {  	[sflag:s21] =	ssyncset.done $0x0  }
0x34: {  	s30 =	simm.s32 $0x80;
	[sflag:s21] =	ssyncadd.s32 $0xFFFFC000  }
0x35: {  	[spmem:s2] =	stream.indirect.scatter.add.f32 [tilespmem:s18], [sflag:$0x3], $0x80, s30, s14, $0xb8;
	[tilespmem:$0x1E900] =	vst v63  }
0x36: {  	_ =	swait.ge [sflag:s12], $0x4000  }
0x37: {  	[sflag:s12] =	ssyncset.done $0x0  }
0x38: {  	s31 =	sadd.s32 $0x10, s19;
	[sflag:s12] =	ssyncadd.s32 $0xFFFFC000  }
0x39: {  	[tilespmem:s17], [sflag:$0x3] =	stream.linear.gather [hbm4b:s31+s3], $0x80, $0x38;
	[tilespmem:$0x1E900] =	vst v63  }
0x3a: {  	_ =	swait.ge [sflag:s12], $0x80  }
0x3b: {  	[sflag:s12] =	ssyncset.done $0x0  }
0x3c: {  	s26 =	sadd.s32 $0x20, s19;
	s25 =	simm.s32 $0x400;
	[sflag:s12] =	ssyncadd.s32 $0xFFFFFF80  }
.LBB2_2:
0x3d: {  	[tilespmem:s18], [sflag:$0x2] =	stream.indirect.gather [hbm4b:s4+s14], $0x80, s17, s14, $0xb8;
	[tilespmem:$0x1E900] =	vst v63  }
0x3e: {  	s28 =	smov.u32 s25  }
0x3f: {  	p0 =	sne.s32 s25, $0x9800;
	s25 =	sadd.s32 $0x400, s25;
	_ =	swait.ge [sflag:s20], $0x4000  }
0x40: {  	[sflag:s20] =	ssyncset.done $0x0  }
0x41: {  	s28 =	sshra.s32 s28, $0x2;
	[sflag:s20] =	ssyncadd.s32 $0xFFFFC000  }
0x42: {  	[spmem:s2] =	stream.indirect.scatter.add.f32 [tilespmem:s15], [sflag:$0x3], $0x80, s28, s14, $0xb8;
	[tilespmem:$0x1E900] =	vst v63  }
0x43: {  	_ =	swait.ge [sflag:s12], $0x4000  }
0x44: {  	[sflag:s12] =	ssyncset.done $0x0  }
0x45: {  	[sflag:s12] =	ssyncadd.s32 $0xFFFFC000  }
0x46: {  	[tilespmem:s13], [sflag:$0x3] =	stream.linear.gather [hbm4b:s26+s3], $0x80, $0x38;
	[tilespmem:$0x1E900] =	vst v63  }
0x47: {  	_ =	swait.ge [sflag:s12], $0x80  }
0x48: {  	[sflag:s12] =	ssyncset.done $0x0  }
0x49: {  	[sflag:s12] =	ssyncadd.s32 $0xFFFFFF80  }
0x4a: {  	[tilespmem:s15], [sflag:$0x1] =	stream.indirect.gather [hbm4b:s4+s14], $0x80, s13, s14, $0xb8;
	[tilespmem:$0x1E900] =	vst v63  }
0x4b: {  	_ =	swait.ge [sflag:s21], $0x4000  }
0x4c: {  	[sflag:s21] =	ssyncset.done $0x0  }
0x4d: {  	s28 =	sadd.s32 $0x80, s28;
	[sflag:s21] =	ssyncadd.s32 $0xFFFFC000  }
0x4e: {  	[spmem:s2] =	stream.indirect.scatter.add.f32 [tilespmem:s18], [sflag:$0x3], $0x80, s28, s14, $0xb8;
	[tilespmem:$0x1E900] =	vst v63  }
0x4f: {  	_ =	swait.ge [sflag:s12], $0x4000  }
0x50: {  	[sflag:s12] =	ssyncset.done $0x0  }
.Ltmp0:
0x51: {  	s28 =	sadd.s32 $0x10, s26;
	[sflag:s12] =	ssyncadd.s32 $0xFFFFC000;
	(pc) =	sbr.rel @p0 .LBB2_2-.Ltmp0, $4  }
0x52: {  	[tilespmem:s17], [sflag:$0x3] =	stream.linear.gather [hbm4b:s28+s3], $0x80, $0x38;
	[tilespmem:$0x1E900] =	vst v63  }
0x53: {  	_ =	swait.ge [sflag:s12], $0x80  }
0x54: {  	[sflag:s12] =	ssyncset.done $0x0  }
0x55: {  	s26 =	sadd.s32 $0x20, s26;
	[sflag:s12] =	ssyncadd.s32 $0xFFFFFF80  }
0x56: {  	[tilespmem:s18], [sflag:$0x2] =	stream.indirect.gather [hbm4b:s4+s14], $0x80, s17, s14, $0xb8;
	[tilespmem:$0x1E900] =	vst v63  }
0x57: {  	_ =	swait.ge [sflag:s20], $0x4000  }
0x58: {  	[sflag:s20] =	ssyncset.done $0x0  }
0x59: {  	[sflag:s20] =	ssyncadd.s32 $0xFFFFC000  }
0x5a: {  	[spmem:s2] =	stream.indirect.scatter.add.f32 [tilespmem:s15], [sflag:$0x3], $0x80, s22, s14, $0xb8;
	[tilespmem:$0x1E900] =	vst v63  }
0x5b: {  	_ =	swait.ge [sflag:s12], $0x4000  }
0x5c: {  	[sflag:s12] =	ssyncset.done $0x0  }
0x5d: {  	[sflag:s12] =	ssyncadd.s32 $0xFFFFC000  }
0x5e: {  	_ =	swait.ge [sflag:s21], $0x4000  }
0x5f: {  	[sflag:s21] =	ssyncset.done $0x0  }
0x60: {  	[sflag:s21] =	ssyncadd.s32 $0xFFFFC000  }
0x61: {  	[spmem:s2] =	stream.indirect.scatter.add.f32 [tilespmem:s18], [sflag:$0x3], $0x80, s23, s14, $0xb8;
	[tilespmem:$0x1E900] =	vst v63  }
0x62: {  	_ =	swait.ge [sflag:s12], $0x4000  }
0x63: {  	s24 =	sadd.s32 $0x1, s24;
	[sflag:s12] =	ssyncset.done $0x0  }
0x64: {  	p0 =	sne.s32 s24, s10;
	[sflag:s12] =	ssyncadd.s32 $0xFFFFC000  }
.Ltmp1:
0x65: {  	[bflag:$0x0] =	sbarrier.arrive $0xFFFF;
	(pc) =	sbr.rel @p0 .LBB2_1-.Ltmp1, $4  }
0x66: {  	[hbm:s9], [sflag:s6] =	dma.local [spmem:s11], $0x2800  }
0x67: {  	_ =	swait.ge [sflag:s12], $0x2800  }
0x68: {  	[sflag:s12] =	ssyncset.done $0x0  }
0x69: {  	[sflag:s12] =	ssyncadd.s32 $0xFFFFD800  }
0x6a: {  	_ =	sfence.sel $0x180000  }
0x6b: {  	[bflag:$0x0] =	sbarrier.arrive $0xFFFF  }
0x6c: {  	p0 =	sne.s32 s0, $0x0;
	_ =	strace $0x90000050  }
0x6d: {  	s0 =	sadd.s32 @!p0 $0x100000, s1;
	[bflag:$0x2] =	sbarrier.arrive $0xFFFF  }
0x6e: {  	[sflag:s0] =	ssyncadd.tile.s32 @!p0 $0x1;
	_ =	shalt  }
.Lfunc_end2:
_tile_overlayer_lowered:
.L_overlay_start_2:
0x6f: {  	(tag) =	ssettag $0x2  }
0x70: {  	s0 =	rddreg [dreg:$0x0];
	s2 =	stileid.u32  }
0x71: {  	s1 =	rddreg [dreg:$0x1];
	p0 =	sne.s32 s2, $0x0  }
0x72: {  	s3 =	rddreg [dreg:$0x2];
	[bflag:$0x3] =	sbarrier.arrive $0xFFFF;
	s2 =	simm.s32 @!p0 $0x1C03  }
0x73: {  	[timem:s3], [sflag:s2] =	dma.local @!p0 [hbm:s0], s1  }
0x74: {  	s0 =	simm.s32 @!p0 $0x3  }
0x75: {  	_ =	swait.ge @!p0 [sflag:s0], s1  }
0x76: {  	s1 =	ssub.s32 @!p0 $0x0, s1;
	[sflag:s0] =	ssyncset.done @!p0 $0x0  }
0x77: {  	[sflag:s0] =	ssyncadd.s32 @!p0 s1  }
0x78: {  	[bflag:$0x3] =	sbarrier.arrive $0xFFFF  }
0x79: {  	_ =	shalt  }

// kernel: kernel.24.cloned.1.call-start
scs
__scs_entry_jumppad:
0x0: {  	(pc) =	sbr.rel $0x88, $3  }
0x1: {  	(tag) =	ssettag $0x0;
	lr =	simm.s32 $0x1  }
0x2: {  	[smem:$0x3F96] =	sst lr;
	_ =	strace $0xD0000000  }
0x3: {  	_ = 	snop  }
0x4: {  	_ = 	snop  }
0x5: {  	_ = 	snop  }
0x6: {  	_ = 	snop  }
0x7: {  	_ = 	snop  }
__scs_overlays_trampoline_lowered:
0x8: {  	[smem:$0x3FA5] =	sst s0  }
0x9: {  	[smem:$0x3FA6] =	sst s1  }
0xa: {  	[smem:$0x3FA7] =	sst s2  }
0xb: {  	[smem:$0x3FA8] =	sst s3  }
0xc: {  	[smem:$0x3FA9] =	sst s4  }
0xd: {  	[smem:$0x3FAA] =	sst s5  }
0xe: {  	[smem:$0x3FAB] =	sst s6  }
0xf: {  	[smem:$0x3FAC] =	sst s7  }
0x10: {  	[smem:$0x3FAD] =	sst s8  }
0x11: {  	[smem:$0x3FAE] =	sst s9;
	s0 =	simm.s32 @!p0 $0x0  }
0x12: {  	s1 =	sld [smem:$0x3F94];
	s0 =	simm.s32 @p0 $0x1  }
0x13: {  	[smem:$0x3FAF] =	sst s0;
	s0 =	simm.s32 @!p1 $0x0  }
0x14: {  	s2 =	sld [smem:$0x3F93];
	s0 =	simm.s32 @p1 $0x1  }
0x15: {  	[smem:$0x3FB0] =	sst s0;
	s0 =	simm.s32 @!p2 $0x0  }
0x16: {  	s3 =	sld [smem:$0x3FDB];
	s0 =	simm.s32 @p2 $0x1  }
0x17: {  	s4 =	simm.s32 $0x1BF5;
	[smem:$0x3FB2] =	sst s0  }
0x18: {  	s0 =	sld [smem:$0x3F95];
	_ =	swait.ge [sflag:s4], $0x0  }
0x19: {  	s7 =	sld [smem:$0x3F96]  }
0x1a: {  	s8 =	sadd.s32 $0xFFFFE003, lr  }
0x1b: {  	s9 =	sadd.s32 $0xFFFFFEF7, lr;
	s5 =	simm.s32 $0xFFFFFFFF;
	p2 =	slt.u32 s8, $0xFFFFF086  }
0x1c: {  	p1 =	slt.u32 s9, $0xF7A;
	s5 =	simm.s32 @!p2 $0x0  }
0x1d: {  	s5 =	simm.s32 @p1 $0x1;
	p0 =	seq.s32 s7, s2  }
0x1e: {  	s7 =	smul.u32 @!p0 $0xF7A, s2;
	p2 =	seq.s32 @!p0 s5, $0x0  }
0x1f: {  	s9 =	smul.u32 $0xF7A, s1;
	s8 =	simm.s32 @!p0 $0x1BF5;
	p2 =	por !p2, p0  }
0x20: {  	[sflag:s8] =	ssyncset.s32 @!p0 $0xFFFFF086;
	s6 =	sadd.s32 @!p0 s3, s7;
	s7 =	simm.s32 @!p0 $0x108  }
0x21: {  	s3 =	sadd.s32 s3, s9;
	s6 =	sadd.s32 @!p0 $0x88, s6;
	s7 =	simm.s32 @p2 $0x1082  }
0x22: {  	[simem:s7], [sflag:s8] =	dma.local @!p0 [hbm:s6], $0xF7A  }
0x23: {  	s9 =	sor.u32 $0xD0000000, s2;
	s6 =	simm.s32 $0x108;
	_ =	swait.ge @!p0 [sflag:s8], $0x0  }
0x24: {  	s3 =	sadd.s32 $0x88, s3;
	s6 =	simm.s32 @!p1 $0x1082;
	[sflag:s4] =	ssyncset.s32 $0xFFFFF086  }
0x25: {  	[simem:s6], [sflag:s4] =	dma.local [hbm:s3], $0xF7A  }
0x26: {  	[smem:$0x3F96] =	sst s1;
	(tag) =	ssettag s2;
	_ =	strace s9  }
0x27: {  	s1 =	sld [smem:$0x3FA6]  }
0x28: {  	s2 =	sld [smem:$0x3FA7]  }
0x29: {  	s4 =	sld [smem:$0x3FA9]  }
0x2a: {  	p0 =	seq.s32 s5, $0x0;
	s5 =	sld [smem:$0x3FAA]  }
0x2b: {  	s6 =	sld [smem:$0x3FAB]  }
0x2c: {  	s7 =	sld [smem:$0x3FAC]  }
0x2d: {  	s3 =	simm.s32 $0x108;
	s8 =	sld [smem:$0x3FAD]  }
0x2e: {  	s3 =	simm.s32 @!p0 $0x1082;
	s9 =	sld [smem:$0x3FAE]  }
0x2f: {  	lr =	sadd.s32 s0, s3;
	s0 =	sld [smem:$0x3FA5]  }
0x30: {  	s3 =	sld [smem:$0x3FA8]  }
0x31: {  	[smem:$0x3FB1] =	sst s10  }
0x32: {  	s10 =	sld [smem:$0x3FAF];
	_ =	sdelay $0x3  }
0x33: {  	p0 =	seq.s32 s10, $0x1;
	s10 =	sld [smem:$0x3FB1];
	_ =	sdelay $0x3  }
0x34: {  	[smem:$0x3FB1] =	sst s10  }
0x35: {  	s10 =	sld [smem:$0x3FB0];
	_ =	sdelay $0x3  }
0x36: {  	p1 =	seq.s32 s10, $0x1;
	s10 =	sld [smem:$0x3FB1];
	_ =	sdelay $0x3  }
0x37: {  	[smem:$0x3FB1] =	sst s10  }
0x38: {  	s10 =	sld [smem:$0x3FB2]  }
0x39: {  	_ = 	snop;
	(pc) =	sbr.ind lr, $3  }
0x3a: {  	_ = 	snop  }
0x3b: {  	_ = 	snop  }
0x3c: {  	p2 =	seq.s32 s10, $0x1;
	s10 =	sld [smem:$0x3FB1]  }
0x3d: {  	_ =	shalt  }
0x3e: {  	_ =	shalt  }
0x3f: {  	_ =	shalt  }
0x40: {  	_ =	shalt  }
0x41: {  	_ =	shalt  }
0x42: {  	_ =	shalt  }
0x43: {  	_ =	shalt  }
0x44: {  	_ =	shalt  }
0x45: {  	_ =	shalt  }
0x46: {  	_ =	shalt  }
0x47: {  	_ =	shalt  }
0x48: {  	_ =	shalt  }
0x49: {  	_ =	shalt  }
0x4a: {  	_ =	shalt  }
0x4b: {  	_ =	shalt  }
0x4c: {  	_ =	shalt  }
0x4d: {  	_ =	shalt  }
0x4e: {  	_ =	shalt  }
0x4f: {  	_ =	shalt  }
0x50: {  	_ =	shalt  }
0x51: {  	_ =	shalt  }
0x52: {  	_ =	shalt  }
0x53: {  	_ =	shalt  }
0x54: {  	_ =	shalt  }
0x55: {  	_ =	shalt  }
0x56: {  	_ =	shalt  }
0x57: {  	_ =	shalt  }
0x58: {  	_ =	shalt  }
0x59: {  	_ =	shalt  }
0x5a: {  	_ =	shalt  }
0x5b: {  	_ =	shalt  }
0x5c: {  	_ =	shalt  }
0x5d: {  	_ =	shalt  }
0x5e: {  	_ =	shalt  }
0x5f: {  	_ =	shalt  }
0x60: {  	_ =	shalt  }
0x61: {  	_ =	shalt  }
0x62: {  	_ =	shalt  }
0x63: {  	_ =	shalt  }
0x64: {  	_ =	shalt  }
0x65: {  	_ =	shalt  }
0x66: {  	_ =	shalt  }
0x67: {  	_ =	shalt  }
0x68: {  	_ =	shalt  }
0x69: {  	_ =	shalt  }
0x6a: {  	_ =	shalt  }
0x6b: {  	_ =	shalt  }
0x6c: {  	_ =	shalt  }
0x6d: {  	_ =	shalt  }
0x6e: {  	_ =	shalt  }
0x6f: {  	_ =	shalt  }
0x70: {  	_ =	shalt  }
0x71: {  	_ =	shalt  }
0x72: {  	_ =	shalt  }
0x73: {  	_ =	shalt  }
0x74: {  	_ =	shalt  }
0x75: {  	_ =	shalt  }
0x76: {  	_ =	shalt  }
0x77: {  	_ =	shalt  }
0x78: {  	_ =	shalt  }
0x79: {  	_ =	shalt  }
0x7a: {  	_ =	shalt  }
0x7b: {  	_ =	shalt  }
0x7c: {  	_ =	shalt  }
0x7d: {  	_ =	shalt  }
0x7e: {  	_ =	shalt  }
0x7f: {  	_ =	shalt  }
0x80: {  	_ =	shalt  }
0x81: {  	_ =	shalt  }
0x82: {  	_ =	shalt  }
0x83: {  	_ =	shalt  }
0x84: {  	_ =	shalt  }
0x85: {  	_ =	shalt  }
0x86: {  	_ =	shalt  }
0x87: {  	_ =	shalt  }
.Lfunc_end0:
.L_simem_size_0:
called_computation.4_lowered:
.L_overlay_start_0:
0x88: {  	s2 =	sld [smem:$0x3FD9]  }
0x89: {  	s3 =	sld [smem:$0x3FFE];
	_ =	sdelay $0x1  }
0x8a: {  	s1 =	srdreg.scid  }
0x8b: {  	s0 =	sand.u32 $0x1, s1  }
0x8c: {  	s17 =	sshll.u32 s0, $0xA;
	s2 =	sadd.s32 s3, s2  }
0x8d: {  	s2 =	sadd.s32 s2, s17  }
0x8e: {  	[smem:$0x3FBD] =	sst s2  }
0x8f: {  	_ = 	snop  }
0x90: {  	s2 =	sld [smem:$0x3FD0];
	(tm) =	ssettm $0x1  }
0x91: {  	s18 =	sld [smem:$0x3FFB];
	_ =	sdelay $0x3  }
0x92: {  	_ =	strace s18  }
0x93: {  	s3 =	sld [smem:$0x3FFC];
	_ =	sdelay $0x3  }
0x94: {  	_ =	strace s3  }
0x95: {  	s3 =	sld [smem:$0x3FFD];
	_ =	sdelay $0x3  }
0x96: {  	_ =	strace s3  }
0x97: {  	_ =	strace $0x8FFFFFFF  }
0x98: {  	s19 =	sld [smem:$0x3FDB];
	_ =	sdelay $0x1  }
0x99: {  	s4 =	simm.s32 $_scs_section_size  }
0x9a: {  	s5 =	simm.s32 $_size__tile_overlayer_lowered;
	s6 =	simm.s32 $_tile_overlayer_lowered  }
0x9b: {  	s22 =	simm.s32 $0x1BFF;
	s21 =	sshll.u32 s6, $0x1;
	s3 =	sadd.s32 s4, s19  }
0x9c: {  	s7 =	simm.s32 $0x0;
	s20 =	sshll.u32 s5, $0x1;
	s5 =	sadd.s32 s21, s3  }
0x9d: {  	[timem:s7], [sflag:s22] =	dma.local [hbm:s5], s20  }
0x9e: {  	_ =	swait.ge [sflag:s22], s20  }
0x9f: {  	s4 =	ssub.s32 $0x0, s20;
	[sflag:s22] =	ssyncset.done $0x0  }
0xa0: {  	[sflag:s22] =	ssyncadd.s32 s4;
	_ =	sdelay $0x1  }
0xa1: {  	s23 =	simm.s32 $0x1B8B  }
0xa2: {  	_ =	swait.ge [sflag:s23], $0x1  }
0xa3: {  	[sflag:s23] =	ssyncset.done $0x0  }
0xa4: {  	s25 =	simm.s32 $0x1B8E;
	s24 =	sld [smem:$0x3FFE];
	[sflag:s23] =	ssyncadd.s32 $0xFFFFFFFF  }
0xa5: {  	s26 =	simm.s32 $execute0_lowered;
	[smem:$0x3FD2] =	sst s25  }
0xa6: {  	s5 =	sshll.u32 s26, $0x1;
	_ =	strace $0x80000052;
	[dreg:$0x1] =	wrdreg $0xFFFFFFFF  }
0xa7: {  	s28 =	simm.s32 $_size_execute0_lowered;
	s3 =	sadd.s32 s3, s5;
	[dreg:$0x0] =	wrdreg $0x0  }
0xa8: {  	s5 =	sshll.u32 s28, $0x1;
	[dreg:$0x2] =	wrdreg s3  }
0xa9: {  	[dreg:$0x3] =	wrdreg s5  }
0xaa: {  	[dreg:$0x4] =	wrdreg $0xC0  }
0xab: {  	_ =	task [dreg:s7], $0x5FFFF  }
0xac: {  	[dreg:$0x1] =	wrdreg $0xFFFFFFFF  }
0xad: {  	[dreg:$0x0] =	wrdreg $0x60  }
0xae: {  	[dreg:$0x2] =	wrdreg s24  }
0xaf: {  	[dreg:$0x3] =	wrdreg s2  }
0xb0: {  	[dreg:$0x4] =	wrdreg $0xA9000  }
0xb1: {  	[dreg:$0x5] =	wrdreg $0x9  }
0xb2: {  	_ =	task.clear_ibuf [dreg:s7], $0x6FFFF;
	_ =	strace $0x90000052  }
0xb3: {  	s29 =	simm.s32 $0x9;
	_ =	strace $0x80000054  }
0xb4: {  	_ =	swait.ge [sflag:s29], $0x1  }
0xb5: {  	[sflag:s29] =	ssyncadd.s32 $0xFFFFFFFF  }
0xb6: {  	_ =	strace $0x90000054  }
0xb7: {  	_ =	sfence  }
0xb8: {  	s30 =	sld [smem:$0x0];
	_ =	sdelay $0x2  }
0xb9: {  	s31 =	sshll.u32 s1, $0xD;
	s1 =	sshrl.u32 s1, $0x2  }
0xba: {  	s3 =	sand.u32 $0x4000, s31;
	s1 =	sadd.s32 s1, s30  }
0xbb: {  	s0 =	sor.u32 s3, s0;
	s1 =	sshll.u32 s1, $0x11  }
0xbc: {  	s0 =	sor.u32 s1, s0  }
0xbd: {  	s0 =	sadd.s32 $0x8F2B, s0  }
0xbe: {  	[sflag:s0] =	ssyncadd.remote.s32 $0x1  }
0xbf: {  	_ =	sfence.sel $0xFFFF  }
0xc0: {  	[dreg:$0x0] =	wrdreg $0xFFFFFFFF;
	(pc) =	sbr.abs _section_cstart, $3  }
0xc1: {  	[dreg:$0x1] =	wrdreg $0xFFFFFFFF  }
0xc2: {  	_ =	task.clear_ibuf [dreg:s7], $0x2FFFF;
	_ =	strace $0x9FFFFFFF  }
0xc3: {  	(tm) =	ssettm $0x7FFFFFFF  }
tec
execute0_lowered:
.L_overlay_start_1:
0x0: {  	(tag) =	ssettag $0x1  }
0x1: {  	s5 =	rddreg [dreg:$0x0]  }
0x2: {  	s1 =	srdreg.scid;
	s7 =	rddreg [dreg:$0x1]  }
0x3: {  	s0 =	stileid.u32;
	s2 =	rddreg [dreg:$0x2]  }
0x4: {  	s3 =	simm.s32 $0x0;
	s14 =	simm.s32 $0x80;
	s15 =	simm.s32 $0x2900  }
0x5: {  	s17 =	simm.s32 $0x2880;
	s18 =	simm.s32 $0x6900;
	s20 =	simm.s32 $0x1  }
0x6: {  	s21 =	simm.s32 $0x2;
	s22 =	simm.s32 $0x2700;
	s23 =	simm.s32 $0x2780  }
0x7: {  	s24 =	simm.s32 $0x0;
	s6 =	sand.u32 $0x1, s1;
	s9 =	smul.u32 $0x2800, s0  }
0x8: {  	s28 =	sshll.u32 s0, $0x1;
	[smem:$0x7FF] =	sst s3;
	s12 =	smul.u32 $0x50000, s0  }
0x9: {  	s4 =	sadd.s32 $0xFE00, s5;
	s1 =	sor.u32 s6, s28;
	s10 =	smul.u32 $0x28000, s6  }
0xa: {  	s31 =	sshll.u32 s0, $0x6;
	s6 =	ssub.s32 $0x2, s6;
	s8 =	smul.u32 $0x500, s1  }
0xb: {  	s1 =	rddreg [dreg:$0x3];
	_ =	strace $0x80000053;
	s29 =	sshrl.u32 s6, $0x1  }
0xc: {  	s30 =	sshrl.u32 s12, $0x2;
	s10 =	sadd.s32 s9, s10;
	s9 =	sadd.s32 s9, s5  }
0xd: {  	s13 =	ssub.s32 s6, s29;
	s12 =	sadd.s32 s30, s2;
	s6 =	sor.u32 $0x1C03, s31  }
0xe: {  	s11 =	sadd.s32 s8, s5;
	s10 =	sadd.s32 s10, s5;
	s5 =	sadd.s32 $0xAFE00, s9  }
0xf: {  	s7 =	sadd.s32 s7, s8;
	s8 =	sadd.s32 $0x5E00, s11;
	s9 =	sadd.s32 $0xD7E00, s10  }
0x10: {  	s10 =	smax.u32 s13, $0x1;
	s11 =	sshrl.u32 s12, $0x3;
	s12 =	simm.s32 $0x3  }
0x11: {  	s13 =	simm.s32 $0x2800;
	s16 =	sadd.s32 $0x10, s8;
	s19 =	sadd.s32 $0x20, s8  }
.LBB2_1:
0x12: {  	[spmem:s11], [sflag:s6] =	dma.local [hbm:s5], $0x2800  }
0x13: {  	_ =	swait.ge [sflag:s12], $0x2800  }
0x14: {  	[sflag:s12] =	ssyncset.done $0x0  }
0x15: {  	[sflag:s12] =	ssyncadd.s32 $0xFFFFD800  }
0x16: {  	[tilespmem:s3], [sflag:$0x3] =	stream.linear.gather [hbm4b:s7+s3], $0x2800, $0x38;
	[tilespmem:$0x1E900] =	vst v63  }
0x17: {  	_ =	swait.ge [sflag:s12], $0x2800  }
0x18: {  	[sflag:s12] =	ssyncset.done $0x0  }
0x19: {  	[sflag:s12] =	ssyncadd.s32 $0xFFFFD800  }
0x1a: {  	[tilespmem:s13], [sflag:$0x3] =	stream.linear.gather [hbm4b:s8+s3], $0x80, $0x38;
	[tilespmem:$0x1E900] =	vst v63  }
0x1b: {  	_ =	swait.ge [sflag:s12], $0x80  }
0x1c: {  	[sflag:s12] =	ssyncset.done $0x0  }
0x1d: {  	[sflag:s12] =	ssyncadd.s32 $0xFFFFFF80  }
0x1e: {  	[bflag:$0x0] =	sbarrier.arrive $0xFFFF  }
0x1f: {  	[tilespmem:s15], [sflag:$0x1] =	stream.indirect.gather [hbm4b:s4+s14], $0x80, s13, s14, $0xb8;
	[tilespmem:$0x1E900] =	vst v63  }
0x20: {  	_ = 	snop  }
0x21: {  	[tilespmem:s17], [sflag:$0x3] =	stream.linear.gather [hbm4b:s16+s3], $0x80, $0x38;
	[tilespmem:$0x1E900] =	vst v63  }
0x22: {  	_ =	swait.ge [sflag:s12], $0x80  }
0x23: {  	[sflag:s12] =	ssyncset.done $0x0  }
0x24: {  	[sflag:s12] =	ssyncadd.s32 $0xFFFFFF80  }
0x25: {  	[tilespmem:s18], [sflag:$0x2] =	stream.indirect.gather [hbm4b:s4+s14], $0x80, s17, s14, $0xb8;
	[tilespmem:$0x1E900] =	vst v63  }
0x26: {  	_ =	swait.ge [sflag:s20], $0x4000  }
0x27: {  	[sflag:s20] =	ssyncset.done $0x0  }
0x28: {  	s25 =	simm.s32 $0x0;
	[sflag:s20] =	ssyncadd.s32 $0xFFFFC000  }
0x29: {  	[spmem:s2] =	stream.indirect.scatter.add.f32 [tilespmem:s15], [sflag:$0x3], $0x80, s25, s14, $0xb8;
	[tilespmem:$0x1E900] =	vst v63  }
0x2a: {  	_ =	swait.ge [sflag:s12], $0x4000  }
0x2b: {  	[sflag:s12] =	ssyncset.done $0x0  }
0x2c: {  	[sflag:s12] =	ssyncadd.s32 $0xFFFFC000  }
0x2d: {  	[tilespmem:s13], [sflag:$0x3] =	stream.linear.gather [hbm4b:s19+s3], $0x80, $0x38;
	[tilespmem:$0x1E900] =	vst v63  }
0x2e: {  	_ =	swait.ge [sflag:s12], $0x80  }
0x2f: {  	[sflag:s12] =	ssyncset.done $0x0  }
0x30: {  	[sflag:s12] =	ssyncadd.s32 $0xFFFFFF80  }
0x31: {  	[tilespmem:s15], [sflag:$0x1] =	stream.indirect.gather [hbm4b:s4+s14], $0x80, s13, s14, $0xb8;
	[tilespmem:$0x1E900] =	vst v63  }
0x32: {  	_ =	swait.ge [sflag:s21], $0x4000  }
0x33: {  	[sflag:s21] =	ssyncset.done $0x0  }
0x34: {  	s30 =	simm.s32 $0x80;
	[sflag:s21] =	ssyncadd.s32 $0xFFFFC000  }
0x35: {  	[spmem:s2] =	stream.indirect.scatter.add.f32 [tilespmem:s18], [sflag:$0x3], $0x80, s30, s14, $0xb8;
	[tilespmem:$0x1E900] =	vst v63  }
0x36: {  	_ =	swait.ge [sflag:s12], $0x4000  }
0x37: {  	[sflag:s12] =	ssyncset.done $0x0  }
0x38: {  	s31 =	sadd.s32 $0x10, s19;
	[sflag:s12] =	ssyncadd.s32 $0xFFFFC000  }
0x39: {  	[tilespmem:s17], [sflag:$0x3] =	stream.linear.gather [hbm4b:s31+s3], $0x80, $0x38;
	[tilespmem:$0x1E900] =	vst v63  }
0x3a: {  	_ =	swait.ge [sflag:s12], $0x80  }
0x3b: {  	[sflag:s12] =	ssyncset.done $0x0  }
0x3c: {  	s26 =	sadd.s32 $0x20, s19;
	s25 =	simm.s32 $0x400;
	[sflag:s12] =	ssyncadd.s32 $0xFFFFFF80  }
.LBB2_2:
0x3d: {  	[tilespmem:s18], [sflag:$0x2] =	stream.indirect.gather [hbm4b:s4+s14], $0x80, s17, s14, $0xb8;
	[tilespmem:$0x1E900] =	vst v63  }
0x3e: {  	s28 =	smov.u32 s25  }
0x3f: {  	p0 =	sne.s32 s25, $0x9800;
	s25 =	sadd.s32 $0x400, s25;
	_ =	swait.ge [sflag:s20], $0x4000  }
0x40: {  	[sflag:s20] =	ssyncset.done $0x0  }
0x41: {  	s28 =	sshra.s32 s28, $0x2;
	[sflag:s20] =	ssyncadd.s32 $0xFFFFC000  }
0x42: {  	[spmem:s2] =	stream.indirect.scatter.add.f32 [tilespmem:s15], [sflag:$0x3], $0x80, s28, s14, $0xb8;
	[tilespmem:$0x1E900] =	vst v63  }
0x43: {  	_ =	swait.ge [sflag:s12], $0x4000  }
0x44: {  	[sflag:s12] =	ssyncset.done $0x0  }
0x45: {  	[sflag:s12] =	ssyncadd.s32 $0xFFFFC000  }
0x46: {  	[tilespmem:s13], [sflag:$0x3] =	stream.linear.gather [hbm4b:s26+s3], $0x80, $0x38;
	[tilespmem:$0x1E900] =	vst v63  }
0x47: {  	_ =	swait.ge [sflag:s12], $0x80  }
0x48: {  	[sflag:s12] =	ssyncset.done $0x0  }
0x49: {  	[sflag:s12] =	ssyncadd.s32 $0xFFFFFF80  }
0x4a: {  	[tilespmem:s15], [sflag:$0x1] =	stream.indirect.gather [hbm4b:s4+s14], $0x80, s13, s14, $0xb8;
	[tilespmem:$0x1E900] =	vst v63  }
0x4b: {  	_ =	swait.ge [sflag:s21], $0x4000  }
0x4c: {  	[sflag:s21] =	ssyncset.done $0x0  }
0x4d: {  	s28 =	sadd.s32 $0x80, s28;
	[sflag:s21] =	ssyncadd.s32 $0xFFFFC000  }
0x4e: {  	[spmem:s2] =	stream.indirect.scatter.add.f32 [tilespmem:s18], [sflag:$0x3], $0x80, s28, s14, $0xb8;
	[tilespmem:$0x1E900] =	vst v63  }
0x4f: {  	_ =	swait.ge [sflag:s12], $0x4000  }
0x50: {  	[sflag:s12] =	ssyncset.done $0x0  }
.Ltmp0:
0x51: {  	s28 =	sadd.s32 $0x10, s26;
	[sflag:s12] =	ssyncadd.s32 $0xFFFFC000;
	(pc) =	sbr.rel @p0 .LBB2_2-.Ltmp0, $4  }
0x52: {  	[tilespmem:s17], [sflag:$0x3] =	stream.linear.gather [hbm4b:s28+s3], $0x80, $0x38;
	[tilespmem:$0x1E900] =	vst v63  }
0x53: {  	_ =	swait.ge [sflag:s12], $0x80  }
0x54: {  	[sflag:s12] =	ssyncset.done $0x0  }
0x55: {  	s26 =	sadd.s32 $0x20, s26;
	[sflag:s12] =	ssyncadd.s32 $0xFFFFFF80  }
0x56: {  	[tilespmem:s18], [sflag:$0x2] =	stream.indirect.gather [hbm4b:s4+s14], $0x80, s17, s14, $0xb8;
	[tilespmem:$0x1E900] =	vst v63  }
0x57: {  	_ =	swait.ge [sflag:s20], $0x4000  }
0x58: {  	[sflag:s20] =	ssyncset.done $0x0  }
0x59: {  	[sflag:s20] =	ssyncadd.s32 $0xFFFFC000  }
0x5a: {  	[spmem:s2] =	stream.indirect.scatter.add.f32 [tilespmem:s15], [sflag:$0x3], $0x80, s22, s14, $0xb8;
	[tilespmem:$0x1E900] =	vst v63  }
0x5b: {  	_ =	swait.ge [sflag:s12], $0x4000  }
0x5c: {  	[sflag:s12] =	ssyncset.done $0x0  }
0x5d: {  	[sflag:s12] =	ssyncadd.s32 $0xFFFFC000  }
0x5e: {  	_ =	swait.ge [sflag:s21], $0x4000  }
0x5f: {  	[sflag:s21] =	ssyncset.done $0x0  }
0x60: {  	[sflag:s21] =	ssyncadd.s32 $0xFFFFC000  }
0x61: {  	[spmem:s2] =	stream.indirect.scatter.add.f32 [tilespmem:s18], [sflag:$0x3], $0x80, s23, s14, $0xb8;
	[tilespmem:$0x1E900] =	vst v63  }
0x62: {  	_ =	swait.ge [sflag:s12], $0x4000  }
0x63: {  	s24 =	sadd.s32 $0x1, s24;
	[sflag:s12] =	ssyncset.done $0x0  }
0x64: {  	p0 =	sne.s32 s24, s10;
	[sflag:s12] =	ssyncadd.s32 $0xFFFFC000  }
.Ltmp1:
0x65: {  	[bflag:$0x0] =	sbarrier.arrive $0xFFFF;
	(pc) =	sbr.rel @p0 .LBB2_1-.Ltmp1, $4  }
0x66: {  	[hbm:s9], [sflag:s6] =	dma.local [spmem:s11], $0x2800  }
0x67: {  	_ =	swait.ge [sflag:s12], $0x2800  }
0x68: {  	[sflag:s12] =	ssyncset.done $0x0  }
0x69: {  	[sflag:s12] =	ssyncadd.s32 $0xFFFFD800  }
0x6a: {  	_ =	sfence.sel $0x180000  }
0x6b: {  	[bflag:$0x0] =	sbarrier.arrive $0xFFFF  }
0x6c: {  	p0 =	sne.s32 s0, $0x0;
	_ =	strace $0x90000053  }
0x6d: {  	s0 =	sadd.s32 @!p0 $0x100000, s1;
	[bflag:$0x2] =	sbarrier.arrive $0xFFFF  }
0x6e: {  	[sflag:s0] =	ssyncadd.tile.s32 @!p0 $0x1;
	_ =	shalt  }
.Lfunc_end2:
_tile_overlayer_lowered:
.L_overlay_start_2:
0x6f: {  	(tag) =	ssettag $0x2  }
0x70: {  	s0 =	rddreg [dreg:$0x0];
	s2 =	stileid.u32  }
0x71: {  	s1 =	rddreg [dreg:$0x1];
	p0 =	sne.s32 s2, $0x0  }
0x72: {  	s3 =	rddreg [dreg:$0x2];
	[bflag:$0x3] =	sbarrier.arrive $0xFFFF;
	s2 =	simm.s32 @!p0 $0x1C03  }
0x73: {  	[timem:s3], [sflag:s2] =	dma.local @!p0 [hbm:s0], s1  }
0x74: {  	s0 =	simm.s32 @!p0 $0x3  }
0x75: {  	_ =	swait.ge @!p0 [sflag:s0], s1  }
0x76: {  	s1 =	ssub.s32 @!p0 $0x0, s1;
	[sflag:s0] =	ssyncset.done @!p0 $0x0  }
0x77: {  	[sflag:s0] =	ssyncadd.s32 @!p0 s1  }
0x78: {  	[bflag:$0x3] =	sbarrier.arrive $0xFFFF  }
0x79: {  	_ =	shalt  }

</sc_bundles>
